<compile_context>
chip_gen: v7x
topology: tpu7x:2x2x1
jax: 0.10.2.dev20260603
libtpu: 0.0.44.dev20260713+nightly
codegen_flags: <defaults>
</compile_context>

<pallas_src>
import functools

import jax
import jax.numpy as jnp
from jax import lax
from jax.experimental import pallas as pl
from jax.experimental.pallas import tpu as pltpu
from jax.experimental.pallas import tpu_sc as plsc

B, MAXN, F, H, T, E, L = 16, 625, 128, 128, 8, 320000, 2
N = B * MAXN
PHID = 64

NC, NS = 2, 16
NW = NC * NS
GLEN = 64
RD = 4
GTOT = 327680 // GLEN
GP0 = 288
GP1 = 32
SCH = 16
EPAD = GTOT * GLEN
NROWS_PER_TILE = 632
NP = NS * NROWS_PER_TILE

_f32 = jnp.float32


def _hin_body(nf_ref, w_ref, b_ref, out_ref):
    out_ref[...] = jnp.tanh(
        jnp.dot(nf_ref[...], w_ref[...], preferred_element_type=_f32)
        + b_ref[...])


def _hin(nf, w, b):
    blk = 1000
    return pl.pallas_call(
        _hin_body,
        grid=(N // blk,),
        in_specs=[
            pl.BlockSpec((blk, F), lambda i: (i, 0)),
            pl.BlockSpec((F, H), lambda i: (0, 0)),
            pl.BlockSpec((1, H), lambda i: (0, 0)),
        ],
        out_specs=pl.BlockSpec((blk, H), lambda i: (i, 0)),
        out_shape=jax.ShapeDtypeStruct((N, H), _f32),
    )(nf, w, b)


def _expand_body(h_ref, w_ref, b_ref, out_ref):
    out_ref[...] = (
        jnp.dot(h_ref[...], w_ref[...], preferred_element_type=_f32)
        + b_ref[0])


def _expand(h, w_flat, b):
    blk = 1000
    nb = N // blk
    return pl.pallas_call(
        _expand_body,
        grid=(nb, T),
        in_specs=[
            pl.BlockSpec((blk, H), lambda i, t: (i, 0)),
            pl.BlockSpec((H, H), lambda i, t: (t, 0)),
            pl.BlockSpec((1, 1, H), lambda i, t: (t, 0, 0)),
        ],
        out_specs=pl.BlockSpec((blk, H), lambda i, t: (t * nb + i, 0)),
        out_shape=jax.ShapeDtypeStruct((T * N, H), _f32),
    )(h, w_flat, b)


def _edge_agg_body(table, gidx, dst, out, idx_v, dst_v, *rest):
    bufs = rest[:RD]
    sems = rest[RD:2 * RD]
    agg_sh = rest[2 * RD]
    c = lax.axis_index("c")
    s = lax.axis_index("s")
    base_g = jnp.where(c == 0, s * GP0, NS * GP0 + s * GP1)
    nchunks = jnp.where(c == 0, GP0 // SCH, GP1 // SCH)

    zv = jnp.zeros((16,), _f32)

    def zrow(i, carry):
        for k in range(H // 16):
            bufs[0][i, pl.ds(k * 16, 16)] = zv
        return carry

    lax.fori_loop(0, GLEN, zrow, 0)
    nrep = NROWS_PER_TILE // GLEN
    tail = NROWS_PER_TILE - nrep * GLEN

    def zcopy(k, carry):
        pltpu.sync_copy(
            bufs[0],
            agg_sh.at[pl.ds(s * NROWS_PER_TILE + k * GLEN, GLEN)])
        return carry

    lax.fori_loop(0, nrep, zcopy, 0)
    pltpu.sync_copy(
        bufs[0].at[pl.ds(0, tail)],
        agg_sh.at[pl.ds(s * NROWS_PER_TILE + nrep * GLEN, tail)])
    plsc.subcore_barrier()

    def chunk_body(ci, carry):
        pltpu.sync_copy(gidx.at[pl.ds(base_g + ci * SCH, SCH)], idx_v)
        pltpu.sync_copy(dst.at[pl.ds(base_g + ci * SCH, SCH)], dst_v)
        for b in range(RD):
            pltpu.async_copy(table.at[idx_v.at[b]], bufs[b], sems[b])

        def body(g, carry2):
            for b in range(RD):
                j = RD * g + b
                pltpu.make_async_copy(
                    table.at[idx_v.at[j]], bufs[b], sems[b]).wait()
                pltpu.sync_copy(bufs[b], agg_sh.at[dst_v.at[j]], add=True)

                @pl.when(j + RD < SCH)
                def _():
                    pltpu.async_copy(
                        table.at[idx_v.at[j + RD]], bufs[b], sems[b])
            return carry2

        lax.fori_loop(0, SCH // RD, body, 0)
        return carry

    lax.fori_loop(0, nchunks, chunk_body, 0)
    plsc.subcore_barrier()
    pltpu.sync_copy(agg_sh.at[pl.ds(s * NROWS_PER_TILE, NROWS_PER_TILE)],
                    out.at[c, pl.ds(s * NROWS_PER_TILE, NROWS_PER_TILE)])


_edge_agg = functools.partial(
    pl.kernel,
    out_type=jax.ShapeDtypeStruct((NC, NP, H), _f32),
    mesh=plsc.VectorSubcoreMesh(
        core_axis_name="c", subcore_axis_name="s",
        num_cores=NC, num_subcores=NS),
    scratch_types=[
        pltpu.VMEM((SCH, GLEN), jnp.int32),
        pltpu.VMEM((SCH, GLEN), jnp.int32),
    ]
    + [pltpu.VMEM((GLEN, H), _f32) for _ in range(RD)]
    + [pltpu.SemaphoreType.DMA for _ in range(RD)]
    + [pltpu.VMEM_SHARED((NP, H), _f32)],
)(_edge_agg_body)


def _gru_body(*refs):
    (h_ref, wz_ref, uz_ref, bz_ref, wr_ref, ur_ref,
     br_ref, wn_ref, un_ref, bn_ref, out_ref) = refs[NC:]
    agg = refs[0][...]
    for p in refs[1:NC]:
        agg = agg + p[...]
    h = h_ref[...]
    dot = lambda a, b: jnp.dot(a, b[...], preferred_element_type=_f32)
    z = jax.nn.sigmoid(dot(agg, wz_ref) + dot(h, uz_ref) + bz_ref[...])
    r = jax.nn.sigmoid(dot(agg, wr_ref) + dot(h, ur_ref) + br_ref[...])
    cand = jnp.tanh(dot(agg, wn_ref) + r * dot(h, un_ref) + bn_ref[...])
    out_ref[...] = (1.0 - z) * cand + z * h


def _gru(parts, h, wz, uz, bz, wr, ur, br, wn, un, bn):
    blk = 1000
    row = pl.BlockSpec((blk, H), lambda i: (i, 0))
    mat = pl.BlockSpec((H, H), lambda i: (0, 0))
    vec = pl.BlockSpec((1, H), lambda i: (0, 0))
    return pl.pallas_call(
        _gru_body,
        grid=(N // blk,),
        in_specs=[row] * NC
        + [row, mat, mat, vec, mat, mat, vec, mat, mat, vec],
        out_specs=row,
        out_shape=jax.ShapeDtypeStruct((N, H), _f32),
    )(*parts, h, wz, uz, bz, wr, ur, br, wn, un, bn)


def _head_body(hb_ref, nn_ref, inh_ref, wp1a_ref, wp1b_ref, bp1_ref,
               wp2_ref, bp2_ref, wprob_ref, bprob_ref, wconf_ref, bconf_ref,
               wc1_ref, bc1_ref, wc2_ref, bc2_ref,
               logits_ref, prob_ref, conf_ref, upper_ref, lower_ref):
    hb = hb_ref[...]
    nn = nn_ref[...]
    iota = lax.broadcasted_iota(jnp.int32, (B, MAXN), 1)
    mask = (iota < nn).astype(_f32)
    denom = jnp.maximum(jnp.sum(mask, axis=1, keepdims=True), 1.0)
    lower = jnp.sum(hb * mask[:, :, None], axis=1) / denom
    dot = lambda a, b: jnp.dot(a, b[...], preferred_element_type=_f32)
    hp = jax.nn.relu(dot(inh_ref[...], wp1a_ref) + dot(lower, wp1b_ref)
                     + bp1_ref[...])
    hp = jax.nn.relu(dot(hp, wp2_ref) + bp2_ref[...])
    prob = jax.nn.sigmoid(dot(hp, wprob_ref) + bprob_ref[...])
    conf = jax.nn.sigmoid(dot(hp, wconf_ref) + bconf_ref[...])
    hc = jax.nn.relu(dot(lower, wc1_ref) + bc1_ref[...])
    logits_ref[...] = jax.nn.sigmoid(dot(hc, wc2_ref) + bc2_ref[...])
    prob_ref[...] = prob
    conf_ref[...] = conf
    upper_ref[...] = (prob >= 0.5).astype(_f32)
    lower_ref[...] = lower


def _heads(hb, nn, inh, wp1a, wp1b, bp1, wp2, bp2, wprob, bprob, wconf, bconf,
           wc1, bc1, wc2, bc2):
    args = (hb, nn, inh, wp1a, wp1b, bp1, wp2, bp2, wprob, bprob, wconf,
            bconf, wc1, bc1, wc2, bc2)
    return pl.pallas_call(
        _head_body,
        out_shape=[
            jax.ShapeDtypeStruct((B, 1), _f32),
            jax.ShapeDtypeStruct((B, 1), _f32),
            jax.ShapeDtypeStruct((B, 1), _f32),
            jax.ShapeDtypeStruct((B, 1), _f32),
            jax.ShapeDtypeStruct((B, H), _f32),
        ],
    )(*args)


def kernel(node_features, edge_index, edge_type, num_nodes,
           inheritance_features, W_in, b_in, W_msg, b_msg, Wz, Uz, bz,
           Wr, Ur, br, Wn, Un, bn, Wp1, bp1, Wp2, bp2, Wprob, bprob,
           Wconf, bconf, Wc1, bc1, Wc2, bc2):
    nf = node_features.reshape(N, F)
    h = _hin(nf, W_in, b_in.reshape(1, H))

    src = edge_index[0]
    dst = edge_index[1]
    pad = EPAD - E
    gidx = (edge_type * N + src).astype(jnp.int32)
    gidx_p = jnp.concatenate(
        [gidx, jnp.zeros((pad,), jnp.int32)]).reshape(EPAD // GLEN, GLEN)
    dst_p = jnp.concatenate(
        [dst.astype(jnp.int32),
         jnp.full((pad,), N, jnp.int32)]).reshape(EPAD // GLEN, GLEN)

    for l in range(L):
        table = _expand(h, W_msg[l].reshape(T * H, H),
                        b_msg[l].reshape(T, 1, H))
        parts = _edge_agg(table, gidx_p, dst_p)
        h = _gru([parts[i, :N] for i in range(NC)], h,
                 Wz[l], Uz[l], bz[l].reshape(1, H),
                 Wr[l], Ur[l], br[l].reshape(1, H),
                 Wn[l], Un[l], bn[l].reshape(1, H))

    logits, prob, conf, upper, lower = _heads(
        h.reshape(B, MAXN, H), num_nodes.reshape(B, 1),
        inheritance_features,
        Wp1[:8], Wp1[8:], bp1.reshape(1, PHID),
        Wp2, bp2.reshape(1, PHID),
        Wprob, bprob.reshape(1, 1),
        Wconf, bconf.reshape(1, 1),
        Wc1, bc1.reshape(1, H // 2),
        Wc2, bc2.reshape(1, 1))
    return logits, prob, conf, upper, lower

# --- scband reference (transcript-rebuilt; emitter-appended) ---
"""Pipeline reference for scband-two-stage-model-16063177687555 (READ-ONLY COPY).

The authoritative reference and input builder live on the scoring server;
editing this copy changes nothing except your own understanding.
"""

import jax, jax.numpy as jnp
import numpy as np

B, MAXN, F, H, T, E, L = 16, 625, 128, 128, 8, 320000, 2
N = B * MAXN
PHID = 64


def model_forward(node_features, inheritance_features, W_in, b_in, W_msg, b_msg, Wz, Uz, bz, Wr, Ur, br, Wn, Un, bn, Wp1, bp1, Wp2, bp2, Wprob, bprob, Wconf, bconf, Wc1, bc1, Wc2, bc2, edge_index, edge_type, num_nodes):
    b, maxn, f = node_features.shape
    n_tot = b * maxn
    h = jnp.tanh(node_features.reshape(n_tot, f) @ W_in + b_in)
    src = edge_index[0]
    dst = edge_index[1]
    num_layers = W_msg.shape[0]
    for l in range(num_layers):
        ht = jnp.einsum('nh,thd->tnd', h, W_msg[l])
        msgs = ht[edge_type, src] + b_msg[l][edge_type]
        agg = jnp.zeros((n_tot, h.shape[1]), h.dtype).at[dst].add(msgs)
        z = jax.nn.sigmoid(agg @ Wz[l] + h @ Uz[l] + bz[l])
        r = jax.nn.sigmoid(agg @ Wr[l] + h @ Ur[l] + br[l])
        c = jnp.tanh(agg @ Wn[l] + r * (h @ Un[l]) + bn[l])
        h = (1.0 - z) * c + z * h
    hb = h.reshape(b, maxn, -1)
    mask = (jnp.arange(maxn)[None, :] < num_nodes[:, None]).astype(h.dtype)
    denom = jnp.maximum(mask.sum(axis=1, keepdims=True), 1.0)
    lower_emb = (hb * mask[:, :, None]).sum(axis=1) / denom
    pin = jnp.concatenate([inheritance_features, lower_emb], axis=-1)
    hp = jax.nn.relu(pin @ Wp1 + bp1)
    hp = jax.nn.relu(hp @ Wp2 + bp2)
    inheritance_prob = jax.nn.sigmoid(hp @ Wprob + bprob)
    confidence = jax.nn.sigmoid(hp @ Wconf + bconf)
    use_upper = (inheritance_prob >= 0.5).astype(jnp.float32)
    hc = jax.nn.relu(lower_emb @ Wc1 + bc1)
    logits = jax.nn.sigmoid(hc @ Wc2 + bc2)
    return logits, inheritance_prob, confidence, use_upper, lower_emb


def setup_inputs(seed: int = 0):
    key = jax.random.key(seed)
    ks = jax.random.split(key, 40)
    s = 0.05
    inp = {}
    inp['node_features'] = jax.random.normal(ks[0], (B, MAXN, F), dtype=jnp.float32)
    inp['edge_index'] = jax.random.randint(ks[1], (2, E), 0, N, dtype=jnp.int32)
    inp['edge_type'] = jax.random.randint(ks[2], (E,), 0, T, dtype=jnp.int32)
    inp['num_nodes'] = jax.random.randint(ks[3], (B,), 1, MAXN + 1, dtype=jnp.int32)
    inp['inheritance_features'] = jax.random.normal(ks[4], (B, 8), dtype=jnp.float32)
    inp['W_in'] = jax.random.normal(ks[5], (F, H), dtype=jnp.float32) * s
    inp['b_in'] = jnp.zeros((H,), jnp.float32)
    inp['W_msg'] = jax.random.normal(ks[6], (L, T, H, H), dtype=jnp.float32) * s
    inp['b_msg'] = jnp.zeros((L, T, H), jnp.float32)
    inp['Wz'] = jax.random.normal(ks[7], (L, H, H), dtype=jnp.float32) * s
    inp['Uz'] = jax.random.normal(ks[8], (L, H, H), dtype=jnp.float32) * s
    inp['bz'] = jnp.zeros((L, H), jnp.float32)
    inp['Wr'] = jax.random.normal(ks[9], (L, H, H), dtype=jnp.float32) * s
    inp['Ur'] = jax.random.normal(ks[10], (L, H, H), dtype=jnp.float32) * s
    inp['br'] = jnp.zeros((L, H), jnp.float32)
    inp['Wn'] = jax.random.normal(ks[11], (L, H, H), dtype=jnp.float32) * s
    inp['Un'] = jax.random.normal(ks[12], (L, H, H), dtype=jnp.float32) * s
    inp['bn'] = jnp.zeros((L, H), jnp.float32)
    inp['Wp1'] = jax.random.normal(ks[13], (8 + H, PHID), dtype=jnp.float32) * s
    inp['bp1'] = jnp.zeros((PHID,), jnp.float32)
    inp['Wp2'] = jax.random.normal(ks[14], (PHID, PHID), dtype=jnp.float32) * s
    inp['bp2'] = jnp.zeros((PHID,), jnp.float32)
    inp['Wprob'] = jax.random.normal(ks[15], (PHID, 1), dtype=jnp.float32) * s
    inp['bprob'] = jnp.zeros((1,), jnp.float32)
    inp['Wconf'] = jax.random.normal(ks[16], (PHID, 1), dtype=jnp.float32) * s
    inp['bconf'] = jnp.zeros((1,), jnp.float32)
    inp['Wc1'] = jax.random.normal(ks[17], (H, H // 2), dtype=jnp.float32) * s
    inp['bc1'] = jnp.zeros((H // 2,), jnp.float32)
    inp['Wc2'] = jax.random.normal(ks[18], (H // 2, 1), dtype=jnp.float32) * s
    inp['bc2'] = jnp.zeros((1,), jnp.float32)
    return inp


def reference(node_features, edge_index, edge_type, num_nodes, inheritance_features, W_in, b_in, W_msg, b_msg, Wz, Uz, bz, Wr, Ur, br, Wn, Un, bn, Wp1, bp1, Wp2, bp2, Wprob, bprob, Wconf, bconf, Wc1, bc1, Wc2, bc2):
    return model_forward(node_features, inheritance_features, W_in, b_in, W_msg, b_msg, Wz, Uz, bz, Wr, Ur, br, Wn, Un, bn, Wp1, bp1, Wp2, bp2, Wprob, bprob, Wconf, bconf, Wc1, bc1, Wc2, bc2, edge_index, edge_type, num_nodes)

if __name__ == "__main__":
    import jax
    _d = setup_inputs()
    print(jax.jit(kernel)(*tuple(_d.values())))

</pallas_src>

<mosaic_0001>
#map = affine_map<(d0, d1) -> (0, 0)>
#map1 = affine_map<(d0, d1) -> (0, 0, 0)>
module attributes {stable_mosaic.version = 14 : i64} {
  func.func @_edge_agg_body(%arg0: i32, %arg1: i32, %arg2: memref<80000x128xf32, #tpu.memory_space<hbm>>, %arg3: memref<5120x64xi32, #tpu.memory_space<hbm>>, %arg4: memref<5120x64xi32, #tpu.memory_space<hbm>>, %arg5: memref<2x10112x128xf32, #tpu.memory_space<hbm>>, %arg6: memref<16x64xi32, #tpu.memory_space<vmem>>, %arg7: memref<16x64xi32, #tpu.memory_space<vmem>>, %arg8: memref<64x128xf32, #tpu.memory_space<vmem>>, %arg9: memref<64x128xf32, #tpu.memory_space<vmem>>, %arg10: memref<64x128xf32, #tpu.memory_space<vmem>>, %arg11: memref<64x128xf32, #tpu.memory_space<vmem>>, %arg12: memref<!tpu.dma_semaphore, #tpu.memory_space<semaphore_mem>>, %arg13: memref<!tpu.dma_semaphore, #tpu.memory_space<semaphore_mem>>, %arg14: memref<!tpu.dma_semaphore, #tpu.memory_space<semaphore_mem>>, %arg15: memref<!tpu.dma_semaphore, #tpu.memory_space<semaphore_mem>>, %arg16: memref<10112x128xf32, #tpu.memory_space<vmem_shared>>) attributes {dimension_semantics = [#tpu.dimension_semantics<core_parallel>, #tpu.dimension_semantics<subcore_parallel>], iteration_bounds = array<i64: 2, 16>, scalar_prefetch = 0 : i64, scratch_operands = 11 : i64, tpu.core_type = #tpu.core_type<sc_vector_subcore>, window_params = [{transform_indices = #map}, {transform_indices = #map}, {transform_indices = #map}, {transform_indices = #map1}]} {
    %eq3A = arith.constant 0 : i32
    %eq3A_0 = arith.cmpi eq, %arg0, %eq3A : i32
    %mul3A = arith.constant 288 : i32
    %mul3A_1 = arith.muli %arg1, %mul3A : i32
    %mul3A_2 = arith.constant 32 : i32
    %mul3A_3 = arith.muli %arg1, %mul3A_2 : i32
    %add3A = arith.constant 4608 : i32
    %add3A_4 = arith.addi %add3A, %mul3A_3 : i32
    %select_n3A = arith.select %eq3A_0, %mul3A_1, %add3A_4 : i32
    %eq3A_5 = arith.constant 0 : i32
    %eq3A_6 = arith.cmpi eq, %arg0, %eq3A_5 : i32
    %jit3A = arith.constant 18 : i32
    %jit3A_7 = arith.constant 2 : i32
    %select_n3A_8 = arith.select %eq3A_6, %jit3A, %jit3A_7 : i32
    %broadcast_in_dim3A = arith.constant 0.000000e+00 : f32
    %broadcast_in_dim3A_9 = vector.broadcast %broadcast_in_dim3A : f32 to vector<16xf32>
    %scan3A = arith.constant 0 : i32
    %scan3A_10 = arith.constant 0 : i32
    %scan3A_11 = arith.constant 64 : i32
    %scan3A_12 = arith.addi %scan3A_10, %scan3A_11 : i32
    %scan3A_13 = arith.constant 1 : i32
    scf.for %scan3A_39 = %scan3A_10 to %scan3A_12 step %scan3A_13  : i32 {
      %swap3A = arith.index_cast %scan3A_39 : i32 to index
      %swap3A_40 = arith.constant 0 : index
      %swap3A_41 = tpu.vector_load %arg8[%swap3A, %swap3A_40] {strides = array<i32>} : memref<64x128xf32, #tpu.memory_space<vmem>>, vector<1x16xf32>,
      %swap3A_42 = vector.shape_cast %swap3A_41 : vector<1x16xf32> to vector<16xf32>
      %swap3A_43 = vector.shape_cast %broadcast_in_dim3A_9 : vector<16xf32> to vector<1x16xf32>
      tpu.vector_store %arg8[%swap3A, %swap3A_40], %swap3A_43 {strides = array<i32>} : memref<64x128xf32, #tpu.memory_space<vmem>>, vector<1x16xf32>,
      %swap3A_44 = arith.index_cast %scan3A_39 : i32 to index
      %swap3A_45 = arith.constant 16 : index
      %swap3A_46 = tpu.vector_load %arg8[%swap3A_44, %swap3A_45] {strides = array<i32>} : memref<64x128xf32, #tpu.memory_space<vmem>>, vector<1x16xf32>,
      %swap3A_47 = vector.shape_cast %swap3A_46 : vector<1x16xf32> to vector<16xf32>
      %swap3A_48 = vector.shape_cast %broadcast_in_dim3A_9 : vector<16xf32> to vector<1x16xf32>
      tpu.vector_store %arg8[%swap3A_44, %swap3A_45], %swap3A_48 {strides = array<i32>} : memref<64x128xf32, #tpu.memory_space<vmem>>, vector<1x16xf32>,
      %swap3A_49 = arith.index_cast %scan3A_39 : i32 to index
      %swap3A_50 = arith.constant 32 : index
      %swap3A_51 = tpu.vector_load %arg8[%swap3A_49, %swap3A_50] {strides = array<i32>} : memref<64x128xf32, #tpu.memory_space<vmem>>, vector<1x16xf32>,
      %swap3A_52 = vector.shape_cast %swap3A_51 : vector<1x16xf32> to vector<16xf32>
      %swap3A_53 = vector.shape_cast %broadcast_in_dim3A_9 : vector<16xf32> to vector<1x16xf32>
      tpu.vector_store %arg8[%swap3A_49, %swap3A_50], %swap3A_53 {strides = array<i32>} : memref<64x128xf32, #tpu.memory_space<vmem>>, vector<1x16xf32>,
      %swap3A_54 = arith.index_cast %scan3A_39 : i32 to index
      %swap3A_55 = arith.constant 48 : index
      %swap3A_56 = tpu.vector_load %arg8[%swap3A_54, %swap3A_55] {strides = array<i32>} : memref<64x128xf32, #tpu.memory_space<vmem>>, vector<1x16xf32>,
      %swap3A_57 = vector.shape_cast %swap3A_56 : vector<1x16xf32> to vector<16xf32>
      %swap3A_58 = vector.shape_cast %broadcast_in_dim3A_9 : vector<16xf32> to vector<1x16xf32>
      tpu.vector_store %arg8[%swap3A_54, %swap3A_55], %swap3A_58 {strides = array<i32>} : memref<64x128xf32, #tpu.memory_space<vmem>>, vector<1x16xf32>,
      %swap3A_59 = arith.index_cast %scan3A_39 : i32 to index
      %swap3A_60 = arith.constant 64 : index
      %swap3A_61 = tpu.vector_load %arg8[%swap3A_59, %swap3A_60] {strides = array<i32>} : memref<64x128xf32, #tpu.memory_space<vmem>>, vector<1x16xf32>,
      %swap3A_62 = vector.shape_cast %swap3A_61 : vector<1x16xf32> to vector<16xf32>
      %swap3A_63 = vector.shape_cast %broadcast_in_dim3A_9 : vector<16xf32> to vector<1x16xf32>
      tpu.vector_store %arg8[%swap3A_59, %swap3A_60], %swap3A_63 {strides = array<i32>} : memref<64x128xf32, #tpu.memory_space<vmem>>, vector<1x16xf32>,
      %swap3A_64 = arith.index_cast %scan3A_39 : i32 to index
      %swap3A_65 = arith.constant 80 : index
      %swap3A_66 = tpu.vector_load %arg8[%swap3A_64, %swap3A_65] {strides = array<i32>} : memref<64x128xf32, #tpu.memory_space<vmem>>, vector<1x16xf32>,
      %swap3A_67 = vector.shape_cast %swap3A_66 : vector<1x16xf32> to vector<16xf32>
      %swap3A_68 = vector.shape_cast %broadcast_in_dim3A_9 : vector<16xf32> to vector<1x16xf32>
      tpu.vector_store %arg8[%swap3A_64, %swap3A_65], %swap3A_68 {strides = array<i32>} : memref<64x128xf32, #tpu.memory_space<vmem>>, vector<1x16xf32>,
      %swap3A_69 = arith.index_cast %scan3A_39 : i32 to index
      %swap3A_70 = arith.constant 96 : index
      %swap3A_71 = tpu.vector_load %arg8[%swap3A_69, %swap3A_70] {strides = array<i32>} : memref<64x128xf32, #tpu.memory_space<vmem>>, vector<1x16xf32>,
      %swap3A_72 = vector.shape_cast %swap3A_71 : vector<1x16xf32> to vector<16xf32>
      %swap3A_73 = vector.shape_cast %broadcast_in_dim3A_9 : vector<16xf32> to vector<1x16xf32>
      tpu.vector_store %arg8[%swap3A_69, %swap3A_70], %swap3A_73 {strides = array<i32>} : memref<64x128xf32, #tpu.memory_space<vmem>>, vector<1x16xf32>,
      %swap3A_74 = arith.index_cast %scan3A_39 : i32 to index
      %swap3A_75 = arith.constant 112 : index
      %swap3A_76 = tpu.vector_load %arg8[%swap3A_74, %swap3A_75] {strides = array<i32>} : memref<64x128xf32, #tpu.memory_space<vmem>>, vector<1x16xf32>,
      %swap3A_77 = vector.shape_cast %swap3A_76 : vector<1x16xf32> to vector<16xf32>
      %swap3A_78 = vector.shape_cast %broadcast_in_dim3A_9 : vector<16xf32> to vector<1x16xf32>
      tpu.vector_store %arg8[%swap3A_74, %swap3A_75], %swap3A_78 {strides = array<i32>} : memref<64x128xf32, #tpu.memory_space<vmem>>, vector<1x16xf32>,
    }
    %scan3A_14 = arith.constant 64 : i32
    %scan3A_15 = arith.constant 0 : i32
    %scan3A_16 = arith.constant 0 : i32
    %scan3A_17 = arith.constant 9 : i32
    %scan3A_18 = arith.addi %scan3A_16, %scan3A_17 : i32
    %scan3A_19 = arith.constant 1 : i32
    scf.for %scan3A_39 = %scan3A_16 to %scan3A_18 step %scan3A_19  : i32 {
      %mul3A_40 = arith.constant 632 : i32
      %mul3A_41 = arith.muli %arg1, %mul3A_40 : i32
      %mul3A_42 = arith.constant 64 : i32
      %mul3A_43 = arith.muli %scan3A_39, %mul3A_42 : i32
      %add3A_44 = arith.addi %mul3A_41, %mul3A_43 : i32
      "tpu.region"() ({
        %run_scoped3A = tpu.sem_alloc : memref<!tpu.dma_semaphore, #tpu.memory_space<semaphore_mem>>
        %dma_start3A = arith.constant 0 : i32
        %dma_start3A_45 = tpu.memref_slice %arg16[%add3A_44, %dma_start3A] : memref<10112x128xf32, #tpu.memory_space<vmem_shared>> -> memref<64x128xf32, #tpu.memory_space<vmem_shared>>
        %dma_start3A_46 = arith.constant 0 : i32
        %dma_start3A_47 = tpu.memref_slice %arg16[%add3A_44, %dma_start3A_46] : memref<10112x128xf32, #tpu.memory_space<vmem_shared>> -> memref<64x128xf32, #tpu.memory_space<vmem_shared>>
        tpu.enqueue_dma source(%arg8 : memref<64x128xf32, #tpu.memory_space<vmem>>) target(%dma_start3A_47 : memref<64x128xf32, #tpu.memory_space<vmem_shared>>) target_semaphore(%run_scoped3A : memref<!tpu.dma_semaphore, #tpu.memory_space<semaphore_mem>>)
        %dma_wait3A = arith.constant 0 : i32
        %dma_wait3A_48 = tpu.memref_slice %arg16[%add3A_44, %dma_wait3A] : memref<10112x128xf32, #tpu.memory_space<vmem_shared>> -> memref<64x128xf32, #tpu.memory_space<vmem_shared>>
        %dma_wait3A_49 = arith.constant 0 : i32
        %dma_wait3A_50 = tpu.memref_slice %arg16[%add3A_44, %dma_wait3A_49] : memref<10112x128xf32, #tpu.memory_space<vmem_shared>> -> memref<64x128xf32, #tpu.memory_space<vmem_shared>>
        tpu.wait_dma2 semaphore(%run_scoped3A : memref<!tpu.dma_semaphore, #tpu.memory_space<semaphore_mem>>) src(%arg8 : memref<64x128xf32, #tpu.memory_space<vmem>>) dst(%dma_wait3A_50 : memref<64x128xf32, #tpu.memory_space<vmem_shared>>)
        tpu.yield
      }) : () -> ()
    }
    %scan3A_20 = arith.constant 9 : i32
    %mul3A_21 = arith.constant 632 : i32
    %mul3A_22 = arith.muli %arg1, %mul3A_21 : i32
    %add3A_23 = arith.constant 576 : i32
    %add3A_24 = arith.addi %mul3A_22, %add3A_23 : i32
    "tpu.region"() ({
      %run_scoped3A = tpu.sem_alloc : memref<!tpu.dma_semaphore, #tpu.memory_space<semaphore_mem>>
      %dma_start3A = arith.constant 0 : i32
      %dma_start3A_39 = arith.constant 0 : i32
      %dma_start3A_40 = tpu.memref_slice %arg8[%dma_start3A, %dma_start3A_39] : memref<64x128xf32, #tpu.memory_space<vmem>> -> memref<56x128xf32, #tpu.memory_space<vmem>>
      %dma_start3A_41 = arith.constant 0 : i32
      %dma_start3A_42 = tpu.memref_slice %arg16[%add3A_24, %dma_start3A_41] : memref<10112x128xf32, #tpu.memory_space<vmem_shared>> -> memref<56x128xf32, #tpu.memory_space<vmem_shared>>
      %dma_start3A_43 = arith.constant 0 : i32
      %dma_start3A_44 = tpu.memref_slice %arg16[%add3A_24, %dma_start3A_43] : memref<10112x128xf32, #tpu.memory_space<vmem_shared>> -> memref<56x128xf32, #tpu.memory_space<vmem_shared>>
      %dma_start3A_45 = arith.constant 0 : i32
      %dma_start3A_46 = arith.constant 0 : i32
      %dma_start3A_47 = tpu.memref_slice %arg8[%dma_start3A_45, %dma_start3A_46] : memref<64x128xf32, #tpu.memory_space<vmem>> -> memref<56x128xf32, #tpu.memory_space<vmem>>
      tpu.enqueue_dma source(%dma_start3A_47 : memref<56x128xf32, #tpu.memory_space<vmem>>) target(%dma_start3A_44 : memref<56x128xf32, #tpu.memory_space<vmem_shared>>) target_semaphore(%run_scoped3A : memref<!tpu.dma_semaphore, #tpu.memory_space<semaphore_mem>>)
      %dma_wait3A = arith.constant 0 : i32
      %dma_wait3A_48 = arith.constant 0 : i32
      %dma_wait3A_49 = tpu.memref_slice %arg8[%dma_wait3A, %dma_wait3A_48] : memref<64x128xf32, #tpu.memory_space<vmem>> -> memref<56x128xf32, #tpu.memory_space<vmem>>
      %dma_wait3A_50 = arith.constant 0 : i32
      %dma_wait3A_51 = tpu.memref_slice %arg16[%add3A_24, %dma_wait3A_50] : memref<10112x128xf32, #tpu.memory_space<vmem_shared>> -> memref<56x128xf32, #tpu.memory_space<vmem_shared>>
      %dma_wait3A_52 = arith.constant 0 : i32
      %dma_wait3A_53 = tpu.memref_slice %arg16[%add3A_24, %dma_wait3A_52] : memref<10112x128xf32, #tpu.memory_space<vmem_shared>> -> memref<56x128xf32, #tpu.memory_space<vmem_shared>>
      %dma_wait3A_54 = arith.constant 0 : i32
      %dma_wait3A_55 = arith.constant 0 : i32
      %dma_wait3A_56 = tpu.memref_slice %arg8[%dma_wait3A_54, %dma_wait3A_55] : memref<64x128xf32, #tpu.memory_space<vmem>> -> memref<56x128xf32, #tpu.memory_space<vmem>>
      tpu.wait_dma2 semaphore(%run_scoped3A : memref<!tpu.dma_semaphore, #tpu.memory_space<semaphore_mem>>) src(%dma_wait3A_56 : memref<56x128xf32, #tpu.memory_space<vmem>>) dst(%dma_wait3A_53 : memref<56x128xf32, #tpu.memory_space<vmem_shared>>)
      tpu.yield
    }) : () -> ()
    %barrier3A = arith.constant 0 : index
    tpu.barrier barrier_id(%barrier3A)
    %while3A = arith.constant 0 : i32
    %while3A_25 = arith.constant 0 : i32
    %while3A_26 = arith.subi %select_n3A_8, %while3A_25 : i32
    %while3A_27 = arith.addi %while3A_25, %while3A_26 : i32
    %while3A_28 = arith.constant 1 : i32
    %while3A_29 = arith.divsi %while3A_26, %while3A_28 : i32
    %while3A_30 = arith.muli %while3A_29, %while3A_28 : i32
    %while3A_31 = arith.addi %while3A_25, %while3A_30 : i32
    %while3A_32 = arith.constant 1 : i32
    scf.for %while3A_39 = %while3A_25 to %while3A_31 step %while3A_32  : i32 {
      %mul3A_40 = arith.constant 16 : i32
      %mul3A_41 = arith.muli %while3A_39, %mul3A_40 : i32
      %add3A_42 = arith.addi %select_n3A, %mul3A_41 : i32
      "tpu.region"() ({
        %run_scoped3A = tpu.sem_alloc : memref<!tpu.dma_semaphore, #tpu.memory_space<semaphore_mem>>
        %dma_start3A_79 = arith.constant 0 : i32
        %dma_start3A_80 = tpu.memref_slice %arg3[%add3A_42, %dma_start3A_79] : memref<5120x64xi32, #tpu.memory_space<hbm>> -> memref<16x64xi32, #tpu.memory_space<hbm>>
        %dma_start3A_81 = arith.constant 0 : i32
        %dma_start3A_82 = tpu.memref_slice %arg3[%add3A_42, %dma_start3A_81] : memref<5120x64xi32, #tpu.memory_space<hbm>> -> memref<16x64xi32, #tpu.memory_space<hbm>>
        tpu.enqueue_dma source(%dma_start3A_82 : memref<16x64xi32, #tpu.memory_space<hbm>>) target(%arg6 : memref<16x64xi32, #tpu.memory_space<vmem>>) target_semaphore(%run_scoped3A : memref<!tpu.dma_semaphore, #tpu.memory_space<semaphore_mem>>)
        %dma_wait3A = arith.constant 0 : i32
        %dma_wait3A_83 = tpu.memref_slice %arg3[%add3A_42, %dma_wait3A] : memref<5120x64xi32, #tpu.memory_space<hbm>> -> memref<16x64xi32, #tpu.memory_space<hbm>>
        %dma_wait3A_84 = arith.constant 0 : i32
        %dma_wait3A_85 = tpu.memref_slice %arg3[%add3A_42, %dma_wait3A_84] : memref<5120x64xi32, #tpu.memory_space<hbm>> -> memref<16x64xi32, #tpu.memory_space<hbm>>
        tpu.wait_dma2 semaphore(%run_scoped3A : memref<!tpu.dma_semaphore, #tpu.memory_space<semaphore_mem>>) src(%dma_wait3A_85 : memref<16x64xi32, #tpu.memory_space<hbm>>) dst(%arg6 : memref<16x64xi32, #tpu.memory_space<vmem>>)
        tpu.yield
      }) : () -> ()
      %mul3A_43 = arith.constant 16 : i32
      %mul3A_44 = arith.muli %while3A_39, %mul3A_43 : i32
      %add3A_45 = arith.addi %select_n3A, %mul3A_44 : i32
      "tpu.region"() ({
        %run_scoped3A = tpu.sem_alloc : memref<!tpu.dma_semaphore, #tpu.memory_space<semaphore_mem>>
        %dma_start3A_79 = arith.constant 0 : i32
        %dma_start3A_80 = tpu.memref_slice %arg4[%add3A_45, %dma_start3A_79] : memref<5120x64xi32, #tpu.memory_space<hbm>> -> memref<16x64xi32, #tpu.memory_space<hbm>>
        %dma_start3A_81 = arith.constant 0 : i32
        %dma_start3A_82 = tpu.memref_slice %arg4[%add3A_45, %dma_start3A_81] : memref<5120x64xi32, #tpu.memory_space<hbm>> -> memref<16x64xi32, #tpu.memory_space<hbm>>
        tpu.enqueue_dma source(%dma_start3A_82 : memref<16x64xi32, #tpu.memory_space<hbm>>) target(%arg7 : memref<16x64xi32, #tpu.memory_space<vmem>>) target_semaphore(%run_scoped3A : memref<!tpu.dma_semaphore, #tpu.memory_space<semaphore_mem>>)
        %dma_wait3A = arith.constant 0 : i32
        %dma_wait3A_83 = tpu.memref_slice %arg4[%add3A_45, %dma_wait3A] : memref<5120x64xi32, #tpu.memory_space<hbm>> -> memref<16x64xi32, #tpu.memory_space<hbm>>
        %dma_wait3A_84 = arith.constant 0 : i32
        %dma_wait3A_85 = tpu.memref_slice %arg4[%add3A_45, %dma_wait3A_84] : memref<5120x64xi32, #tpu.memory_space<hbm>> -> memref<16x64xi32, #tpu.memory_space<hbm>>
        tpu.wait_dma2 semaphore(%run_scoped3A : memref<!tpu.dma_semaphore, #tpu.memory_space<semaphore_mem>>) src(%dma_wait3A_85 : memref<16x64xi32, #tpu.memory_space<hbm>>) dst(%arg7 : memref<16x64xi32, #tpu.memory_space<vmem>>)
        tpu.yield
      }) : () -> ()
      %dma_start3A = arith.constant 0 : i32
      %dma_start3A_46 = arith.constant 0 : i32
      %dma_start3A_47 = tpu.memref_slice %arg6[%dma_start3A, %dma_start3A_46] : memref<16x64xi32, #tpu.memory_space<vmem>> -> memref<1x64xi32, #tpu.memory_space<vmem>>
      %dma_start3A_48 = tpu.memref_squeeze %dma_start3A_47 : memref<1x64xi32, #tpu.memory_space<vmem>> -> memref<64xi32, #tpu.memory_space<vmem>>
      %dma_start3A_49 = arith.constant 0 : i32
      %dma_start3A_50 = arith.constant 0 : i32
      %dma_start3A_51 = tpu.memref_slice %arg2[%dma_start3A_49, %dma_start3A_50] : memref<80000x128xf32, #tpu.memory_space<hbm>> -> memref<80000x128xf32, #tpu.memory_space<hbm>>
      tpu.enqueue_indirect_dma source(%dma_start3A_51 : memref<80000x128xf32, #tpu.memory_space<hbm>>) target(%arg8 : memref<64x128xf32, #tpu.memory_space<vmem>>) offsets(%dma_start3A_48 : memref<64xi32, #tpu.memory_space<vmem>>) semaphore(%arg12 : memref<!tpu.dma_semaphore, #tpu.memory_space<semaphore_mem>>)
      %dma_start3A_52 = arith.constant 1 : i32
      %dma_start3A_53 = arith.constant 0 : i32
      %dma_start3A_54 = tpu.memref_slice %arg6[%dma_start3A_52, %dma_start3A_53] : memref<16x64xi32, #tpu.memory_space<vmem>> -> memref<1x64xi32, #tpu.memory_space<vmem>>
      %dma_start3A_55 = tpu.memref_squeeze %dma_start3A_54 : memref<1x64xi32, #tpu.memory_space<vmem>> -> memref<64xi32, #tpu.memory_space<vmem>>
      %dma_start3A_56 = arith.constant 0 : i32
      %dma_start3A_57 = arith.constant 0 : i32
      %dma_start3A_58 = tpu.memref_slice %arg2[%dma_start3A_56, %dma_start3A_57] : memref<80000x128xf32, #tpu.memory_space<hbm>> -> memref<80000x128xf32, #tpu.memory_space<hbm>>
      tpu.enqueue_indirect_dma source(%dma_start3A_58 : memref<80000x128xf32, #tpu.memory_space<hbm>>) target(%arg9 : memref<64x128xf32, #tpu.memory_space<vmem>>) offsets(%dma_start3A_55 : memref<64xi32, #tpu.memory_space<vmem>>) semaphore(%arg13 : memref<!tpu.dma_semaphore, #tpu.memory_space<semaphore_mem>>)
      %dma_start3A_59 = arith.constant 2 : i32
      %dma_start3A_60 = arith.constant 0 : i32
      %dma_start3A_61 = tpu.memref_slice %arg6[%dma_start3A_59, %dma_start3A_60] : memref<16x64xi32, #tpu.memory_space<vmem>> -> memref<1x64xi32, #tpu.memory_space<vmem>>
      %dma_start3A_62 = tpu.memref_squeeze %dma_start3A_61 : memref<1x64xi32, #tpu.memory_space<vmem>> -> memref<64xi32, #tpu.memory_space<vmem>>
      %dma_start3A_63 = arith.constant 0 : i32
      %dma_start3A_64 = arith.constant 0 : i32
      %dma_start3A_65 = tpu.memref_slice %arg2[%dma_start3A_63, %dma_start3A_64] : memref<80000x128xf32, #tpu.memory_space<hbm>> -> memref<80000x128xf32, #tpu.memory_space<hbm>>
      tpu.enqueue_indirect_dma source(%dma_start3A_65 : memref<80000x128xf32, #tpu.memory_space<hbm>>) target(%arg10 : memref<64x128xf32, #tpu.memory_space<vmem>>) offsets(%dma_start3A_62 : memref<64xi32, #tpu.memory_space<vmem>>) semaphore(%arg14 : memref<!tpu.dma_semaphore, #tpu.memory_space<semaphore_mem>>)
      %dma_start3A_66 = arith.constant 3 : i32
      %dma_start3A_67 = arith.constant 0 : i32
      %dma_start3A_68 = tpu.memref_slice %arg6[%dma_start3A_66, %dma_start3A_67] : memref<16x64xi32, #tpu.memory_space<vmem>> -> memref<1x64xi32, #tpu.memory_space<vmem>>
      %dma_start3A_69 = tpu.memref_squeeze %dma_start3A_68 : memref<1x64xi32, #tpu.memory_space<vmem>> -> memref<64xi32, #tpu.memory_space<vmem>>
      %dma_start3A_70 = arith.constant 0 : i32
      %dma_start3A_71 = arith.constant 0 : i32
      %dma_start3A_72 = tpu.memref_slice %arg2[%dma_start3A_70, %dma_start3A_71] : memref<80000x128xf32, #tpu.memory_space<hbm>> -> memref<80000x128xf32, #tpu.memory_space<hbm>>
      tpu.enqueue_indirect_dma source(%dma_start3A_72 : memref<80000x128xf32, #tpu.memory_space<hbm>>) target(%arg11 : memref<64x128xf32, #tpu.memory_space<vmem>>) offsets(%dma_start3A_69 : memref<64xi32, #tpu.memory_space<vmem>>) semaphore(%arg15 : memref<!tpu.dma_semaphore, #tpu.memory_space<semaphore_mem>>)
      %scan3A_73 = arith.constant 0 : i32
      %scan3A_74 = arith.constant 0 : i32
      %scan3A_75 = arith.constant 4 : i32
      %scan3A_76 = arith.addi %scan3A_74, %scan3A_75 : i32
      %scan3A_77 = arith.constant 1 : i32
      scf.for %scan3A_79 = %scan3A_74 to %scan3A_76 step %scan3A_77  : i32 {
        %mul3A_80 = arith.constant 4 : i32
        %mul3A_81 = arith.muli %mul3A_80, %scan3A_79 : i32
        %add3A_82 = arith.constant 0 : i32
        %add3A_83 = arith.addi %mul3A_81, %add3A_82 : i32
        %dma_wait3A = arith.constant 0 : i32
        %dma_wait3A_84 = tpu.memref_slice %arg6[%add3A_83, %dma_wait3A] : memref<16x64xi32, #tpu.memory_space<vmem>> -> memref<1x64xi32, #tpu.memory_space<vmem>>
        %dma_wait3A_85 = tpu.memref_squeeze %dma_wait3A_84 : memref<1x64xi32, #tpu.memory_space<vmem>> -> memref<64xi32, #tpu.memory_space<vmem>>
        %dma_wait3A_86 = arith.constant 0 : i32
        %dma_wait3A_87 = arith.constant 0 : i32
        %dma_wait3A_88 = tpu.memref_slice %arg2[%dma_wait3A_86, %dma_wait3A_87] : memref<80000x128xf32, #tpu.memory_space<hbm>> -> memref<80000x128xf32, #tpu.memory_space<hbm>>
        tpu.wait_indirect_dma semaphore(%arg12 : memref<!tpu.dma_semaphore, #tpu.memory_space<semaphore_mem>>) src(%dma_wait3A_88 : memref<80000x128xf32, #tpu.memory_space<hbm>>) dst(%arg8 : memref<64x128xf32, #tpu.memory_space<vmem>>)
        "tpu.region"() ({
          %run_scoped3A = tpu.sem_alloc : memref<!tpu.dma_semaphore, #tpu.memory_space<semaphore_mem>>
          %dma_start3A_144 = arith.constant 0 : i32
          %dma_start3A_145 = tpu.memref_slice %arg7[%add3A_83, %dma_start3A_144] : memref<16x64xi32, #tpu.memory_space<vmem>> -> memref<1x64xi32, #tpu.memory_space<vmem>>
          %dma_start3A_146 = tpu.memref_squeeze %dma_start3A_145 : memref<1x64xi32, #tpu.memory_space<vmem>> -> memref<64xi32, #tpu.memory_space<vmem>>
          %dma_start3A_147 = arith.constant 0 : i32
          %dma_start3A_148 = arith.constant 0 : i32
          %dma_start3A_149 = tpu.memref_slice %arg16[%dma_start3A_147, %dma_start3A_148] : memref<10112x128xf32, #tpu.memory_space<vmem_shared>> -> memref<10112x128xf32, #tpu.memory_space<vmem_shared>>
          tpu.enqueue_indirect_dma source(%arg8 : memref<64x128xf32, #tpu.memory_space<vmem>>) target(%dma_start3A_149 : memref<10112x128xf32, #tpu.memory_space<vmem_shared>>) offsets(%dma_start3A_146 : memref<64xi32, #tpu.memory_space<vmem>>) semaphore(%run_scoped3A : memref<!tpu.dma_semaphore, #tpu.memory_space<semaphore_mem>>) {add = true}
          %dma_wait3A_150 = arith.constant 0 : i32
          %dma_wait3A_151 = tpu.memref_slice %arg7[%add3A_83, %dma_wait3A_150] : memref<16x64xi32, #tpu.memory_space<vmem>> -> memref<1x64xi32, #tpu.memory_space<vmem>>
          %dma_wait3A_152 = tpu.memref_squeeze %dma_wait3A_151 : memref<1x64xi32, #tpu.memory_space<vmem>> -> memref<64xi32, #tpu.memory_space<vmem>>
          %dma_wait3A_153 = arith.constant 0 : i32
          %dma_wait3A_154 = arith.constant 0 : i32
          %dma_wait3A_155 = tpu.memref_slice %arg16[%dma_wait3A_153, %dma_wait3A_154] : memref<10112x128xf32, #tpu.memory_space<vmem_shared>> -> memref<10112x128xf32, #tpu.memory_space<vmem_shared>>
          tpu.wait_indirect_dma semaphore(%run_scoped3A : memref<!tpu.dma_semaphore, #tpu.memory_space<semaphore_mem>>) src(%arg8 : memref<64x128xf32, #tpu.memory_space<vmem>>) dst(%dma_wait3A_155 : memref<10112x128xf32, #tpu.memory_space<vmem_shared>>)
          tpu.yield
        }) : () -> ()
        %add3A_89 = arith.constant 4 : i32
        %add3A_90 = arith.addi %add3A_83, %add3A_89 : i32
        %lt3A = arith.constant 16 : i32
        %lt3A_91 = arith.cmpi slt, %add3A_90, %lt3A : i32
        %convert_element_type3A = arith.extui %lt3A_91 : i1 to i32
        %cond3A = arith.constant 0 : i32
        %cond3A_92 = arith.cmpi ne, %convert_element_type3A, %cond3A : i32
        scf.if %cond3A_92 {
          %add3A_144 = arith.constant 4 : i32
          %add3A_145 = arith.addi %add3A_83, %add3A_144 : i32
          %dma_start3A_146 = arith.constant 0 : i32
          %dma_start3A_147 = tpu.memref_slice %arg6[%add3A_145, %dma_start3A_146] : memref<16x64xi32, #tpu.memory_space<vmem>> -> memref<1x64xi32, #tpu.memory_space<vmem>>
          %dma_start3A_148 = tpu.memref_squeeze %dma_start3A_147 : memref<1x64xi32, #tpu.memory_space<vmem>> -> memref<64xi32, #tpu.memory_space<vmem>>
          %dma_start3A_149 = arith.constant 0 : i32
          %dma_start3A_150 = arith.constant 0 : i32
          %dma_start3A_151 = tpu.memref_slice %arg2[%dma_start3A_149, %dma_start3A_150] : memref<80000x128xf32, #tpu.memory_space<hbm>> -> memref<80000x128xf32, #tpu.memory_space<hbm>>
          tpu.enqueue_indirect_dma source(%dma_start3A_151 : memref<80000x128xf32, #tpu.memory_space<hbm>>) target(%arg8 : memref<64x128xf32, #tpu.memory_space<vmem>>) offsets(%dma_start3A_148 : memref<64xi32, #tpu.memory_space<vmem>>) semaphore(%arg12 : memref<!tpu.dma_semaphore, #tpu.memory_space<semaphore_mem>>)
        } else {
        }
        %mul3A_93 = arith.constant 4 : i32
        %mul3A_94 = arith.muli %mul3A_93, %scan3A_79 : i32
        %add3A_95 = arith.constant 1 : i32
        %add3A_96 = arith.addi %mul3A_94, %add3A_95 : i32
        %dma_wait3A_97 = arith.constant 0 : i32
        %dma_wait3A_98 = tpu.memref_slice %arg6[%add3A_96, %dma_wait3A_97] : memref<16x64xi32, #tpu.memory_space<vmem>> -> memref<1x64xi32, #tpu.memory_space<vmem>>
        %dma_wait3A_99 = tpu.memref_squeeze %dma_wait3A_98 : memref<1x64xi32, #tpu.memory_space<vmem>> -> memref<64xi32, #tpu.memory_space<vmem>>
        %dma_wait3A_100 = arith.constant 0 : i32
        %dma_wait3A_101 = arith.constant 0 : i32
        %dma_wait3A_102 = tpu.memref_slice %arg2[%dma_wait3A_100, %dma_wait3A_101] : memref<80000x128xf32, #tpu.memory_space<hbm>> -> memref<80000x128xf32, #tpu.memory_space<hbm>>
        tpu.wait_indirect_dma semaphore(%arg13 : memref<!tpu.dma_semaphore, #tpu.memory_space<semaphore_mem>>) src(%dma_wait3A_102 : memref<80000x128xf32, #tpu.memory_space<hbm>>) dst(%arg9 : memref<64x128xf32, #tpu.memory_space<vmem>>)
        "tpu.region"() ({
          %run_scoped3A = tpu.sem_alloc : memref<!tpu.dma_semaphore, #tpu.memory_space<semaphore_mem>>
          %dma_start3A_144 = arith.constant 0 : i32
          %dma_start3A_145 = tpu.memref_slice %arg7[%add3A_96, %dma_start3A_144] : memref<16x64xi32, #tpu.memory_space<vmem>> -> memref<1x64xi32, #tpu.memory_space<vmem>>
          %dma_start3A_146 = tpu.memref_squeeze %dma_start3A_145 : memref<1x64xi32, #tpu.memory_space<vmem>> -> memref<64xi32, #tpu.memory_space<vmem>>
          %dma_start3A_147 = arith.constant 0 : i32
          %dma_start3A_148 = arith.constant 0 : i32
          %dma_start3A_149 = tpu.memref_slice %arg16[%dma_start3A_147, %dma_start3A_148] : memref<10112x128xf32, #tpu.memory_space<vmem_shared>> -> memref<10112x128xf32, #tpu.memory_space<vmem_shared>>
          tpu.enqueue_indirect_dma source(%arg9 : memref<64x128xf32, #tpu.memory_space<vmem>>) target(%dma_start3A_149 : memref<10112x128xf32, #tpu.memory_space<vmem_shared>>) offsets(%dma_start3A_146 : memref<64xi32, #tpu.memory_space<vmem>>) semaphore(%run_scoped3A : memref<!tpu.dma_semaphore, #tpu.memory_space<semaphore_mem>>) {add = true}
          %dma_wait3A_150 = arith.constant 0 : i32
          %dma_wait3A_151 = tpu.memref_slice %arg7[%add3A_96, %dma_wait3A_150] : memref<16x64xi32, #tpu.memory_space<vmem>> -> memref<1x64xi32, #tpu.memory_space<vmem>>
          %dma_wait3A_152 = tpu.memref_squeeze %dma_wait3A_151 : memref<1x64xi32, #tpu.memory_space<vmem>> -> memref<64xi32, #tpu.memory_space<vmem>>
          %dma_wait3A_153 = arith.constant 0 : i32
          %dma_wait3A_154 = arith.constant 0 : i32
          %dma_wait3A_155 = tpu.memref_slice %arg16[%dma_wait3A_153, %dma_wait3A_154] : memref<10112x128xf32, #tpu.memory_space<vmem_shared>> -> memref<10112x128xf32, #tpu.memory_space<vmem_shared>>
          tpu.wait_indirect_dma semaphore(%run_scoped3A : memref<!tpu.dma_semaphore, #tpu.memory_space<semaphore_mem>>) src(%arg9 : memref<64x128xf32, #tpu.memory_space<vmem>>) dst(%dma_wait3A_155 : memref<10112x128xf32, #tpu.memory_space<vmem_shared>>)
          tpu.yield
        }) : () -> ()
        %add3A_103 = arith.constant 4 : i32
        %add3A_104 = arith.addi %add3A_96, %add3A_103 : i32
        %lt3A_105 = arith.constant 16 : i32
        %lt3A_106 = arith.cmpi slt, %add3A_104, %lt3A_105 : i32
        %convert_element_type3A_107 = arith.extui %lt3A_106 : i1 to i32
        %cond3A_108 = arith.constant 0 : i32
        %cond3A_109 = arith.cmpi ne, %convert_element_type3A_107, %cond3A_108 : i32
        scf.if %cond3A_109 {
          %add3A_144 = arith.constant 4 : i32
          %add3A_145 = arith.addi %add3A_96, %add3A_144 : i32
          %dma_start3A_146 = arith.constant 0 : i32
          %dma_start3A_147 = tpu.memref_slice %arg6[%add3A_145, %dma_start3A_146] : memref<16x64xi32, #tpu.memory_space<vmem>> -> memref<1x64xi32, #tpu.memory_space<vmem>>
          %dma_start3A_148 = tpu.memref_squeeze %dma_start3A_147 : memref<1x64xi32, #tpu.memory_space<vmem>> -> memref<64xi32, #tpu.memory_space<vmem>>
          %dma_start3A_149 = arith.constant 0 : i32
          %dma_start3A_150 = arith.constant 0 : i32
          %dma_start3A_151 = tpu.memref_slice %arg2[%dma_start3A_149, %dma_start3A_150] : memref<80000x128xf32, #tpu.memory_space<hbm>> -> memref<80000x128xf32, #tpu.memory_space<hbm>>
          tpu.enqueue_indirect_dma source(%dma_start3A_151 : memref<80000x128xf32, #tpu.memory_space<hbm>>) target(%arg9 : memref<64x128xf32, #tpu.memory_space<vmem>>) offsets(%dma_start3A_148 : memref<64xi32, #tpu.memory_space<vmem>>) semaphore(%arg13 : memref<!tpu.dma_semaphore, #tpu.memory_space<semaphore_mem>>)
        } else {
        }
        %mul3A_110 = arith.constant 4 : i32
        %mul3A_111 = arith.muli %mul3A_110, %scan3A_79 : i32
        %add3A_112 = arith.constant 2 : i32
        %add3A_113 = arith.addi %mul3A_111, %add3A_112 : i32
        %dma_wait3A_114 = arith.constant 0 : i32
        %dma_wait3A_115 = tpu.memref_slice %arg6[%add3A_113, %dma_wait3A_114] : memref<16x64xi32, #tpu.memory_space<vmem>> -> memref<1x64xi32, #tpu.memory_space<vmem>>
        %dma_wait3A_116 = tpu.memref_squeeze %dma_wait3A_115 : memref<1x64xi32, #tpu.memory_space<vmem>> -> memref<64xi32, #tpu.memory_space<vmem>>
        %dma_wait3A_117 = arith.constant 0 : i32
        %dma_wait3A_118 = arith.constant 0 : i32
        %dma_wait3A_119 = tpu.memref_slice %arg2[%dma_wait3A_117, %dma_wait3A_118] : memref<80000x128xf32, #tpu.memory_space<hbm>> -> memref<80000x128xf32, #tpu.memory_space<hbm>>
        tpu.wait_indirect_dma semaphore(%arg14 : memref<!tpu.dma_semaphore, #tpu.memory_space<semaphore_mem>>) src(%dma_wait3A_119 : memref<80000x128xf32, #tpu.memory_space<hbm>>) dst(%arg10 : memref<64x128xf32, #tpu.memory_space<vmem>>)
        "tpu.region"() ({
          %run_scoped3A = tpu.sem_alloc : memref<!tpu.dma_semaphore, #tpu.memory_space<semaphore_mem>>
          %dma_start3A_144 = arith.constant 0 : i32
          %dma_start3A_145 = tpu.memref_slice %arg7[%add3A_113, %dma_start3A_144] : memref<16x64xi32, #tpu.memory_space<vmem>> -> memref<1x64xi32, #tpu.memory_space<vmem>>
          %dma_start3A_146 = tpu.memref_squeeze %dma_start3A_145 : memref<1x64xi32, #tpu.memory_space<vmem>> -> memref<64xi32, #tpu.memory_space<vmem>>
          %dma_start3A_147 = arith.constant 0 : i32
          %dma_start3A_148 = arith.constant 0 : i32
          %dma_start3A_149 = tpu.memref_slice %arg16[%dma_start3A_147, %dma_start3A_148] : memref<10112x128xf32, #tpu.memory_space<vmem_shared>> -> memref<10112x128xf32, #tpu.memory_space<vmem_shared>>
          tpu.enqueue_indirect_dma source(%arg10 : memref<64x128xf32, #tpu.memory_space<vmem>>) target(%dma_start3A_149 : memref<10112x128xf32, #tpu.memory_space<vmem_shared>>) offsets(%dma_start3A_146 : memref<64xi32, #tpu.memory_space<vmem>>) semaphore(%run_scoped3A : memref<!tpu.dma_semaphore, #tpu.memory_space<semaphore_mem>>) {add = true}
          %dma_wait3A_150 = arith.constant 0 : i32
          %dma_wait3A_151 = tpu.memref_slice %arg7[%add3A_113, %dma_wait3A_150] : memref<16x64xi32, #tpu.memory_space<vmem>> -> memref<1x64xi32, #tpu.memory_space<vmem>>
          %dma_wait3A_152 = tpu.memref_squeeze %dma_wait3A_151 : memref<1x64xi32, #tpu.memory_space<vmem>> -> memref<64xi32, #tpu.memory_space<vmem>>
          %dma_wait3A_153 = arith.constant 0 : i32
          %dma_wait3A_154 = arith.constant 0 : i32
          %dma_wait3A_155 = tpu.memref_slice %arg16[%dma_wait3A_153, %dma_wait3A_154] : memref<10112x128xf32, #tpu.memory_space<vmem_shared>> -> memref<10112x128xf32, #tpu.memory_space<vmem_shared>>
          tpu.wait_indirect_dma semaphore(%run_scoped3A : memref<!tpu.dma_semaphore, #tpu.memory_space<semaphore_mem>>) src(%arg10 : memref<64x128xf32, #tpu.memory_space<vmem>>) dst(%dma_wait3A_155 : memref<10112x128xf32, #tpu.memory_space<vmem_shared>>)
          tpu.yield
        }) : () -> ()
        %add3A_120 = arith.constant 4 : i32
        %add3A_121 = arith.addi %add3A_113, %add3A_120 : i32
        %lt3A_122 = arith.constant 16 : i32
        %lt3A_123 = arith.cmpi slt, %add3A_121, %lt3A_122 : i32
        %convert_element_type3A_124 = arith.extui %lt3A_123 : i1 to i32
        %cond3A_125 = arith.constant 0 : i32
        %cond3A_126 = arith.cmpi ne, %convert_element_type3A_124, %cond3A_125 : i32
        scf.if %cond3A_126 {
          %add3A_144 = arith.constant 4 : i32
          %add3A_145 = arith.addi %add3A_113, %add3A_144 : i32
          %dma_start3A_146 = arith.constant 0 : i32
          %dma_start3A_147 = tpu.memref_slice %arg6[%add3A_145, %dma_start3A_146] : memref<16x64xi32, #tpu.memory_space<vmem>> -> memref<1x64xi32, #tpu.memory_space<vmem>>
          %dma_start3A_148 = tpu.memref_squeeze %dma_start3A_147 : memref<1x64xi32, #tpu.memory_space<vmem>> -> memref<64xi32, #tpu.memory_space<vmem>>
          %dma_start3A_149 = arith.constant 0 : i32
          %dma_start3A_150 = arith.constant 0 : i32
          %dma_start3A_151 = tpu.memref_slice %arg2[%dma_start3A_149, %dma_start3A_150] : memref<80000x128xf32, #tpu.memory_space<hbm>> -> memref<80000x128xf32, #tpu.memory_space<hbm>>
          tpu.enqueue_indirect_dma source(%dma_start3A_151 : memref<80000x128xf32, #tpu.memory_space<hbm>>) target(%arg10 : memref<64x128xf32, #tpu.memory_space<vmem>>) offsets(%dma_start3A_148 : memref<64xi32, #tpu.memory_space<vmem>>) semaphore(%arg14 : memref<!tpu.dma_semaphore, #tpu.memory_space<semaphore_mem>>)
        } else {
        }
        %mul3A_127 = arith.constant 4 : i32
        %mul3A_128 = arith.muli %mul3A_127, %scan3A_79 : i32
        %add3A_129 = arith.constant 3 : i32
        %add3A_130 = arith.addi %mul3A_128, %add3A_129 : i32
        %dma_wait3A_131 = arith.constant 0 : i32
        %dma_wait3A_132 = tpu.memref_slice %arg6[%add3A_130, %dma_wait3A_131] : memref<16x64xi32, #tpu.memory_space<vmem>> -> memref<1x64xi32, #tpu.memory_space<vmem>>
        %dma_wait3A_133 = tpu.memref_squeeze %dma_wait3A_132 : memref<1x64xi32, #tpu.memory_space<vmem>> -> memref<64xi32, #tpu.memory_space<vmem>>
        %dma_wait3A_134 = arith.constant 0 : i32
        %dma_wait3A_135 = arith.constant 0 : i32
        %dma_wait3A_136 = tpu.memref_slice %arg2[%dma_wait3A_134, %dma_wait3A_135] : memref<80000x128xf32, #tpu.memory_space<hbm>> -> memref<80000x128xf32, #tpu.memory_space<hbm>>
        tpu.wait_indirect_dma semaphore(%arg15 : memref<!tpu.dma_semaphore, #tpu.memory_space<semaphore_mem>>) src(%dma_wait3A_136 : memref<80000x128xf32, #tpu.memory_space<hbm>>) dst(%arg11 : memref<64x128xf32, #tpu.memory_space<vmem>>)
        "tpu.region"() ({
          %run_scoped3A = tpu.sem_alloc : memref<!tpu.dma_semaphore, #tpu.memory_space<semaphore_mem>>
          %dma_start3A_144 = arith.constant 0 : i32
          %dma_start3A_145 = tpu.memref_slice %arg7[%add3A_130, %dma_start3A_144] : memref<16x64xi32, #tpu.memory_space<vmem>> -> memref<1x64xi32, #tpu.memory_space<vmem>>
          %dma_start3A_146 = tpu.memref_squeeze %dma_start3A_145 : memref<1x64xi32, #tpu.memory_space<vmem>> -> memref<64xi32, #tpu.memory_space<vmem>>
          %dma_start3A_147 = arith.constant 0 : i32
          %dma_start3A_148 = arith.constant 0 : i32
          %dma_start3A_149 = tpu.memref_slice %arg16[%dma_start3A_147, %dma_start3A_148] : memref<10112x128xf32, #tpu.memory_space<vmem_shared>> -> memref<10112x128xf32, #tpu.memory_space<vmem_shared>>
          tpu.enqueue_indirect_dma source(%arg11 : memref<64x128xf32, #tpu.memory_space<vmem>>) target(%dma_start3A_149 : memref<10112x128xf32, #tpu.memory_space<vmem_shared>>) offsets(%dma_start3A_146 : memref<64xi32, #tpu.memory_space<vmem>>) semaphore(%run_scoped3A : memref<!tpu.dma_semaphore, #tpu.memory_space<semaphore_mem>>) {add = true}
          %dma_wait3A_150 = arith.constant 0 : i32
          %dma_wait3A_151 = tpu.memref_slice %arg7[%add3A_130, %dma_wait3A_150] : memref<16x64xi32, #tpu.memory_space<vmem>> -> memref<1x64xi32, #tpu.memory_space<vmem>>
          %dma_wait3A_152 = tpu.memref_squeeze %dma_wait3A_151 : memref<1x64xi32, #tpu.memory_space<vmem>> -> memref<64xi32, #tpu.memory_space<vmem>>
          %dma_wait3A_153 = arith.constant 0 : i32
          %dma_wait3A_154 = arith.constant 0 : i32
          %dma_wait3A_155 = tpu.memref_slice %arg16[%dma_wait3A_153, %dma_wait3A_154] : memref<10112x128xf32, #tpu.memory_space<vmem_shared>> -> memref<10112x128xf32, #tpu.memory_space<vmem_shared>>
          tpu.wait_indirect_dma semaphore(%run_scoped3A : memref<!tpu.dma_semaphore, #tpu.memory_space<semaphore_mem>>) src(%arg11 : memref<64x128xf32, #tpu.memory_space<vmem>>) dst(%dma_wait3A_155 : memref<10112x128xf32, #tpu.memory_space<vmem_shared>>)
          tpu.yield
        }) : () -> ()
        %add3A_137 = arith.constant 4 : i32
        %add3A_138 = arith.addi %add3A_130, %add3A_137 : i32
        %lt3A_139 = arith.constant 16 : i32
        %lt3A_140 = arith.cmpi slt, %add3A_138, %lt3A_139 : i32
        %convert_element_type3A_141 = arith.extui %lt3A_140 : i1 to i32
        %cond3A_142 = arith.constant 0 : i32
        %cond3A_143 = arith.cmpi ne, %convert_element_type3A_141, %cond3A_142 : i32
        scf.if %cond3A_143 {
          %add3A_144 = arith.constant 4 : i32
          %add3A_145 = arith.addi %add3A_130, %add3A_144 : i32
          %dma_start3A_146 = arith.constant 0 : i32
          %dma_start3A_147 = tpu.memref_slice %arg6[%add3A_145, %dma_start3A_146] : memref<16x64xi32, #tpu.memory_space<vmem>> -> memref<1x64xi32, #tpu.memory_space<vmem>>
          %dma_start3A_148 = tpu.memref_squeeze %dma_start3A_147 : memref<1x64xi32, #tpu.memory_space<vmem>> -> memref<64xi32, #tpu.memory_space<vmem>>
          %dma_start3A_149 = arith.constant 0 : i32
          %dma_start3A_150 = arith.constant 0 : i32
          %dma_start3A_151 = tpu.memref_slice %arg2[%dma_start3A_149, %dma_start3A_150] : memref<80000x128xf32, #tpu.memory_space<hbm>> -> memref<80000x128xf32, #tpu.memory_space<hbm>>
          tpu.enqueue_indirect_dma source(%dma_start3A_151 : memref<80000x128xf32, #tpu.memory_space<hbm>>) target(%arg11 : memref<64x128xf32, #tpu.memory_space<vmem>>) offsets(%dma_start3A_148 : memref<64xi32, #tpu.memory_space<vmem>>) semaphore(%arg15 : memref<!tpu.dma_semaphore, #tpu.memory_space<semaphore_mem>>)
        } else {
        }
      }
      %scan3A_78 = arith.constant 4 : i32
    }
    %while3A_33 = arith.constant 1 : i32
    scf.for %while3A_39 = %while3A_31 to %while3A_27 step %while3A_33  : i32 {
      %mul3A_40 = arith.constant 16 : i32
      %mul3A_41 = arith.muli %while3A_39, %mul3A_40 : i32
      %add3A_42 = arith.addi %select_n3A, %mul3A_41 : i32
      "tpu.region"() ({
        %run_scoped3A = tpu.sem_alloc : memref<!tpu.dma_semaphore, #tpu.memory_space<semaphore_mem>>
        %dma_start3A_79 = arith.constant 0 : i32
        %dma_start3A_80 = tpu.memref_slice %arg3[%add3A_42, %dma_start3A_79] : memref<5120x64xi32, #tpu.memory_space<hbm>> -> memref<16x64xi32, #tpu.memory_space<hbm>>
        %dma_start3A_81 = arith.constant 0 : i32
        %dma_start3A_82 = tpu.memref_slice %arg3[%add3A_42, %dma_start3A_81] : memref<5120x64xi32, #tpu.memory_space<hbm>> -> memref<16x64xi32, #tpu.memory_space<hbm>>
        tpu.enqueue_dma source(%dma_start3A_82 : memref<16x64xi32, #tpu.memory_space<hbm>>) target(%arg6 : memref<16x64xi32, #tpu.memory_space<vmem>>) target_semaphore(%run_scoped3A : memref<!tpu.dma_semaphore, #tpu.memory_space<semaphore_mem>>)
        %dma_wait3A = arith.constant 0 : i32
        %dma_wait3A_83 = tpu.memref_slice %arg3[%add3A_42, %dma_wait3A] : memref<5120x64xi32, #tpu.memory_space<hbm>> -> memref<16x64xi32, #tpu.memory_space<hbm>>
        %dma_wait3A_84 = arith.constant 0 : i32
        %dma_wait3A_85 = tpu.memref_slice %arg3[%add3A_42, %dma_wait3A_84] : memref<5120x64xi32, #tpu.memory_space<hbm>> -> memref<16x64xi32, #tpu.memory_space<hbm>>
        tpu.wait_dma2 semaphore(%run_scoped3A : memref<!tpu.dma_semaphore, #tpu.memory_space<semaphore_mem>>) src(%dma_wait3A_85 : memref<16x64xi32, #tpu.memory_space<hbm>>) dst(%arg6 : memref<16x64xi32, #tpu.memory_space<vmem>>)
        tpu.yield
      }) : () -> ()
      %mul3A_43 = arith.constant 16 : i32
      %mul3A_44 = arith.muli %while3A_39, %mul3A_43 : i32
      %add3A_45 = arith.addi %select_n3A, %mul3A_44 : i32
      "tpu.region"() ({
        %run_scoped3A = tpu.sem_alloc : memref<!tpu.dma_semaphore, #tpu.memory_space<semaphore_mem>>
        %dma_start3A_79 = arith.constant 0 : i32
        %dma_start3A_80 = tpu.memref_slice %arg4[%add3A_45, %dma_start3A_79] : memref<5120x64xi32, #tpu.memory_space<hbm>> -> memref<16x64xi32, #tpu.memory_space<hbm>>
        %dma_start3A_81 = arith.constant 0 : i32
        %dma_start3A_82 = tpu.memref_slice %arg4[%add3A_45, %dma_start3A_81] : memref<5120x64xi32, #tpu.memory_space<hbm>> -> memref<16x64xi32, #tpu.memory_space<hbm>>
        tpu.enqueue_dma source(%dma_start3A_82 : memref<16x64xi32, #tpu.memory_space<hbm>>) target(%arg7 : memref<16x64xi32, #tpu.memory_space<vmem>>) target_semaphore(%run_scoped3A : memref<!tpu.dma_semaphore, #tpu.memory_space<semaphore_mem>>)
        %dma_wait3A = arith.constant 0 : i32
        %dma_wait3A_83 = tpu.memref_slice %arg4[%add3A_45, %dma_wait3A] : memref<5120x64xi32, #tpu.memory_space<hbm>> -> memref<16x64xi32, #tpu.memory_space<hbm>>
        %dma_wait3A_84 = arith.constant 0 : i32
        %dma_wait3A_85 = tpu.memref_slice %arg4[%add3A_45, %dma_wait3A_84] : memref<5120x64xi32, #tpu.memory_space<hbm>> -> memref<16x64xi32, #tpu.memory_space<hbm>>
        tpu.wait_dma2 semaphore(%run_scoped3A : memref<!tpu.dma_semaphore, #tpu.memory_space<semaphore_mem>>) src(%dma_wait3A_85 : memref<16x64xi32, #tpu.memory_space<hbm>>) dst(%arg7 : memref<16x64xi32, #tpu.memory_space<vmem>>)
        tpu.yield
      }) : () -> ()
      %dma_start3A = arith.constant 0 : i32
      %dma_start3A_46 = arith.constant 0 : i32
      %dma_start3A_47 = tpu.memref_slice %arg6[%dma_start3A, %dma_start3A_46] : memref<16x64xi32, #tpu.memory_space<vmem>> -> memref<1x64xi32, #tpu.memory_space<vmem>>
      %dma_start3A_48 = tpu.memref_squeeze %dma_start3A_47 : memref<1x64xi32, #tpu.memory_space<vmem>> -> memref<64xi32, #tpu.memory_space<vmem>>
      %dma_start3A_49 = arith.constant 0 : i32
      %dma_start3A_50 = arith.constant 0 : i32
      %dma_start3A_51 = tpu.memref_slice %arg2[%dma_start3A_49, %dma_start3A_50] : memref<80000x128xf32, #tpu.memory_space<hbm>> -> memref<80000x128xf32, #tpu.memory_space<hbm>>
      tpu.enqueue_indirect_dma source(%dma_start3A_51 : memref<80000x128xf32, #tpu.memory_space<hbm>>) target(%arg8 : memref<64x128xf32, #tpu.memory_space<vmem>>) offsets(%dma_start3A_48 : memref<64xi32, #tpu.memory_space<vmem>>) semaphore(%arg12 : memref<!tpu.dma_semaphore, #tpu.memory_space<semaphore_mem>>)
      %dma_start3A_52 = arith.constant 1 : i32
      %dma_start3A_53 = arith.constant 0 : i32
      %dma_start3A_54 = tpu.memref_slice %arg6[%dma_start3A_52, %dma_start3A_53] : memref<16x64xi32, #tpu.memory_space<vmem>> -> memref<1x64xi32, #tpu.memory_space<vmem>>
      %dma_start3A_55 = tpu.memref_squeeze %dma_start3A_54 : memref<1x64xi32, #tpu.memory_space<vmem>> -> memref<64xi32, #tpu.memory_space<vmem>>
      %dma_start3A_56 = arith.constant 0 : i32
      %dma_start3A_57 = arith.constant 0 : i32
      %dma_start3A_58 = tpu.memref_slice %arg2[%dma_start3A_56, %dma_start3A_57] : memref<80000x128xf32, #tpu.memory_space<hbm>> -> memref<80000x128xf32, #tpu.memory_space<hbm>>
      tpu.enqueue_indirect_dma source(%dma_start3A_58 : memref<80000x128xf32, #tpu.memory_space<hbm>>) target(%arg9 : memref<64x128xf32, #tpu.memory_space<vmem>>) offsets(%dma_start3A_55 : memref<64xi32, #tpu.memory_space<vmem>>) semaphore(%arg13 : memref<!tpu.dma_semaphore, #tpu.memory_space<semaphore_mem>>)
      %dma_start3A_59 = arith.constant 2 : i32
      %dma_start3A_60 = arith.constant 0 : i32
      %dma_start3A_61 = tpu.memref_slice %arg6[%dma_start3A_59, %dma_start3A_60] : memref<16x64xi32, #tpu.memory_space<vmem>> -> memref<1x64xi32, #tpu.memory_space<vmem>>
      %dma_start3A_62 = tpu.memref_squeeze %dma_start3A_61 : memref<1x64xi32, #tpu.memory_space<vmem>> -> memref<64xi32, #tpu.memory_space<vmem>>
      %dma_start3A_63 = arith.constant 0 : i32
      %dma_start3A_64 = arith.constant 0 : i32
      %dma_start3A_65 = tpu.memref_slice %arg2[%dma_start3A_63, %dma_start3A_64] : memref<80000x128xf32, #tpu.memory_space<hbm>> -> memref<80000x128xf32, #tpu.memory_space<hbm>>
      tpu.enqueue_indirect_dma source(%dma_start3A_65 : memref<80000x128xf32, #tpu.memory_space<hbm>>) target(%arg10 : memref<64x128xf32, #tpu.memory_space<vmem>>) offsets(%dma_start3A_62 : memref<64xi32, #tpu.memory_space<vmem>>) semaphore(%arg14 : memref<!tpu.dma_semaphore, #tpu.memory_space<semaphore_mem>>)
      %dma_start3A_66 = arith.constant 3 : i32
      %dma_start3A_67 = arith.constant 0 : i32
      %dma_start3A_68 = tpu.memref_slice %arg6[%dma_start3A_66, %dma_start3A_67] : memref<16x64xi32, #tpu.memory_space<vmem>> -> memref<1x64xi32, #tpu.memory_space<vmem>>
      %dma_start3A_69 = tpu.memref_squeeze %dma_start3A_68 : memref<1x64xi32, #tpu.memory_space<vmem>> -> memref<64xi32, #tpu.memory_space<vmem>>
      %dma_start3A_70 = arith.constant 0 : i32
      %dma_start3A_71 = arith.constant 0 : i32
      %dma_start3A_72 = tpu.memref_slice %arg2[%dma_start3A_70, %dma_start3A_71] : memref<80000x128xf32, #tpu.memory_space<hbm>> -> memref<80000x128xf32, #tpu.memory_space<hbm>>
      tpu.enqueue_indirect_dma source(%dma_start3A_72 : memref<80000x128xf32, #tpu.memory_space<hbm>>) target(%arg11 : memref<64x128xf32, #tpu.memory_space<vmem>>) offsets(%dma_start3A_69 : memref<64xi32, #tpu.memory_space<vmem>>) semaphore(%arg15 : memref<!tpu.dma_semaphore, #tpu.memory_space<semaphore_mem>>)
      %scan3A_73 = arith.constant 0 : i32
      %scan3A_74 = arith.constant 0 : i32
      %scan3A_75 = arith.constant 4 : i32
      %scan3A_76 = arith.addi %scan3A_74, %scan3A_75 : i32
      %scan3A_77 = arith.constant 1 : i32
      scf.for %scan3A_79 = %scan3A_74 to %scan3A_76 step %scan3A_77  : i32 {
        %mul3A_80 = arith.constant 4 : i32
        %mul3A_81 = arith.muli %mul3A_80, %scan3A_79 : i32
        %add3A_82 = arith.constant 0 : i32
        %add3A_83 = arith.addi %mul3A_81, %add3A_82 : i32
        %dma_wait3A = arith.constant 0 : i32
        %dma_wait3A_84 = tpu.memref_slice %arg6[%add3A_83, %dma_wait3A] : memref<16x64xi32, #tpu.memory_space<vmem>> -> memref<1x64xi32, #tpu.memory_space<vmem>>
        %dma_wait3A_85 = tpu.memref_squeeze %dma_wait3A_84 : memref<1x64xi32, #tpu.memory_space<vmem>> -> memref<64xi32, #tpu.memory_space<vmem>>
        %dma_wait3A_86 = arith.constant 0 : i32
        %dma_wait3A_87 = arith.constant 0 : i32
        %dma_wait3A_88 = tpu.memref_slice %arg2[%dma_wait3A_86, %dma_wait3A_87] : memref<80000x128xf32, #tpu.memory_space<hbm>> -> memref<80000x128xf32, #tpu.memory_space<hbm>>
        tpu.wait_indirect_dma semaphore(%arg12 : memref<!tpu.dma_semaphore, #tpu.memory_space<semaphore_mem>>) src(%dma_wait3A_88 : memref<80000x128xf32, #tpu.memory_space<hbm>>) dst(%arg8 : memref<64x128xf32, #tpu.memory_space<vmem>>)
        "tpu.region"() ({
          %run_scoped3A = tpu.sem_alloc : memref<!tpu.dma_semaphore, #tpu.memory_space<semaphore_mem>>
          %dma_start3A_144 = arith.constant 0 : i32
          %dma_start3A_145 = tpu.memref_slice %arg7[%add3A_83, %dma_start3A_144] : memref<16x64xi32, #tpu.memory_space<vmem>> -> memref<1x64xi32, #tpu.memory_space<vmem>>
          %dma_start3A_146 = tpu.memref_squeeze %dma_start3A_145 : memref<1x64xi32, #tpu.memory_space<vmem>> -> memref<64xi32, #tpu.memory_space<vmem>>
          %dma_start3A_147 = arith.constant 0 : i32
          %dma_start3A_148 = arith.constant 0 : i32
          %dma_start3A_149 = tpu.memref_slice %arg16[%dma_start3A_147, %dma_start3A_148] : memref<10112x128xf32, #tpu.memory_space<vmem_shared>> -> memref<10112x128xf32, #tpu.memory_space<vmem_shared>>
          tpu.enqueue_indirect_dma source(%arg8 : memref<64x128xf32, #tpu.memory_space<vmem>>) target(%dma_start3A_149 : memref<10112x128xf32, #tpu.memory_space<vmem_shared>>) offsets(%dma_start3A_146 : memref<64xi32, #tpu.memory_space<vmem>>) semaphore(%run_scoped3A : memref<!tpu.dma_semaphore, #tpu.memory_space<semaphore_mem>>) {add = true}
          %dma_wait3A_150 = arith.constant 0 : i32
          %dma_wait3A_151 = tpu.memref_slice %arg7[%add3A_83, %dma_wait3A_150] : memref<16x64xi32, #tpu.memory_space<vmem>> -> memref<1x64xi32, #tpu.memory_space<vmem>>
          %dma_wait3A_152 = tpu.memref_squeeze %dma_wait3A_151 : memref<1x64xi32, #tpu.memory_space<vmem>> -> memref<64xi32, #tpu.memory_space<vmem>>
          %dma_wait3A_153 = arith.constant 0 : i32
          %dma_wait3A_154 = arith.constant 0 : i32
          %dma_wait3A_155 = tpu.memref_slice %arg16[%dma_wait3A_153, %dma_wait3A_154] : memref<10112x128xf32, #tpu.memory_space<vmem_shared>> -> memref<10112x128xf32, #tpu.memory_space<vmem_shared>>
          tpu.wait_indirect_dma semaphore(%run_scoped3A : memref<!tpu.dma_semaphore, #tpu.memory_space<semaphore_mem>>) src(%arg8 : memref<64x128xf32, #tpu.memory_space<vmem>>) dst(%dma_wait3A_155 : memref<10112x128xf32, #tpu.memory_space<vmem_shared>>)
          tpu.yield
        }) : () -> ()
        %add3A_89 = arith.constant 4 : i32
        %add3A_90 = arith.addi %add3A_83, %add3A_89 : i32
        %lt3A = arith.constant 16 : i32
        %lt3A_91 = arith.cmpi slt, %add3A_90, %lt3A : i32
        %convert_element_type3A = arith.extui %lt3A_91 : i1 to i32
        %cond3A = arith.constant 0 : i32
        %cond3A_92 = arith.cmpi ne, %convert_element_type3A, %cond3A : i32
        scf.if %cond3A_92 {
          %add3A_144 = arith.constant 4 : i32
          %add3A_145 = arith.addi %add3A_83, %add3A_144 : i32
          %dma_start3A_146 = arith.constant 0 : i32
          %dma_start3A_147 = tpu.memref_slice %arg6[%add3A_145, %dma_start3A_146] : memref<16x64xi32, #tpu.memory_space<vmem>> -> memref<1x64xi32, #tpu.memory_space<vmem>>
          %dma_start3A_148 = tpu.memref_squeeze %dma_start3A_147 : memref<1x64xi32, #tpu.memory_space<vmem>> -> memref<64xi32, #tpu.memory_space<vmem>>
          %dma_start3A_149 = arith.constant 0 : i32
          %dma_start3A_150 = arith.constant 0 : i32
          %dma_start3A_151 = tpu.memref_slice %arg2[%dma_start3A_149, %dma_start3A_150] : memref<80000x128xf32, #tpu.memory_space<hbm>> -> memref<80000x128xf32, #tpu.memory_space<hbm>>
          tpu.enqueue_indirect_dma source(%dma_start3A_151 : memref<80000x128xf32, #tpu.memory_space<hbm>>) target(%arg8 : memref<64x128xf32, #tpu.memory_space<vmem>>) offsets(%dma_start3A_148 : memref<64xi32, #tpu.memory_space<vmem>>) semaphore(%arg12 : memref<!tpu.dma_semaphore, #tpu.memory_space<semaphore_mem>>)
        } else {
        }
        %mul3A_93 = arith.constant 4 : i32
        %mul3A_94 = arith.muli %mul3A_93, %scan3A_79 : i32
        %add3A_95 = arith.constant 1 : i32
        %add3A_96 = arith.addi %mul3A_94, %add3A_95 : i32
        %dma_wait3A_97 = arith.constant 0 : i32
        %dma_wait3A_98 = tpu.memref_slice %arg6[%add3A_96, %dma_wait3A_97] : memref<16x64xi32, #tpu.memory_space<vmem>> -> memref<1x64xi32, #tpu.memory_space<vmem>>
        %dma_wait3A_99 = tpu.memref_squeeze %dma_wait3A_98 : memref<1x64xi32, #tpu.memory_space<vmem>> -> memref<64xi32, #tpu.memory_space<vmem>>
        %dma_wait3A_100 = arith.constant 0 : i32
        %dma_wait3A_101 = arith.constant 0 : i32
        %dma_wait3A_102 = tpu.memref_slice %arg2[%dma_wait3A_100, %dma_wait3A_101] : memref<80000x128xf32, #tpu.memory_space<hbm>> -> memref<80000x128xf32, #tpu.memory_space<hbm>>
        tpu.wait_indirect_dma semaphore(%arg13 : memref<!tpu.dma_semaphore, #tpu.memory_space<semaphore_mem>>) src(%dma_wait3A_102 : memref<80000x128xf32, #tpu.memory_space<hbm>>) dst(%arg9 : memref<64x128xf32, #tpu.memory_space<vmem>>)
        "tpu.region"() ({
          %run_scoped3A = tpu.sem_alloc : memref<!tpu.dma_semaphore, #tpu.memory_space<semaphore_mem>>
          %dma_start3A_144 = arith.constant 0 : i32
          %dma_start3A_145 = tpu.memref_slice %arg7[%add3A_96, %dma_start3A_144] : memref<16x64xi32, #tpu.memory_space<vmem>> -> memref<1x64xi32, #tpu.memory_space<vmem>>
          %dma_start3A_146 = tpu.memref_squeeze %dma_start3A_145 : memref<1x64xi32, #tpu.memory_space<vmem>> -> memref<64xi32, #tpu.memory_space<vmem>>
          %dma_start3A_147 = arith.constant 0 : i32
          %dma_start3A_148 = arith.constant 0 : i32
          %dma_start3A_149 = tpu.memref_slice %arg16[%dma_start3A_147, %dma_start3A_148] : memref<10112x128xf32, #tpu.memory_space<vmem_shared>> -> memref<10112x128xf32, #tpu.memory_space<vmem_shared>>
          tpu.enqueue_indirect_dma source(%arg9 : memref<64x128xf32, #tpu.memory_space<vmem>>) target(%dma_start3A_149 : memref<10112x128xf32, #tpu.memory_space<vmem_shared>>) offsets(%dma_start3A_146 : memref<64xi32, #tpu.memory_space<vmem>>) semaphore(%run_scoped3A : memref<!tpu.dma_semaphore, #tpu.memory_space<semaphore_mem>>) {add = true}
          %dma_wait3A_150 = arith.constant 0 : i32
          %dma_wait3A_151 = tpu.memref_slice %arg7[%add3A_96, %dma_wait3A_150] : memref<16x64xi32, #tpu.memory_space<vmem>> -> memref<1x64xi32, #tpu.memory_space<vmem>>
          %dma_wait3A_152 = tpu.memref_squeeze %dma_wait3A_151 : memref<1x64xi32, #tpu.memory_space<vmem>> -> memref<64xi32, #tpu.memory_space<vmem>>
          %dma_wait3A_153 = arith.constant 0 : i32
          %dma_wait3A_154 = arith.constant 0 : i32
          %dma_wait3A_155 = tpu.memref_slice %arg16[%dma_wait3A_153, %dma_wait3A_154] : memref<10112x128xf32, #tpu.memory_space<vmem_shared>> -> memref<10112x128xf32, #tpu.memory_space<vmem_shared>>
          tpu.wait_indirect_dma semaphore(%run_scoped3A : memref<!tpu.dma_semaphore, #tpu.memory_space<semaphore_mem>>) src(%arg9 : memref<64x128xf32, #tpu.memory_space<vmem>>) dst(%dma_wait3A_155 : memref<10112x128xf32, #tpu.memory_space<vmem_shared>>)
          tpu.yield
        }) : () -> ()
        %add3A_103 = arith.constant 4 : i32
        %add3A_104 = arith.addi %add3A_96, %add3A_103 : i32
        %lt3A_105 = arith.constant 16 : i32
        %lt3A_106 = arith.cmpi slt, %add3A_104, %lt3A_105 : i32
        %convert_element_type3A_107 = arith.extui %lt3A_106 : i1 to i32
        %cond3A_108 = arith.constant 0 : i32
        %cond3A_109 = arith.cmpi ne, %convert_element_type3A_107, %cond3A_108 : i32
        scf.if %cond3A_109 {
          %add3A_144 = arith.constant 4 : i32
          %add3A_145 = arith.addi %add3A_96, %add3A_144 : i32
          %dma_start3A_146 = arith.constant 0 : i32
          %dma_start3A_147 = tpu.memref_slice %arg6[%add3A_145, %dma_start3A_146] : memref<16x64xi32, #tpu.memory_space<vmem>> -> memref<1x64xi32, #tpu.memory_space<vmem>>
          %dma_start3A_148 = tpu.memref_squeeze %dma_start3A_147 : memref<1x64xi32, #tpu.memory_space<vmem>> -> memref<64xi32, #tpu.memory_space<vmem>>
          %dma_start3A_149 = arith.constant 0 : i32
          %dma_start3A_150 = arith.constant 0 : i32
          %dma_start3A_151 = tpu.memref_slice %arg2[%dma_start3A_149, %dma_start3A_150] : memref<80000x128xf32, #tpu.memory_space<hbm>> -> memref<80000x128xf32, #tpu.memory_space<hbm>>
          tpu.enqueue_indirect_dma source(%dma_start3A_151 : memref<80000x128xf32, #tpu.memory_space<hbm>>) target(%arg9 : memref<64x128xf32, #tpu.memory_space<vmem>>) offsets(%dma_start3A_148 : memref<64xi32, #tpu.memory_space<vmem>>) semaphore(%arg13 : memref<!tpu.dma_semaphore, #tpu.memory_space<semaphore_mem>>)
        } else {
        }
        %mul3A_110 = arith.constant 4 : i32
        %mul3A_111 = arith.muli %mul3A_110, %scan3A_79 : i32
        %add3A_112 = arith.constant 2 : i32
        %add3A_113 = arith.addi %mul3A_111, %add3A_112 : i32
        %dma_wait3A_114 = arith.constant 0 : i32
        %dma_wait3A_115 = tpu.memref_slice %arg6[%add3A_113, %dma_wait3A_114] : memref<16x64xi32, #tpu.memory_space<vmem>> -> memref<1x64xi32, #tpu.memory_space<vmem>>
        %dma_wait3A_116 = tpu.memref_squeeze %dma_wait3A_115 : memref<1x64xi32, #tpu.memory_space<vmem>> -> memref<64xi32, #tpu.memory_space<vmem>>
        %dma_wait3A_117 = arith.constant 0 : i32
        %dma_wait3A_118 = arith.constant 0 : i32
        %dma_wait3A_119 = tpu.memref_slice %arg2[%dma_wait3A_117, %dma_wait3A_118] : memref<80000x128xf32, #tpu.memory_space<hbm>> -> memref<80000x128xf32, #tpu.memory_space<hbm>>
        tpu.wait_indirect_dma semaphore(%arg14 : memref<!tpu.dma_semaphore, #tpu.memory_space<semaphore_mem>>) src(%dma_wait3A_119 : memref<80000x128xf32, #tpu.memory_space<hbm>>) dst(%arg10 : memref<64x128xf32, #tpu.memory_space<vmem>>)
        "tpu.region"() ({
          %run_scoped3A = tpu.sem_alloc : memref<!tpu.dma_semaphore, #tpu.memory_space<semaphore_mem>>
          %dma_start3A_144 = arith.constant 0 : i32
          %dma_start3A_145 = tpu.memref_slice %arg7[%add3A_113, %dma_start3A_144] : memref<16x64xi32, #tpu.memory_space<vmem>> -> memref<1x64xi32, #tpu.memory_space<vmem>>
          %dma_start3A_146 = tpu.memref_squeeze %dma_start3A_145 : memref<1x64xi32, #tpu.memory_space<vmem>> -> memref<64xi32, #tpu.memory_space<vmem>>
          %dma_start3A_147 = arith.constant 0 : i32
          %dma_start3A_148 = arith.constant 0 : i32
          %dma_start3A_149 = tpu.memref_slice %arg16[%dma_start3A_147, %dma_start3A_148] : memref<10112x128xf32, #tpu.memory_space<vmem_shared>> -> memref<10112x128xf32, #tpu.memory_space<vmem_shared>>
          tpu.enqueue_indirect_dma source(%arg10 : memref<64x128xf32, #tpu.memory_space<vmem>>) target(%dma_start3A_149 : memref<10112x128xf32, #tpu.memory_space<vmem_shared>>) offsets(%dma_start3A_146 : memref<64xi32, #tpu.memory_space<vmem>>) semaphore(%run_scoped3A : memref<!tpu.dma_semaphore, #tpu.memory_space<semaphore_mem>>) {add = true}
          %dma_wait3A_150 = arith.constant 0 : i32
          %dma_wait3A_151 = tpu.memref_slice %arg7[%add3A_113, %dma_wait3A_150] : memref<16x64xi32, #tpu.memory_space<vmem>> -> memref<1x64xi32, #tpu.memory_space<vmem>>
          %dma_wait3A_152 = tpu.memref_squeeze %dma_wait3A_151 : memref<1x64xi32, #tpu.memory_space<vmem>> -> memref<64xi32, #tpu.memory_space<vmem>>
          %dma_wait3A_153 = arith.constant 0 : i32
          %dma_wait3A_154 = arith.constant 0 : i32
          %dma_wait3A_155 = tpu.memref_slice %arg16[%dma_wait3A_153, %dma_wait3A_154] : memref<10112x128xf32, #tpu.memory_space<vmem_shared>> -> memref<10112x128xf32, #tpu.memory_space<vmem_shared>>
          tpu.wait_indirect_dma semaphore(%run_scoped3A : memref<!tpu.dma_semaphore, #tpu.memory_space<semaphore_mem>>) src(%arg10 : memref<64x128xf32, #tpu.memory_space<vmem>>) dst(%dma_wait3A_155 : memref<10112x128xf32, #tpu.memory_space<vmem_shared>>)
          tpu.yield
        }) : () -> ()
        %add3A_120 = arith.constant 4 : i32
        %add3A_121 = arith.addi %add3A_113, %add3A_120 : i32
        %lt3A_122 = arith.constant 16 : i32
        %lt3A_123 = arith.cmpi slt, %add3A_121, %lt3A_122 : i32
        %convert_element_type3A_124 = arith.extui %lt3A_123 : i1 to i32
        %cond3A_125 = arith.constant 0 : i32
        %cond3A_126 = arith.cmpi ne, %convert_element_type3A_124, %cond3A_125 : i32
        scf.if %cond3A_126 {
          %add3A_144 = arith.constant 4 : i32
          %add3A_145 = arith.addi %add3A_113, %add3A_144 : i32
          %dma_start3A_146 = arith.constant 0 : i32
          %dma_start3A_147 = tpu.memref_slice %arg6[%add3A_145, %dma_start3A_146] : memref<16x64xi32, #tpu.memory_space<vmem>> -> memref<1x64xi32, #tpu.memory_space<vmem>>
          %dma_start3A_148 = tpu.memref_squeeze %dma_start3A_147 : memref<1x64xi32, #tpu.memory_space<vmem>> -> memref<64xi32, #tpu.memory_space<vmem>>
          %dma_start3A_149 = arith.constant 0 : i32
          %dma_start3A_150 = arith.constant 0 : i32
          %dma_start3A_151 = tpu.memref_slice %arg2[%dma_start3A_149, %dma_start3A_150] : memref<80000x128xf32, #tpu.memory_space<hbm>> -> memref<80000x128xf32, #tpu.memory_space<hbm>>
          tpu.enqueue_indirect_dma source(%dma_start3A_151 : memref<80000x128xf32, #tpu.memory_space<hbm>>) target(%arg10 : memref<64x128xf32, #tpu.memory_space<vmem>>) offsets(%dma_start3A_148 : memref<64xi32, #tpu.memory_space<vmem>>) semaphore(%arg14 : memref<!tpu.dma_semaphore, #tpu.memory_space<semaphore_mem>>)
        } else {
        }
        %mul3A_127 = arith.constant 4 : i32
        %mul3A_128 = arith.muli %mul3A_127, %scan3A_79 : i32
        %add3A_129 = arith.constant 3 : i32
        %add3A_130 = arith.addi %mul3A_128, %add3A_129 : i32
        %dma_wait3A_131 = arith.constant 0 : i32
        %dma_wait3A_132 = tpu.memref_slice %arg6[%add3A_130, %dma_wait3A_131] : memref<16x64xi32, #tpu.memory_space<vmem>> -> memref<1x64xi32, #tpu.memory_space<vmem>>
        %dma_wait3A_133 = tpu.memref_squeeze %dma_wait3A_132 : memref<1x64xi32, #tpu.memory_space<vmem>> -> memref<64xi32, #tpu.memory_space<vmem>>
        %dma_wait3A_134 = arith.constant 0 : i32
        %dma_wait3A_135 = arith.constant 0 : i32
        %dma_wait3A_136 = tpu.memref_slice %arg2[%dma_wait3A_134, %dma_wait3A_135] : memref<80000x128xf32, #tpu.memory_space<hbm>> -> memref<80000x128xf32, #tpu.memory_space<hbm>>
        tpu.wait_indirect_dma semaphore(%arg15 : memref<!tpu.dma_semaphore, #tpu.memory_space<semaphore_mem>>) src(%dma_wait3A_136 : memref<80000x128xf32, #tpu.memory_space<hbm>>) dst(%arg11 : memref<64x128xf32, #tpu.memory_space<vmem>>)
        "tpu.region"() ({
          %run_scoped3A = tpu.sem_alloc : memref<!tpu.dma_semaphore, #tpu.memory_space<semaphore_mem>>
          %dma_start3A_144 = arith.constant 0 : i32
          %dma_start3A_145 = tpu.memref_slice %arg7[%add3A_130, %dma_start3A_144] : memref<16x64xi32, #tpu.memory_space<vmem>> -> memref<1x64xi32, #tpu.memory_space<vmem>>
          %dma_start3A_146 = tpu.memref_squeeze %dma_start3A_145 : memref<1x64xi32, #tpu.memory_space<vmem>> -> memref<64xi32, #tpu.memory_space<vmem>>
          %dma_start3A_147 = arith.constant 0 : i32
          %dma_start3A_148 = arith.constant 0 : i32
          %dma_start3A_149 = tpu.memref_slice %arg16[%dma_start3A_147, %dma_start3A_148] : memref<10112x128xf32, #tpu.memory_space<vmem_shared>> -> memref<10112x128xf32, #tpu.memory_space<vmem_shared>>
          tpu.enqueue_indirect_dma source(%arg11 : memref<64x128xf32, #tpu.memory_space<vmem>>) target(%dma_start3A_149 : memref<10112x128xf32, #tpu.memory_space<vmem_shared>>) offsets(%dma_start3A_146 : memref<64xi32, #tpu.memory_space<vmem>>) semaphore(%run_scoped3A : memref<!tpu.dma_semaphore, #tpu.memory_space<semaphore_mem>>) {add = true}
          %dma_wait3A_150 = arith.constant 0 : i32
          %dma_wait3A_151 = tpu.memref_slice %arg7[%add3A_130, %dma_wait3A_150] : memref<16x64xi32, #tpu.memory_space<vmem>> -> memref<1x64xi32, #tpu.memory_space<vmem>>
          %dma_wait3A_152 = tpu.memref_squeeze %dma_wait3A_151 : memref<1x64xi32, #tpu.memory_space<vmem>> -> memref<64xi32, #tpu.memory_space<vmem>>
          %dma_wait3A_153 = arith.constant 0 : i32
          %dma_wait3A_154 = arith.constant 0 : i32
          %dma_wait3A_155 = tpu.memref_slice %arg16[%dma_wait3A_153, %dma_wait3A_154] : memref<10112x128xf32, #tpu.memory_space<vmem_shared>> -> memref<10112x128xf32, #tpu.memory_space<vmem_shared>>
          tpu.wait_indirect_dma semaphore(%run_scoped3A : memref<!tpu.dma_semaphore, #tpu.memory_space<semaphore_mem>>) src(%arg11 : memref<64x128xf32, #tpu.memory_space<vmem>>) dst(%dma_wait3A_155 : memref<10112x128xf32, #tpu.memory_space<vmem_shared>>)
          tpu.yield
        }) : () -> ()
        %add3A_137 = arith.constant 4 : i32
        %add3A_138 = arith.addi %add3A_130, %add3A_137 : i32
        %lt3A_139 = arith.constant 16 : i32
        %lt3A_140 = arith.cmpi slt, %add3A_138, %lt3A_139 : i32
        %convert_element_type3A_141 = arith.extui %lt3A_140 : i1 to i32
        %cond3A_142 = arith.constant 0 : i32
        %cond3A_143 = arith.cmpi ne, %convert_element_type3A_141, %cond3A_142 : i32
        scf.if %cond3A_143 {
          %add3A_144 = arith.constant 4 : i32
          %add3A_145 = arith.addi %add3A_130, %add3A_144 : i32
          %dma_start3A_146 = arith.constant 0 : i32
          %dma_start3A_147 = tpu.memref_slice %arg6[%add3A_145, %dma_start3A_146] : memref<16x64xi32, #tpu.memory_space<vmem>> -> memref<1x64xi32, #tpu.memory_space<vmem>>
          %dma_start3A_148 = tpu.memref_squeeze %dma_start3A_147 : memref<1x64xi32, #tpu.memory_space<vmem>> -> memref<64xi32, #tpu.memory_space<vmem>>
          %dma_start3A_149 = arith.constant 0 : i32
          %dma_start3A_150 = arith.constant 0 : i32
          %dma_start3A_151 = tpu.memref_slice %arg2[%dma_start3A_149, %dma_start3A_150] : memref<80000x128xf32, #tpu.memory_space<hbm>> -> memref<80000x128xf32, #tpu.memory_space<hbm>>
          tpu.enqueue_indirect_dma source(%dma_start3A_151 : memref<80000x128xf32, #tpu.memory_space<hbm>>) target(%arg11 : memref<64x128xf32, #tpu.memory_space<vmem>>) offsets(%dma_start3A_148 : memref<64xi32, #tpu.memory_space<vmem>>) semaphore(%arg15 : memref<!tpu.dma_semaphore, #tpu.memory_space<semaphore_mem>>)
        } else {
        }
      }
      %scan3A_78 = arith.constant 4 : i32
    }
    %barrier3A_34 = arith.constant 0 : index
    tpu.barrier barrier_id(%barrier3A_34)
    %mul3A_35 = arith.constant 632 : i32
    %mul3A_36 = arith.muli %arg1, %mul3A_35 : i32
    %mul3A_37 = arith.constant 632 : i32
    %mul3A_38 = arith.muli %arg1, %mul3A_37 : i32
    "tpu.region"() ({
      %run_scoped3A = tpu.sem_alloc : memref<!tpu.dma_semaphore, #tpu.memory_space<semaphore_mem>>
      %dma_start3A = arith.constant 0 : i32
      %dma_start3A_39 = tpu.memref_slice %arg5[%arg0, %mul3A_38, %dma_start3A] : memref<2x10112x128xf32, #tpu.memory_space<hbm>> -> memref<1x632x128xf32, #tpu.memory_space<hbm>>
      %dma_start3A_40 = tpu.memref_squeeze %dma_start3A_39 : memref<1x632x128xf32, #tpu.memory_space<hbm>> -> memref<632x128xf32, #tpu.memory_space<hbm>>
      %dma_start3A_41 = arith.constant 0 : i32
      %dma_start3A_42 = tpu.memref_slice %arg16[%mul3A_36, %dma_start3A_41] : memref<10112x128xf32, #tpu.memory_space<vmem_shared>> -> memref<632x128xf32, #tpu.memory_space<vmem_shared>>
      tpu.enqueue_dma source(%dma_start3A_42 : memref<632x128xf32, #tpu.memory_space<vmem_shared>>) target(%dma_start3A_40 : memref<632x128xf32, #tpu.memory_space<hbm>>) target_semaphore(%run_scoped3A : memref<!tpu.dma_semaphore, #tpu.memory_space<semaphore_mem>>)
      %dma_wait3A = arith.constant 0 : i32
      %dma_wait3A_43 = tpu.memref_slice %arg5[%arg0, %mul3A_38, %dma_wait3A] : memref<2x10112x128xf32, #tpu.memory_space<hbm>> -> memref<1x632x128xf32, #tpu.memory_space<hbm>>
      %dma_wait3A_44 = tpu.memref_squeeze %dma_wait3A_43 : memref<1x632x128xf32, #tpu.memory_space<hbm>> -> memref<632x128xf32, #tpu.memory_space<hbm>>
      %dma_wait3A_45 = arith.constant 0 : i32
      %dma_wait3A_46 = tpu.memref_slice %arg16[%mul3A_36, %dma_wait3A_45] : memref<10112x128xf32, #tpu.memory_space<vmem_shared>> -> memref<632x128xf32, #tpu.memory_space<vmem_shared>>
      tpu.wait_dma2 semaphore(%run_scoped3A : memref<!tpu.dma_semaphore, #tpu.memory_space<semaphore_mem>>) src(%dma_wait3A_46 : memref<632x128xf32, #tpu.memory_space<vmem_shared>>) dst(%dma_wait3A_44 : memref<632x128xf32, #tpu.memory_space<hbm>>)
      tpu.yield
    }) : () -> ()
    return
  }
}

#map = affine_map<(d0, d1) -> (0, 0)>
#map1 = affine_map<(d0, d1) -> (0, 0, 0)>
module attributes {stable_mosaic.version = 14 : i64} {
  func.func @_edge_agg_body(%arg0: i32, %arg1: i32, %arg2: memref<80000x128xf32, #tpu.memory_space<hbm>>, %arg3: memref<5120x64xi32, #tpu.memory_space<hbm>>, %arg4: memref<5120x64xi32, #tpu.memory_space<hbm>>, %arg5: memref<2x10112x128xf32, #tpu.memory_space<hbm>>, %arg6: memref<16x64xi32, #tpu.memory_space<vmem>>, %arg7: memref<16x64xi32, #tpu.memory_space<vmem>>, %arg8: memref<64x128xf32, #tpu.memory_space<vmem>>, %arg9: memref<64x128xf32, #tpu.memory_space<vmem>>, %arg10: memref<64x128xf32, #tpu.memory_space<vmem>>, %arg11: memref<64x128xf32, #tpu.memory_space<vmem>>, %arg12: memref<!tpu.dma_semaphore, #tpu.memory_space<semaphore_mem>>, %arg13: memref<!tpu.dma_semaphore, #tpu.memory_space<semaphore_mem>>, %arg14: memref<!tpu.dma_semaphore, #tpu.memory_space<semaphore_mem>>, %arg15: memref<!tpu.dma_semaphore, #tpu.memory_space<semaphore_mem>>, %arg16: memref<10112x128xf32, #tpu.memory_space<vmem_shared>>) attributes {dimension_semantics = [#tpu.dimension_semantics<core_parallel>, #tpu.dimension_semantics<subcore_parallel>], iteration_bounds = array<i64: 2, 16>, scalar_prefetch = 0 : i64, scratch_operands = 11 : i64, tpu.core_type = #tpu.core_type<sc_vector_subcore>, window_params = [{transform_indices = #map}, {transform_indices = #map}, {transform_indices = #map}, {transform_indices = #map1}]} {
    %eq3A = arith.constant 0 : i32
    %eq3A_0 = arith.cmpi eq, %arg0, %eq3A : i32
    %mul3A = arith.constant 288 : i32
    %mul3A_1 = arith.muli %arg1, %mul3A : i32
    %mul3A_2 = arith.constant 32 : i32
    %mul3A_3 = arith.muli %arg1, %mul3A_2 : i32
    %add3A = arith.constant 4608 : i32
    %add3A_4 = arith.addi %add3A, %mul3A_3 : i32
    %select_n3A = arith.select %eq3A_0, %mul3A_1, %add3A_4 : i32
    %eq3A_5 = arith.constant 0 : i32
    %eq3A_6 = arith.cmpi eq, %arg0, %eq3A_5 : i32
    %jit3A = arith.constant 18 : i32
    %jit3A_7 = arith.constant 2 : i32
    %select_n3A_8 = arith.select %eq3A_6, %jit3A, %jit3A_7 : i32
    %broadcast_in_dim3A = arith.constant 0.000000e+00 : f32
    %broadcast_in_dim3A_9 = vector.broadcast %broadcast_in_dim3A : f32 to vector<16xf32>
    %scan3A = arith.constant 0 : i32
    %scan3A_10 = arith.constant 0 : i32
    %scan3A_11 = arith.constant 64 : i32
    %scan3A_12 = arith.addi %scan3A_10, %scan3A_11 : i32
    %scan3A_13 = arith.constant 1 : i32
    scf.for %scan3A_39 = %scan3A_10 to %scan3A_12 step %scan3A_13  : i32 {
      %swap3A = arith.index_cast %scan3A_39 : i32 to index
      %swap3A_40 = arith.constant 0 : index
      %swap3A_41 = tpu.vector_load %arg8[%swap3A, %swap3A_40] {strides = array<i32>} : memref<64x128xf32, #tpu.memory_space<vmem>>, vector<1x16xf32>,
      %swap3A_42 = vector.shape_cast %swap3A_41 : vector<1x16xf32> to vector<16xf32>
      %swap3A_43 = vector.shape_cast %broadcast_in_dim3A_9 : vector<16xf32> to vector<1x16xf32>
      tpu.vector_store %arg8[%swap3A, %swap3A_40], %swap3A_43 {strides = array<i32>} : memref<64x128xf32, #tpu.memory_space<vmem>>, vector<1x16xf32>,
      %swap3A_44 = arith.index_cast %scan3A_39 : i32 to index
      %swap3A_45 = arith.constant 16 : index
      %swap3A_46 = tpu.vector_load %arg8[%swap3A_44, %swap3A_45] {strides = array<i32>} : memref<64x128xf32, #tpu.memory_space<vmem>>, vector<1x16xf32>,
      %swap3A_47 = vector.shape_cast %swap3A_46 : vector<1x16xf32> to vector<16xf32>
      %swap3A_48 = vector.shape_cast %broadcast_in_dim3A_9 : vector<16xf32> to vector<1x16xf32>
      tpu.vector_store %arg8[%swap3A_44, %swap3A_45], %swap3A_48 {strides = array<i32>} : memref<64x128xf32, #tpu.memory_space<vmem>>, vector<1x16xf32>,
      %swap3A_49 = arith.index_cast %scan3A_39 : i32 to index
      %swap3A_50 = arith.constant 32 : index
      %swap3A_51 = tpu.vector_load %arg8[%swap3A_49, %swap3A_50] {strides = array<i32>} : memref<64x128xf32, #tpu.memory_space<vmem>>, vector<1x16xf32>,
      %swap3A_52 = vector.shape_cast %swap3A_51 : vector<1x16xf32> to vector<16xf32>
      %swap3A_53 = vector.shape_cast %broadcast_in_dim3A_9 : vector<16xf32> to vector<1x16xf32>
      tpu.vector_store %arg8[%swap3A_49, %swap3A_50], %swap3A_53 {strides = array<i32>} : memref<64x128xf32, #tpu.memory_space<vmem>>, vector<1x16xf32>,
      %swap3A_54 = arith.index_cast %scan3A_39 : i32 to index
      %swap3A_55 = arith.constant 48 : index
      %swap3A_56 = tpu.vector_load %arg8[%swap3A_54, %swap3A_55] {strides = array<i32>} : memref<64x128xf32, #tpu.memory_space<vmem>>, vector<1x16xf32>,
      %swap3A_57 = vector.shape_cast %swap3A_56 : vector<1x16xf32> to vector<16xf32>
      %swap3A_58 = vector.shape_cast %broadcast_in_dim3A_9 : vector<16xf32> to vector<1x16xf32>
      tpu.vector_store %arg8[%swap3A_54, %swap3A_55], %swap3A_58 {strides = array<i32>} : memref<64x128xf32, #tpu.memory_space<vmem>>, vector<1x16xf32>,
      %swap3A_59 = arith.index_cast %scan3A_39 : i32 to index
      %swap3A_60 = arith.constant 64 : index
      %swap3A_61 = tpu.vector_load %arg8[%swap3A_59, %swap3A_60] {strides = array<i32>} : memref<64x128xf32, #tpu.memory_space<vmem>>, vector<1x16xf32>,
      %swap3A_62 = vector.shape_cast %swap3A_61 : vector<1x16xf32> to vector<16xf32>
      %swap3A_63 = vector.shape_cast %broadcast_in_dim3A_9 : vector<16xf32> to vector<1x16xf32>
      tpu.vector_store %arg8[%swap3A_59, %swap3A_60], %swap3A_63 {strides = array<i32>} : memref<64x128xf32, #tpu.memory_space<vmem>>, vector<1x16xf32>,
      %swap3A_64 = arith.index_cast %scan3A_39 : i32 to index
      %swap3A_65 = arith.constant 80 : index
      %swap3A_66 = tpu.vector_load %arg8[%swap3A_64, %swap3A_65] {strides = array<i32>} : memref<64x128xf32, #tpu.memory_space<vmem>>, vector<1x16xf32>,
      %swap3A_67 = vector.shape_cast %swap3A_66 : vector<1x16xf32> to vector<16xf32>
      %swap3A_68 = vector.shape_cast %broadcast_in_dim3A_9 : vector<16xf32> to vector<1x16xf32>
      tpu.vector_store %arg8[%swap3A_64, %swap3A_65], %swap3A_68 {strides = array<i32>} : memref<64x128xf32, #tpu.memory_space<vmem>>, vector<1x16xf32>,
      %swap3A_69 = arith.index_cast %scan3A_39 : i32 to index
      %swap3A_70 = arith.constant 96 : index
      %swap3A_71 = tpu.vector_load %arg8[%swap3A_69, %swap3A_70] {strides = array<i32>} : memref<64x128xf32, #tpu.memory_space<vmem>>, vector<1x16xf32>,
      %swap3A_72 = vector.shape_cast %swap3A_71 : vector<1x16xf32> to vector<16xf32>
      %swap3A_73 = vector.shape_cast %broadcast_in_dim3A_9 : vector<16xf32> to vector<1x16xf32>
      tpu.vector_store %arg8[%swap3A_69, %swap3A_70], %swap3A_73 {strides = array<i32>} : memref<64x128xf32, #tpu.memory_space<vmem>>, vector<1x16xf32>,
      %swap3A_74 = arith.index_cast %scan3A_39 : i32 to index
      %swap3A_75 = arith.constant 112 : index
      %swap3A_76 = tpu.vector_load %arg8[%swap3A_74, %swap3A_75] {strides = array<i32>} : memref<64x128xf32, #tpu.memory_space<vmem>>, vector<1x16xf32>,
      %swap3A_77 = vector.shape_cast %swap3A_76 : vector<1x16xf32> to vector<16xf32>
      %swap3A_78 = vector.shape_cast %broadcast_in_dim3A_9 : vector<16xf32> to vector<1x16xf32>
      tpu.vector_store %arg8[%swap3A_74, %swap3A_75], %swap3A_78 {strides = array<i32>} : memref<64x128xf32, #tpu.memory_space<vmem>>, vector<1x16xf32>,
    }
    %scan3A_14 = arith.constant 64 : i32
    %scan3A_15 = arith.constant 0 : i32
    %scan3A_16 = arith.constant 0 : i32
    %scan3A_17 = arith.constant 9 : i32
    %scan3A_18 = arith.addi %scan3A_16, %scan3A_17 : i32
    %scan3A_19 = arith.constant 1 : i32
    scf.for %scan3A_39 = %scan3A_16 to %scan3A_18 step %scan3A_19  : i32 {
      %mul3A_40 = arith.constant 632 : i32
      %mul3A_41 = arith.muli %arg1, %mul3A_40 : i32
      %mul3A_42 = arith.constant 64 : i32
      %mul3A_43 = arith.muli %scan3A_39, %mul3A_42 : i32
      %add3A_44 = arith.addi %mul3A_41, %mul3A_43 : i32
      "tpu.region"() ({
        %run_scoped3A = tpu.sem_alloc : memref<!tpu.dma_semaphore, #tpu.memory_space<semaphore_mem>>
        %dma_start3A = arith.constant 0 : i32
        %dma_start3A_45 = tpu.memref_slice %arg16[%add3A_44, %dma_start3A] : memref<10112x128xf32, #tpu.memory_space<vmem_shared>> -> memref<64x128xf32, #tpu.memory_space<vmem_shared>>
        %dma_start3A_46 = arith.constant 0 : i32
        %dma_start3A_47 = tpu.memref_slice %arg16[%add3A_44, %dma_start3A_46] : memref<10112x128xf32, #tpu.memory_space<vmem_shared>> -> memref<64x128xf32, #tpu.memory_space<vmem_shared>>
        tpu.enqueue_dma source(%arg8 : memref<64x128xf32, #tpu.memory_space<vmem>>) target(%dma_start3A_47 : memref<64x128xf32, #tpu.memory_space<vmem_shared>>) target_semaphore(%run_scoped3A : memref<!tpu.dma_semaphore, #tpu.memory_space<semaphore_mem>>)
        %dma_wait3A = arith.constant 0 : i32
        %dma_wait3A_48 = tpu.memref_slice %arg16[%add3A_44, %dma_wait3A] : memref<10112x128xf32, #tpu.memory_space<vmem_shared>> -> memref<64x128xf32, #tpu.memory_space<vmem_shared>>
        %dma_wait3A_49 = arith.constant 0 : i32
        %dma_wait3A_50 = tpu.memref_slice %arg16[%add3A_44, %dma_wait3A_49] : memref<10112x128xf32, #tpu.memory_space<vmem_shared>> -> memref<64x128xf32, #tpu.memory_space<vmem_shared>>
        tpu.wait_dma2 semaphore(%run_scoped3A : memref<!tpu.dma_semaphore, #tpu.memory_space<semaphore_mem>>) src(%arg8 : memref<64x128xf32, #tpu.memory_space<vmem>>) dst(%dma_wait3A_50 : memref<64x128xf32, #tpu.memory_space<vmem_shared>>)
        tpu.yield
      }) : () -> ()
    }
    %scan3A_20 = arith.constant 9 : i32
    %mul3A_21 = arith.constant 632 : i32
    %mul3A_22 = arith.muli %arg1, %mul3A_21 : i32
    %add3A_23 = arith.constant 576 : i32
    %add3A_24 = arith.addi %mul3A_22, %add3A_23 : i32
    "tpu.region"() ({
      %run_scoped3A = tpu.sem_alloc : memref<!tpu.dma_semaphore, #tpu.memory_space<semaphore_mem>>
      %dma_start3A = arith.constant 0 : i32
      %dma_start3A_39 = arith.constant 0 : i32
      %dma_start3A_40 = tpu.memref_slice %arg8[%dma_start3A, %dma_start3A_39] : memref<64x128xf32, #tpu.memory_space<vmem>> -> memref<56x128xf32, #tpu.memory_space<vmem>>
      %dma_start3A_41 = arith.constant 0 : i32
      %dma_start3A_42 = tpu.memref_slice %arg16[%add3A_24, %dma_start3A_41] : memref<10112x128xf32, #tpu.memory_space<vmem_shared>> -> memref<56x128xf32, #tpu.memory_space<vmem_shared>>
      %dma_start3A_43 = arith.constant 0 : i32
      %dma_start3A_44 = tpu.memref_slice %arg16[%add3A_24, %dma_start3A_43] : memref<10112x128xf32, #tpu.memory_space<vmem_shared>> -> memref<56x128xf32, #tpu.memory_space<vmem_shared>>
      %dma_start3A_45 = arith.constant 0 : i32
      %dma_start3A_46 = arith.constant 0 : i32
      %dma_start3A_47 = tpu.memref_slice %arg8[%dma_start3A_45, %dma_start3A_46] : memref<64x128xf32, #tpu.memory_space<vmem>> -> memref<56x128xf32, #tpu.memory_space<vmem>>
      tpu.enqueue_dma source(%dma_start3A_47 : memref<56x128xf32, #tpu.memory_space<vmem>>) target(%dma_start3A_44 : memref<56x128xf32, #tpu.memory_space<vmem_shared>>) target_semaphore(%run_scoped3A : memref<!tpu.dma_semaphore, #tpu.memory_space<semaphore_mem>>)
      %dma_wait3A = arith.constant 0 : i32
      %dma_wait3A_48 = arith.constant 0 : i32
      %dma_wait3A_49 = tpu.memref_slice %arg8[%dma_wait3A, %dma_wait3A_48] : memref<64x128xf32, #tpu.memory_space<vmem>> -> memref<56x128xf32, #tpu.memory_space<vmem>>
      %dma_wait3A_50 = arith.constant 0 : i32
      %dma_wait3A_51 = tpu.memref_slice %arg16[%add3A_24, %dma_wait3A_50] : memref<10112x128xf32, #tpu.memory_space<vmem_shared>> -> memref<56x128xf32, #tpu.memory_space<vmem_shared>>
      %dma_wait3A_52 = arith.constant 0 : i32
      %dma_wait3A_53 = tpu.memref_slice %arg16[%add3A_24, %dma_wait3A_52] : memref<10112x128xf32, #tpu.memory_space<vmem_shared>> -> memref<56x128xf32, #tpu.memory_space<vmem_shared>>
      %dma_wait3A_54 = arith.constant 0 : i32
      %dma_wait3A_55 = arith.constant 0 : i32
      %dma_wait3A_56 = tpu.memref_slice %arg8[%dma_wait3A_54, %dma_wait3A_55] : memref<64x128xf32, #tpu.memory_space<vmem>> -> memref<56x128xf32, #tpu.memory_space<vmem>>
      tpu.wait_dma2 semaphore(%run_scoped3A : memref<!tpu.dma_semaphore, #tpu.memory_space<semaphore_mem>>) src(%dma_wait3A_56 : memref<56x128xf32, #tpu.memory_space<vmem>>) dst(%dma_wait3A_53 : memref<56x128xf32, #tpu.memory_space<vmem_shared>>)
      tpu.yield
    }) : () -> ()
    %barrier3A = arith.constant 0 : index
    tpu.barrier barrier_id(%barrier3A)
    %while3A = arith.constant 0 : i32
    %while3A_25 = arith.constant 0 : i32
    %while3A_26 = arith.subi %select_n3A_8, %while3A_25 : i32
    %while3A_27 = arith.addi %while3A_25, %while3A_26 : i32
    %while3A_28 = arith.constant 1 : i32
    %while3A_29 = arith.divsi %while3A_26, %while3A_28 : i32
    %while3A_30 = arith.muli %while3A_29, %while3A_28 : i32
    %while3A_31 = arith.addi %while3A_25, %while3A_30 : i32
    %while3A_32 = arith.constant 1 : i32
    scf.for %while3A_39 = %while3A_25 to %while3A_31 step %while3A_32  : i32 {
      %mul3A_40 = arith.constant 16 : i32
      %mul3A_41 = arith.muli %while3A_39, %mul3A_40 : i32
      %add3A_42 = arith.addi %select_n3A, %mul3A_41 : i32
      "tpu.region"() ({
        %run_scoped3A = tpu.sem_alloc : memref<!tpu.dma_semaphore, #tpu.memory_space<semaphore_mem>>
        %dma_start3A_79 = arith.constant 0 : i32
        %dma_start3A_80 = tpu.memref_slice %arg3[%add3A_42, %dma_start3A_79] : memref<5120x64xi32, #tpu.memory_space<hbm>> -> memref<16x64xi32, #tpu.memory_space<hbm>>
        %dma_start3A_81 = arith.constant 0 : i32
        %dma_start3A_82 = tpu.memref_slice %arg3[%add3A_42, %dma_start3A_81] : memref<5120x64xi32, #tpu.memory_space<hbm>> -> memref<16x64xi32, #tpu.memory_space<hbm>>
        tpu.enqueue_dma source(%dma_start3A_82 : memref<16x64xi32, #tpu.memory_space<hbm>>) target(%arg6 : memref<16x64xi32, #tpu.memory_space<vmem>>) target_semaphore(%run_scoped3A : memref<!tpu.dma_semaphore, #tpu.memory_space<semaphore_mem>>)
        %dma_wait3A = arith.constant 0 : i32
        %dma_wait3A_83 = tpu.memref_slice %arg3[%add3A_42, %dma_wait3A] : memref<5120x64xi32, #tpu.memory_space<hbm>> -> memref<16x64xi32, #tpu.memory_space<hbm>>
        %dma_wait3A_84 = arith.constant 0 : i32
        %dma_wait3A_85 = tpu.memref_slice %arg3[%add3A_42, %dma_wait3A_84] : memref<5120x64xi32, #tpu.memory_space<hbm>> -> memref<16x64xi32, #tpu.memory_space<hbm>>
        tpu.wait_dma2 semaphore(%run_scoped3A : memref<!tpu.dma_semaphore, #tpu.memory_space<semaphore_mem>>) src(%dma_wait3A_85 : memref<16x64xi32, #tpu.memory_space<hbm>>) dst(%arg6 : memref<16x64xi32, #tpu.memory_space<vmem>>)
        tpu.yield
      }) : () -> ()
      %mul3A_43 = arith.constant 16 : i32
      %mul3A_44 = arith.muli %while3A_39, %mul3A_43 : i32
      %add3A_45 = arith.addi %select_n3A, %mul3A_44 : i32
      "tpu.region"() ({
        %run_scoped3A = tpu.sem_alloc : memref<!tpu.dma_semaphore, #tpu.memory_space<semaphore_mem>>
        %dma_start3A_79 = arith.constant 0 : i32
        %dma_start3A_80 = tpu.memref_slice %arg4[%add3A_45, %dma_start3A_79] : memref<5120x64xi32, #tpu.memory_space<hbm>> -> memref<16x64xi32, #tpu.memory_space<hbm>>
        %dma_start3A_81 = arith.constant 0 : i32
        %dma_start3A_82 = tpu.memref_slice %arg4[%add3A_45, %dma_start3A_81] : memref<5120x64xi32, #tpu.memory_space<hbm>> -> memref<16x64xi32, #tpu.memory_space<hbm>>
        tpu.enqueue_dma source(%dma_start3A_82 : memref<16x64xi32, #tpu.memory_space<hbm>>) target(%arg7 : memref<16x64xi32, #tpu.memory_space<vmem>>) target_semaphore(%run_scoped3A : memref<!tpu.dma_semaphore, #tpu.memory_space<semaphore_mem>>)
        %dma_wait3A = arith.constant 0 : i32
        %dma_wait3A_83 = tpu.memref_slice %arg4[%add3A_45, %dma_wait3A] : memref<5120x64xi32, #tpu.memory_space<hbm>> -> memref<16x64xi32, #tpu.memory_space<hbm>>
        %dma_wait3A_84 = arith.constant 0 : i32
        %dma_wait3A_85 = tpu.memref_slice %arg4[%add3A_45, %dma_wait3A_84] : memref<5120x64xi32, #tpu.memory_space<hbm>> -> memref<16x64xi32, #tpu.memory_space<hbm>>
        tpu.wait_dma2 semaphore(%run_scoped3A : memref<!tpu.dma_semaphore, #tpu.memory_space<semaphore_mem>>) src(%dma_wait3A_85 : memref<16x64xi32, #tpu.memory_space<hbm>>) dst(%arg7 : memref<16x64xi32, #tpu.memory_space<vmem>>)
        tpu.yield
      }) : () -> ()
      %dma_start3A = arith.constant 0 : i32
      %dma_start3A_46 = arith.constant 0 : i32
      %dma_start3A_47 = tpu.memref_slice %arg6[%dma_start3A, %dma_start3A_46] : memref<16x64xi32, #tpu.memory_space<vmem>> -> memref<1x64xi32, #tpu.memory_space<vmem>>
      %dma_start3A_48 = tpu.memref_squeeze %dma_start3A_47 : memref<1x64xi32, #tpu.memory_space<vmem>> -> memref<64xi32, #tpu.memory_space<vmem>>
      %dma_start3A_49 = arith.constant 0 : i32
      %dma_start3A_50 = arith.constant 0 : i32
      %dma_start3A_51 = tpu.memref_slice %arg2[%dma_start3A_49, %dma_start3A_50] : memref<80000x128xf32, #tpu.memory_space<hbm>> -> memref<80000x128xf32, #tpu.memory_space<hbm>>
      tpu.enqueue_indirect_dma source(%dma_start3A_51 : memref<80000x128xf32, #tpu.memory_space<hbm>>) target(%arg8 : memref<64x128xf32, #tpu.memory_space<vmem>>) offsets(%dma_start3A_48 : memref<64xi32, #tpu.memory_space<vmem>>) semaphore(%arg12 : memref<!tpu.dma_semaphore, #tpu.memory_space<semaphore_mem>>)
      %dma_start3A_52 = arith.constant 1 : i32
      %dma_start3A_53 = arith.constant 0 : i32
      %dma_start3A_54 = tpu.memref_slice %arg6[%dma_start3A_52, %dma_start3A_53] : memref<16x64xi32, #tpu.memory_space<vmem>> -> memref<1x64xi32, #tpu.memory_space<vmem>>
      %dma_start3A_55 = tpu.memref_squeeze %dma_start3A_54 : memref<1x64xi32, #tpu.memory_space<vmem>> -> memref<64xi32, #tpu.memory_space<vmem>>
      %dma_start3A_56 = arith.constant 0 : i32
      %dma_start3A_57 = arith.constant 0 : i32
      %dma_start3A_58 = tpu.memref_slice %arg2[%dma_start3A_56, %dma_start3A_57] : memref<80000x128xf32, #tpu.memory_space<hbm>> -> memref<80000x128xf32, #tpu.memory_space<hbm>>
      tpu.enqueue_indirect_dma source(%dma_start3A_58 : memref<80000x128xf32, #tpu.memory_space<hbm>>) target(%arg9 : memref<64x128xf32, #tpu.memory_space<vmem>>) offsets(%dma_start3A_55 : memref<64xi32, #tpu.memory_space<vmem>>) semaphore(%arg13 : memref<!tpu.dma_semaphore, #tpu.memory_space<semaphore_mem>>)
      %dma_start3A_59 = arith.constant 2 : i32
      %dma_start3A_60 = arith.constant 0 : i32
      %dma_start3A_61 = tpu.memref_slice %arg6[%dma_start3A_59, %dma_start3A_60] : memref<16x64xi32, #tpu.memory_space<vmem>> -> memref<1x64xi32, #tpu.memory_space<vmem>>
      %dma_start3A_62 = tpu.memref_squeeze %dma_start3A_61 : memref<1x64xi32, #tpu.memory_space<vmem>> -> memref<64xi32, #tpu.memory_space<vmem>>
      %dma_start3A_63 = arith.constant 0 : i32
      %dma_start3A_64 = arith.constant 0 : i32
      %dma_start3A_65 = tpu.memref_slice %arg2[%dma_start3A_63, %dma_start3A_64] : memref<80000x128xf32, #tpu.memory_space<hbm>> -> memref<80000x128xf32, #tpu.memory_space<hbm>>
      tpu.enqueue_indirect_dma source(%dma_start3A_65 : memref<80000x128xf32, #tpu.memory_space<hbm>>) target(%arg10 : memref<64x128xf32, #tpu.memory_space<vmem>>) offsets(%dma_start3A_62 : memref<64xi32, #tpu.memory_space<vmem>>) semaphore(%arg14 : memref<!tpu.dma_semaphore, #tpu.memory_space<semaphore_mem>>)
      %dma_start3A_66 = arith.constant 3 : i32
      %dma_start3A_67 = arith.constant 0 : i32
      %dma_start3A_68 = tpu.memref_slice %arg6[%dma_start3A_66, %dma_start3A_67] : memref<16x64xi32, #tpu.memory_space<vmem>> -> memref<1x64xi32, #tpu.memory_space<vmem>>
      %dma_start3A_69 = tpu.memref_squeeze %dma_start3A_68 : memref<1x64xi32, #tpu.memory_space<vmem>> -> memref<64xi32, #tpu.memory_space<vmem>>
      %dma_start3A_70 = arith.constant 0 : i32
      %dma_start3A_71 = arith.constant 0 : i32
      %dma_start3A_72 = tpu.memref_slice %arg2[%dma_start3A_70, %dma_start3A_71] : memref<80000x128xf32, #tpu.memory_space<hbm>> -> memref<80000x128xf32, #tpu.memory_space<hbm>>
      tpu.enqueue_indirect_dma source(%dma_start3A_72 : memref<80000x128xf32, #tpu.memory_space<hbm>>) target(%arg11 : memref<64x128xf32, #tpu.memory_space<vmem>>) offsets(%dma_start3A_69 : memref<64xi32, #tpu.memory_space<vmem>>) semaphore(%arg15 : memref<!tpu.dma_semaphore, #tpu.memory_space<semaphore_mem>>)
      %scan3A_73 = arith.constant 0 : i32
      %scan3A_74 = arith.constant 0 : i32
      %scan3A_75 = arith.constant 4 : i32
      %scan3A_76 = arith.addi %scan3A_74, %scan3A_75 : i32
      %scan3A_77 = arith.constant 1 : i32
      scf.for %scan3A_79 = %scan3A_74 to %scan3A_76 step %scan3A_77  : i32 {
        %mul3A_80 = arith.constant 4 : i32
        %mul3A_81 = arith.muli %mul3A_80, %scan3A_79 : i32
        %add3A_82 = arith.constant 0 : i32
        %add3A_83 = arith.addi %mul3A_81, %add3A_82 : i32
        %dma_wait3A = arith.constant 0 : i32
        %dma_wait3A_84 = tpu.memref_slice %arg6[%add3A_83, %dma_wait3A] : memref<16x64xi32, #tpu.memory_space<vmem>> -> memref<1x64xi32, #tpu.memory_space<vmem>>
        %dma_wait3A_85 = tpu.memref_squeeze %dma_wait3A_84 : memref<1x64xi32, #tpu.memory_space<vmem>> -> memref<64xi32, #tpu.memory_space<vmem>>
        %dma_wait3A_86 = arith.constant 0 : i32
        %dma_wait3A_87 = arith.constant 0 : i32
        %dma_wait3A_88 = tpu.memref_slice %arg2[%dma_wait3A_86, %dma_wait3A_87] : memref<80000x128xf32, #tpu.memory_space<hbm>> -> memref<80000x128xf32, #tpu.memory_space<hbm>>
        tpu.wait_indirect_dma semaphore(%arg12 : memref<!tpu.dma_semaphore, #tpu.memory_space<semaphore_mem>>) src(%dma_wait3A_88 : memref<80000x128xf32, #tpu.memory_space<hbm>>) dst(%arg8 : memref<64x128xf32, #tpu.memory_space<vmem>>)
        "tpu.region"() ({
          %run_scoped3A = tpu.sem_alloc : memref<!tpu.dma_semaphore, #tpu.memory_space<semaphore_mem>>
          %dma_start3A_144 = arith.constant 0 : i32
          %dma_start3A_145 = tpu.memref_slice %arg7[%add3A_83, %dma_start3A_144] : memref<16x64xi32, #tpu.memory_space<vmem>> -> memref<1x64xi32, #tpu.memory_space<vmem>>
          %dma_start3A_146 = tpu.memref_squeeze %dma_start3A_145 : memref<1x64xi32, #tpu.memory_space<vmem>> -> memref<64xi32, #tpu.memory_space<vmem>>
          %dma_start3A_147 = arith.constant 0 : i32
          %dma_start3A_148 = arith.constant 0 : i32
          %dma_start3A_149 = tpu.memref_slice %arg16[%dma_start3A_147, %dma_start3A_148] : memref<10112x128xf32, #tpu.memory_space<vmem_shared>> -> memref<10112x128xf32, #tpu.memory_space<vmem_shared>>
          tpu.enqueue_indirect_dma source(%arg8 : memref<64x128xf32, #tpu.memory_space<vmem>>) target(%dma_start3A_149 : memref<10112x128xf32, #tpu.memory_space<vmem_shared>>) offsets(%dma_start3A_146 : memref<64xi32, #tpu.memory_space<vmem>>) semaphore(%run_scoped3A : memref<!tpu.dma_semaphore, #tpu.memory_space<semaphore_mem>>) {add = true}
          %dma_wait3A_150 = arith.constant 0 : i32
          %dma_wait3A_151 = tpu.memref_slice %arg7[%add3A_83, %dma_wait3A_150] : memref<16x64xi32, #tpu.memory_space<vmem>> -> memref<1x64xi32, #tpu.memory_space<vmem>>
          %dma_wait3A_152 = tpu.memref_squeeze %dma_wait3A_151 : memref<1x64xi32, #tpu.memory_space<vmem>> -> memref<64xi32, #tpu.memory_space<vmem>>
          %dma_wait3A_153 = arith.constant 0 : i32
          %dma_wait3A_154 = arith.constant 0 : i32
          %dma_wait3A_155 = tpu.memref_slice %arg16[%dma_wait3A_153, %dma_wait3A_154] : memref<10112x128xf32, #tpu.memory_space<vmem_shared>> -> memref<10112x128xf32, #tpu.memory_space<vmem_shared>>
          tpu.wait_indirect_dma semaphore(%run_scoped3A : memref<!tpu.dma_semaphore, #tpu.memory_space<semaphore_mem>>) src(%arg8 : memref<64x128xf32, #tpu.memory_space<vmem>>) dst(%dma_wait3A_155 : memref<10112x128xf32, #tpu.memory_space<vmem_shared>>)
          tpu.yield
        }) : () -> ()
        %add3A_89 = arith.constant 4 : i32
        %add3A_90 = arith.addi %add3A_83, %add3A_89 : i32
        %lt3A = arith.constant 16 : i32
        %lt3A_91 = arith.cmpi slt, %add3A_90, %lt3A : i32
        %convert_element_type3A = arith.extui %lt3A_91 : i1 to i32
        %cond3A = arith.constant 0 : i32
        %cond3A_92 = arith.cmpi ne, %convert_element_type3A, %cond3A : i32
        scf.if %cond3A_92 {
          %add3A_144 = arith.constant 4 : i32
          %add3A_145 = arith.addi %add3A_83, %add3A_144 : i32
          %dma_start3A_146 = arith.constant 0 : i32
          %dma_start3A_147 = tpu.memref_slice %arg6[%add3A_145, %dma_start3A_146] : memref<16x64xi32, #tpu.memory_space<vmem>> -> memref<1x64xi32, #tpu.memory_space<vmem>>
          %dma_start3A_148 = tpu.memref_squeeze %dma_start3A_147 : memref<1x64xi32, #tpu.memory_space<vmem>> -> memref<64xi32, #tpu.memory_space<vmem>>
          %dma_start3A_149 = arith.constant 0 : i32
          %dma_start3A_150 = arith.constant 0 : i32
          %dma_start3A_151 = tpu.memref_slice %arg2[%dma_start3A_149, %dma_start3A_150] : memref<80000x128xf32, #tpu.memory_space<hbm>> -> memref<80000x128xf32, #tpu.memory_space<hbm>>
          tpu.enqueue_indirect_dma source(%dma_start3A_151 : memref<80000x128xf32, #tpu.memory_space<hbm>>) target(%arg8 : memref<64x128xf32, #tpu.memory_space<vmem>>) offsets(%dma_start3A_148 : memref<64xi32, #tpu.memory_space<vmem>>) semaphore(%arg12 : memref<!tpu.dma_semaphore, #tpu.memory_space<semaphore_mem>>)
        } else {
        }
        %mul3A_93 = arith.constant 4 : i32
        %mul3A_94 = arith.muli %mul3A_93, %scan3A_79 : i32
        %add3A_95 = arith.constant 1 : i32
        %add3A_96 = arith.addi %mul3A_94, %add3A_95 : i32
        %dma_wait3A_97 = arith.constant 0 : i32
        %dma_wait3A_98 = tpu.memref_slice %arg6[%add3A_96, %dma_wait3A_97] : memref<16x64xi32, #tpu.memory_space<vmem>> -> memref<1x64xi32, #tpu.memory_space<vmem>>
        %dma_wait3A_99 = tpu.memref_squeeze %dma_wait3A_98 : memref<1x64xi32, #tpu.memory_space<vmem>> -> memref<64xi32, #tpu.memory_space<vmem>>
        %dma_wait3A_100 = arith.constant 0 : i32
        %dma_wait3A_101 = arith.constant 0 : i32
        %dma_wait3A_102 = tpu.memref_slice %arg2[%dma_wait3A_100, %dma_wait3A_101] : memref<80000x128xf32, #tpu.memory_space<hbm>> -> memref<80000x128xf32, #tpu.memory_space<hbm>>
        tpu.wait_indirect_dma semaphore(%arg13 : memref<!tpu.dma_semaphore, #tpu.memory_space<semaphore_mem>>) src(%dma_wait3A_102 : memref<80000x128xf32, #tpu.memory_space<hbm>>) dst(%arg9 : memref<64x128xf32, #tpu.memory_space<vmem>>)
        "tpu.region"() ({
          %run_scoped3A = tpu.sem_alloc : memref<!tpu.dma_semaphore, #tpu.memory_space<semaphore_mem>>
          %dma_start3A_144 = arith.constant 0 : i32
          %dma_start3A_145 = tpu.memref_slice %arg7[%add3A_96, %dma_start3A_144] : memref<16x64xi32, #tpu.memory_space<vmem>> -> memref<1x64xi32, #tpu.memory_space<vmem>>
          %dma_start3A_146 = tpu.memref_squeeze %dma_start3A_145 : memref<1x64xi32, #tpu.memory_space<vmem>> -> memref<64xi32, #tpu.memory_space<vmem>>
          %dma_start3A_147 = arith.constant 0 : i32
          %dma_start3A_148 = arith.constant 0 : i32
          %dma_start3A_149 = tpu.memref_slice %arg16[%dma_start3A_147, %dma_start3A_148] : memref<10112x128xf32, #tpu.memory_space<vmem_shared>> -> memref<10112x128xf32, #tpu.memory_space<vmem_shared>>
          tpu.enqueue_indirect_dma source(%arg9 : memref<64x128xf32, #tpu.memory_space<vmem>>) target(%dma_start3A_149 : memref<10112x128xf32, #tpu.memory_space<vmem_shared>>) offsets(%dma_start3A_146 : memref<64xi32, #tpu.memory_space<vmem>>) semaphore(%run_scoped3A : memref<!tpu.dma_semaphore, #tpu.memory_space<semaphore_mem>>) {add = true}
          %dma_wait3A_150 = arith.constant 0 : i32
          %dma_wait3A_151 = tpu.memref_slice %arg7[%add3A_96, %dma_wait3A_150] : memref<16x64xi32, #tpu.memory_space<vmem>> -> memref<1x64xi32, #tpu.memory_space<vmem>>
          %dma_wait3A_152 = tpu.memref_squeeze %dma_wait3A_151 : memref<1x64xi32, #tpu.memory_space<vmem>> -> memref<64xi32, #tpu.memory_space<vmem>>
          %dma_wait3A_153 = arith.constant 0 : i32
          %dma_wait3A_154 = arith.constant 0 : i32
          %dma_wait3A_155 = tpu.memref_slice %arg16[%dma_wait3A_153, %dma_wait3A_154] : memref<10112x128xf32, #tpu.memory_space<vmem_shared>> -> memref<10112x128xf32, #tpu.memory_space<vmem_shared>>
          tpu.wait_indirect_dma semaphore(%run_scoped3A : memref<!tpu.dma_semaphore, #tpu.memory_space<semaphore_mem>>) src(%arg9 : memref<64x128xf32, #tpu.memory_space<vmem>>) dst(%dma_wait3A_155 : memref<10112x128xf32, #tpu.memory_space<vmem_shared>>)
          tpu.yield
        }) : () -> ()
        %add3A_103 = arith.constant 4 : i32
        %add3A_104 = arith.addi %add3A_96, %add3A_103 : i32
        %lt3A_105 = arith.constant 16 : i32
        %lt3A_106 = arith.cmpi slt, %add3A_104, %lt3A_105 : i32
        %convert_element_type3A_107 = arith.extui %lt3A_106 : i1 to i32
        %cond3A_108 = arith.constant 0 : i32
        %cond3A_109 = arith.cmpi ne, %convert_element_type3A_107, %cond3A_108 : i32
        scf.if %cond3A_109 {
          %add3A_144 = arith.constant 4 : i32
          %add3A_145 = arith.addi %add3A_96, %add3A_144 : i32
          %dma_start3A_146 = arith.constant 0 : i32
          %dma_start3A_147 = tpu.memref_slice %arg6[%add3A_145, %dma_start3A_146] : memref<16x64xi32, #tpu.memory_space<vmem>> -> memref<1x64xi32, #tpu.memory_space<vmem>>
          %dma_start3A_148 = tpu.memref_squeeze %dma_start3A_147 : memref<1x64xi32, #tpu.memory_space<vmem>> -> memref<64xi32, #tpu.memory_space<vmem>>
          %dma_start3A_149 = arith.constant 0 : i32
          %dma_start3A_150 = arith.constant 0 : i32
          %dma_start3A_151 = tpu.memref_slice %arg2[%dma_start3A_149, %dma_start3A_150] : memref<80000x128xf32, #tpu.memory_space<hbm>> -> memref<80000x128xf32, #tpu.memory_space<hbm>>
          tpu.enqueue_indirect_dma source(%dma_start3A_151 : memref<80000x128xf32, #tpu.memory_space<hbm>>) target(%arg9 : memref<64x128xf32, #tpu.memory_space<vmem>>) offsets(%dma_start3A_148 : memref<64xi32, #tpu.memory_space<vmem>>) semaphore(%arg13 : memref<!tpu.dma_semaphore, #tpu.memory_space<semaphore_mem>>)
        } else {
        }
        %mul3A_110 = arith.constant 4 : i32
        %mul3A_111 = arith.muli %mul3A_110, %scan3A_79 : i32
        %add3A_112 = arith.constant 2 : i32
        %add3A_113 = arith.addi %mul3A_111, %add3A_112 : i32
        %dma_wait3A_114 = arith.constant 0 : i32
        %dma_wait3A_115 = tpu.memref_slice %arg6[%add3A_113, %dma_wait3A_114] : memref<16x64xi32, #tpu.memory_space<vmem>> -> memref<1x64xi32, #tpu.memory_space<vmem>>
        %dma_wait3A_116 = tpu.memref_squeeze %dma_wait3A_115 : memref<1x64xi32, #tpu.memory_space<vmem>> -> memref<64xi32, #tpu.memory_space<vmem>>
        %dma_wait3A_117 = arith.constant 0 : i32
        %dma_wait3A_118 = arith.constant 0 : i32
        %dma_wait3A_119 = tpu.memref_slice %arg2[%dma_wait3A_117, %dma_wait3A_118] : memref<80000x128xf32, #tpu.memory_space<hbm>> -> memref<80000x128xf32, #tpu.memory_space<hbm>>
        tpu.wait_indirect_dma semaphore(%arg14 : memref<!tpu.dma_semaphore, #tpu.memory_space<semaphore_mem>>) src(%dma_wait3A_119 : memref<80000x128xf32, #tpu.memory_space<hbm>>) dst(%arg10 : memref<64x128xf32, #tpu.memory_space<vmem>>)
        "tpu.region"() ({
          %run_scoped3A = tpu.sem_alloc : memref<!tpu.dma_semaphore, #tpu.memory_space<semaphore_mem>>
          %dma_start3A_144 = arith.constant 0 : i32
          %dma_start3A_145 = tpu.memref_slice %arg7[%add3A_113, %dma_start3A_144] : memref<16x64xi32, #tpu.memory_space<vmem>> -> memref<1x64xi32, #tpu.memory_space<vmem>>
          %dma_start3A_146 = tpu.memref_squeeze %dma_start3A_145 : memref<1x64xi32, #tpu.memory_space<vmem>> -> memref<64xi32, #tpu.memory_space<vmem>>
          %dma_start3A_147 = arith.constant 0 : i32
          %dma_start3A_148 = arith.constant 0 : i32
          %dma_start3A_149 = tpu.memref_slice %arg16[%dma_start3A_147, %dma_start3A_148] : memref<10112x128xf32, #tpu.memory_space<vmem_shared>> -> memref<10112x128xf32, #tpu.memory_space<vmem_shared>>
          tpu.enqueue_indirect_dma source(%arg10 : memref<64x128xf32, #tpu.memory_space<vmem>>) target(%dma_start3A_149 : memref<10112x128xf32, #tpu.memory_space<vmem_shared>>) offsets(%dma_start3A_146 : memref<64xi32, #tpu.memory_space<vmem>>) semaphore(%run_scoped3A : memref<!tpu.dma_semaphore, #tpu.memory_space<semaphore_mem>>) {add = true}
          %dma_wait3A_150 = arith.constant 0 : i32
          %dma_wait3A_151 = tpu.memref_slice %arg7[%add3A_113, %dma_wait3A_150] : memref<16x64xi32, #tpu.memory_space<vmem>> -> memref<1x64xi32, #tpu.memory_space<vmem>>
          %dma_wait3A_152 = tpu.memref_squeeze %dma_wait3A_151 : memref<1x64xi32, #tpu.memory_space<vmem>> -> memref<64xi32, #tpu.memory_space<vmem>>
          %dma_wait3A_153 = arith.constant 0 : i32
          %dma_wait3A_154 = arith.constant 0 : i32
          %dma_wait3A_155 = tpu.memref_slice %arg16[%dma_wait3A_153, %dma_wait3A_154] : memref<10112x128xf32, #tpu.memory_space<vmem_shared>> -> memref<10112x128xf32, #tpu.memory_space<vmem_shared>>
          tpu.wait_indirect_dma semaphore(%run_scoped3A : memref<!tpu.dma_semaphore, #tpu.memory_space<semaphore_mem>>) src(%arg10 : memref<64x128xf32, #tpu.memory_space<vmem>>) dst(%dma_wait3A_155 : memref<10112x128xf32, #tpu.memory_space<vmem_shared>>)
          tpu.yield
        }) : () -> ()
        %add3A_120 = arith.constant 4 : i32
        %add3A_121 = arith.addi %add3A_113, %add3A_120 : i32
        %lt3A_122 = arith.constant 16 : i32
        %lt3A_123 = arith.cmpi slt, %add3A_121, %lt3A_122 : i32
        %convert_element_type3A_124 = arith.extui %lt3A_123 : i1 to i32
        %cond3A_125 = arith.constant 0 : i32
        %cond3A_126 = arith.cmpi ne, %convert_element_type3A_124, %cond3A_125 : i32
        scf.if %cond3A_126 {
          %add3A_144 = arith.constant 4 : i32
          %add3A_145 = arith.addi %add3A_113, %add3A_144 : i32
          %dma_start3A_146 = arith.constant 0 : i32
          %dma_start3A_147 = tpu.memref_slice %arg6[%add3A_145, %dma_start3A_146] : memref<16x64xi32, #tpu.memory_space<vmem>> -> memref<1x64xi32, #tpu.memory_space<vmem>>
          %dma_start3A_148 = tpu.memref_squeeze %dma_start3A_147 : memref<1x64xi32, #tpu.memory_space<vmem>> -> memref<64xi32, #tpu.memory_space<vmem>>
          %dma_start3A_149 = arith.constant 0 : i32
          %dma_start3A_150 = arith.constant 0 : i32
          %dma_start3A_151 = tpu.memref_slice %arg2[%dma_start3A_149, %dma_start3A_150] : memref<80000x128xf32, #tpu.memory_space<hbm>> -> memref<80000x128xf32, #tpu.memory_space<hbm>>
          tpu.enqueue_indirect_dma source(%dma_start3A_151 : memref<80000x128xf32, #tpu.memory_space<hbm>>) target(%arg10 : memref<64x128xf32, #tpu.memory_space<vmem>>) offsets(%dma_start3A_148 : memref<64xi32, #tpu.memory_space<vmem>>) semaphore(%arg14 : memref<!tpu.dma_semaphore, #tpu.memory_space<semaphore_mem>>)
        } else {
        }
        %mul3A_127 = arith.constant 4 : i32
        %mul3A_128 = arith.muli %mul3A_127, %scan3A_79 : i32
        %add3A_129 = arith.constant 3 : i32
        %add3A_130 = arith.addi %mul3A_128, %add3A_129 : i32
        %dma_wait3A_131 = arith.constant 0 : i32
        %dma_wait3A_132 = tpu.memref_slice %arg6[%add3A_130, %dma_wait3A_131] : memref<16x64xi32, #tpu.memory_space<vmem>> -> memref<1x64xi32, #tpu.memory_space<vmem>>
        %dma_wait3A_133 = tpu.memref_squeeze %dma_wait3A_132 : memref<1x64xi32, #tpu.memory_space<vmem>> -> memref<64xi32, #tpu.memory_space<vmem>>
        %dma_wait3A_134 = arith.constant 0 : i32
        %dma_wait3A_135 = arith.constant 0 : i32
        %dma_wait3A_136 = tpu.memref_slice %arg2[%dma_wait3A_134, %dma_wait3A_135] : memref<80000x128xf32, #tpu.memory_space<hbm>> -> memref<80000x128xf32, #tpu.memory_space<hbm>>
        tpu.wait_indirect_dma semaphore(%arg15 : memref<!tpu.dma_semaphore, #tpu.memory_space<semaphore_mem>>) src(%dma_wait3A_136 : memref<80000x128xf32, #tpu.memory_space<hbm>>) dst(%arg11 : memref<64x128xf32, #tpu.memory_space<vmem>>)
        "tpu.region"() ({
          %run_scoped3A = tpu.sem_alloc : memref<!tpu.dma_semaphore, #tpu.memory_space<semaphore_mem>>
          %dma_start3A_144 = arith.constant 0 : i32
          %dma_start3A_145 = tpu.memref_slice %arg7[%add3A_130, %dma_start3A_144] : memref<16x64xi32, #tpu.memory_space<vmem>> -> memref<1x64xi32, #tpu.memory_space<vmem>>
          %dma_start3A_146 = tpu.memref_squeeze %dma_start3A_145 : memref<1x64xi32, #tpu.memory_space<vmem>> -> memref<64xi32, #tpu.memory_space<vmem>>
          %dma_start3A_147 = arith.constant 0 : i32
          %dma_start3A_148 = arith.constant 0 : i32
          %dma_start3A_149 = tpu.memref_slice %arg16[%dma_start3A_147, %dma_start3A_148] : memref<10112x128xf32, #tpu.memory_space<vmem_shared>> -> memref<10112x128xf32, #tpu.memory_space<vmem_shared>>
          tpu.enqueue_indirect_dma source(%arg11 : memref<64x128xf32, #tpu.memory_space<vmem>>) target(%dma_start3A_149 : memref<10112x128xf32, #tpu.memory_space<vmem_shared>>) offsets(%dma_start3A_146 : memref<64xi32, #tpu.memory_space<vmem>>) semaphore(%run_scoped3A : memref<!tpu.dma_semaphore, #tpu.memory_space<semaphore_mem>>) {add = true}
          %dma_wait3A_150 = arith.constant 0 : i32
          %dma_wait3A_151 = tpu.memref_slice %arg7[%add3A_130, %dma_wait3A_150] : memref<16x64xi32, #tpu.memory_space<vmem>> -> memref<1x64xi32, #tpu.memory_space<vmem>>
          %dma_wait3A_152 = tpu.memref_squeeze %dma_wait3A_151 : memref<1x64xi32, #tpu.memory_space<vmem>> -> memref<64xi32, #tpu.memory_space<vmem>>
          %dma_wait3A_153 = arith.constant 0 : i32
          %dma_wait3A_154 = arith.constant 0 : i32
          %dma_wait3A_155 = tpu.memref_slice %arg16[%dma_wait3A_153, %dma_wait3A_154] : memref<10112x128xf32, #tpu.memory_space<vmem_shared>> -> memref<10112x128xf32, #tpu.memory_space<vmem_shared>>
          tpu.wait_indirect_dma semaphore(%run_scoped3A : memref<!tpu.dma_semaphore, #tpu.memory_space<semaphore_mem>>) src(%arg11 : memref<64x128xf32, #tpu.memory_space<vmem>>) dst(%dma_wait3A_155 : memref<10112x128xf32, #tpu.memory_space<vmem_shared>>)
          tpu.yield
        }) : () -> ()
        %add3A_137 = arith.constant 4 : i32
        %add3A_138 = arith.addi %add3A_130, %add3A_137 : i32
        %lt3A_139 = arith.constant 16 : i32
        %lt3A_140 = arith.cmpi slt, %add3A_138, %lt3A_139 : i32
        %convert_element_type3A_141 = arith.extui %lt3A_140 : i1 to i32
        %cond3A_142 = arith.constant 0 : i32
        %cond3A_143 = arith.cmpi ne, %convert_element_type3A_141, %cond3A_142 : i32
        scf.if %cond3A_143 {
          %add3A_144 = arith.constant 4 : i32
          %add3A_145 = arith.addi %add3A_130, %add3A_144 : i32
          %dma_start3A_146 = arith.constant 0 : i32
          %dma_start3A_147 = tpu.memref_slice %arg6[%add3A_145, %dma_start3A_146] : memref<16x64xi32, #tpu.memory_space<vmem>> -> memref<1x64xi32, #tpu.memory_space<vmem>>
          %dma_start3A_148 = tpu.memref_squeeze %dma_start3A_147 : memref<1x64xi32, #tpu.memory_space<vmem>> -> memref<64xi32, #tpu.memory_space<vmem>>
          %dma_start3A_149 = arith.constant 0 : i32
          %dma_start3A_150 = arith.constant 0 : i32
          %dma_start3A_151 = tpu.memref_slice %arg2[%dma_start3A_149, %dma_start3A_150] : memref<80000x128xf32, #tpu.memory_space<hbm>> -> memref<80000x128xf32, #tpu.memory_space<hbm>>
          tpu.enqueue_indirect_dma source(%dma_start3A_151 : memref<80000x128xf32, #tpu.memory_space<hbm>>) target(%arg11 : memref<64x128xf32, #tpu.memory_space<vmem>>) offsets(%dma_start3A_148 : memref<64xi32, #tpu.memory_space<vmem>>) semaphore(%arg15 : memref<!tpu.dma_semaphore, #tpu.memory_space<semaphore_mem>>)
        } else {
        }
      }
      %scan3A_78 = arith.constant 4 : i32
    }
    %while3A_33 = arith.constant 1 : i32
    scf.for %while3A_39 = %while3A_31 to %while3A_27 step %while3A_33  : i32 {
      %mul3A_40 = arith.constant 16 : i32
      %mul3A_41 = arith.muli %while3A_39, %mul3A_40 : i32
      %add3A_42 = arith.addi %select_n3A, %mul3A_41 : i32
      "tpu.region"() ({
        %run_scoped3A = tpu.sem_alloc : memref<!tpu.dma_semaphore, #tpu.memory_space<semaphore_mem>>
        %dma_start3A_79 = arith.constant 0 : i32
        %dma_start3A_80 = tpu.memref_slice %arg3[%add3A_42, %dma_start3A_79] : memref<5120x64xi32, #tpu.memory_space<hbm>> -> memref<16x64xi32, #tpu.memory_space<hbm>>
        %dma_start3A_81 = arith.constant 0 : i32
        %dma_start3A_82 = tpu.memref_slice %arg3[%add3A_42, %dma_start3A_81] : memref<5120x64xi32, #tpu.memory_space<hbm>> -> memref<16x64xi32, #tpu.memory_space<hbm>>
        tpu.enqueue_dma source(%dma_start3A_82 : memref<16x64xi32, #tpu.memory_space<hbm>>) target(%arg6 : memref<16x64xi32, #tpu.memory_space<vmem>>) target_semaphore(%run_scoped3A : memref<!tpu.dma_semaphore, #tpu.memory_space<semaphore_mem>>)
        %dma_wait3A = arith.constant 0 : i32
        %dma_wait3A_83 = tpu.memref_slice %arg3[%add3A_42, %dma_wait3A] : memref<5120x64xi32, #tpu.memory_space<hbm>> -> memref<16x64xi32, #tpu.memory_space<hbm>>
        %dma_wait3A_84 = arith.constant 0 : i32
        %dma_wait3A_85 = tpu.memref_slice %arg3[%add3A_42, %dma_wait3A_84] : memref<5120x64xi32, #tpu.memory_space<hbm>> -> memref<16x64xi32, #tpu.memory_space<hbm>>
        tpu.wait_dma2 semaphore(%run_scoped3A : memref<!tpu.dma_semaphore, #tpu.memory_space<semaphore_mem>>) src(%dma_wait3A_85 : memref<16x64xi32, #tpu.memory_space<hbm>>) dst(%arg6 : memref<16x64xi32, #tpu.memory_space<vmem>>)
        tpu.yield
      }) : () -> ()
      %mul3A_43 = arith.constant 16 : i32
      %mul3A_44 = arith.muli %while3A_39, %mul3A_43 : i32
      %add3A_45 = arith.addi %select_n3A, %mul3A_44 : i32
      "tpu.region"() ({
        %run_scoped3A = tpu.sem_alloc : memref<!tpu.dma_semaphore, #tpu.memory_space<semaphore_mem>>
        %dma_start3A_79 = arith.constant 0 : i32
        %dma_start3A_80 = tpu.memref_slice %arg4[%add3A_45, %dma_start3A_79] : memref<5120x64xi32, #tpu.memory_space<hbm>> -> memref<16x64xi32, #tpu.memory_space<hbm>>
        %dma_start3A_81 = arith.constant 0 : i32
        %dma_start3A_82 = tpu.memref_slice %arg4[%add3A_45, %dma_start3A_81] : memref<5120x64xi32, #tpu.memory_space<hbm>> -> memref<16x64xi32, #tpu.memory_space<hbm>>
        tpu.enqueue_dma source(%dma_start3A_82 : memref<16x64xi32, #tpu.memory_space<hbm>>) target(%arg7 : memref<16x64xi32, #tpu.memory_space<vmem>>) target_semaphore(%run_scoped3A : memref<!tpu.dma_semaphore, #tpu.memory_space<semaphore_mem>>)
        %dma_wait3A = arith.constant 0 : i32
        %dma_wait3A_83 = tpu.memref_slice %arg4[%add3A_45, %dma_wait3A] : memref<5120x64xi32, #tpu.memory_space<hbm>> -> memref<16x64xi32, #tpu.memory_space<hbm>>
        %dma_wait3A_84 = arith.constant 0 : i32
        %dma_wait3A_85 = tpu.memref_slice %arg4[%add3A_45, %dma_wait3A_84] : memref<5120x64xi32, #tpu.memory_space<hbm>> -> memref<16x64xi32, #tpu.memory_space<hbm>>
        tpu.wait_dma2 semaphore(%run_scoped3A : memref<!tpu.dma_semaphore, #tpu.memory_space<semaphore_mem>>) src(%dma_wait3A_85 : memref<16x64xi32, #tpu.memory_space<hbm>>) dst(%arg7 : memref<16x64xi32, #tpu.memory_space<vmem>>)
        tpu.yield
      }) : () -> ()
      %dma_start3A = arith.constant 0 : i32
      %dma_start3A_46 = arith.constant 0 : i32
      %dma_start3A_47 = tpu.memref_slice %arg6[%dma_start3A, %dma_start3A_46] : memref<16x64xi32, #tpu.memory_space<vmem>> -> memref<1x64xi32, #tpu.memory_space<vmem>>
      %dma_start3A_48 = tpu.memref_squeeze %dma_start3A_47 : memref<1x64xi32, #tpu.memory_space<vmem>> -> memref<64xi32, #tpu.memory_space<vmem>>
      %dma_start3A_49 = arith.constant 0 : i32
      %dma_start3A_50 = arith.constant 0 : i32
      %dma_start3A_51 = tpu.memref_slice %arg2[%dma_start3A_49, %dma_start3A_50] : memref<80000x128xf32, #tpu.memory_space<hbm>> -> memref<80000x128xf32, #tpu.memory_space<hbm>>
      tpu.enqueue_indirect_dma source(%dma_start3A_51 : memref<80000x128xf32, #tpu.memory_space<hbm>>) target(%arg8 : memref<64x128xf32, #tpu.memory_space<vmem>>) offsets(%dma_start3A_48 : memref<64xi32, #tpu.memory_space<vmem>>) semaphore(%arg12 : memref<!tpu.dma_semaphore, #tpu.memory_space<semaphore_mem>>)
      %dma_start3A_52 = arith.constant 1 : i32
      %dma_start3A_53 = arith.constant 0 : i32
      %dma_start3A_54 = tpu.memref_slice %arg6[%dma_start3A_52, %dma_start3A_53] : memref<16x64xi32, #tpu.memory_space<vmem>> -> memref<1x64xi32, #tpu.memory_space<vmem>>
      %dma_start3A_55 = tpu.memref_squeeze %dma_start3A_54 : memref<1x64xi32, #tpu.memory_space<vmem>> -> memref<64xi32, #tpu.memory_space<vmem>>
      %dma_start3A_56 = arith.constant 0 : i32
      %dma_start3A_57 = arith.constant 0 : i32
      %dma_start3A_58 = tpu.memref_slice %arg2[%dma_start3A_56, %dma_start3A_57] : memref<80000x128xf32, #tpu.memory_space<hbm>> -> memref<80000x128xf32, #tpu.memory_space<hbm>>
      tpu.enqueue_indirect_dma source(%dma_start3A_58 : memref<80000x128xf32, #tpu.memory_space<hbm>>) target(%arg9 : memref<64x128xf32, #tpu.memory_space<vmem>>) offsets(%dma_start3A_55 : memref<64xi32, #tpu.memory_space<vmem>>) semaphore(%arg13 : memref<!tpu.dma_semaphore, #tpu.memory_space<semaphore_mem>>)
      %dma_start3A_59 = arith.constant 2 : i32
      %dma_start3A_60 = arith.constant 0 : i32
      %dma_start3A_61 = tpu.memref_slice %arg6[%dma_start3A_59, %dma_start3A_60] : memref<16x64xi32, #tpu.memory_space<vmem>> -> memref<1x64xi32, #tpu.memory_space<vmem>>
      %dma_start3A_62 = tpu.memref_squeeze %dma_start3A_61 : memref<1x64xi32, #tpu.memory_space<vmem>> -> memref<64xi32, #tpu.memory_space<vmem>>
      %dma_start3A_63 = arith.constant 0 : i32
      %dma_start3A_64 = arith.constant 0 : i32
      %dma_start3A_65 = tpu.memref_slice %arg2[%dma_start3A_63, %dma_start3A_64] : memref<80000x128xf32, #tpu.memory_space<hbm>> -> memref<80000x128xf32, #tpu.memory_space<hbm>>
      tpu.enqueue_indirect_dma source(%dma_start3A_65 : memref<80000x128xf32, #tpu.memory_space<hbm>>) target(%arg10 : memref<64x128xf32, #tpu.memory_space<vmem>>) offsets(%dma_start3A_62 : memref<64xi32, #tpu.memory_space<vmem>>) semaphore(%arg14 : memref<!tpu.dma_semaphore, #tpu.memory_space<semaphore_mem>>)
      %dma_start3A_66 = arith.constant 3 : i32
      %dma_start3A_67 = arith.constant 0 : i32
      %dma_start3A_68 = tpu.memref_slice %arg6[%dma_start3A_66, %dma_start3A_67] : memref<16x64xi32, #tpu.memory_space<vmem>> -> memref<1x64xi32, #tpu.memory_space<vmem>>
      %dma_start3A_69 = tpu.memref_squeeze %dma_start3A_68 : memref<1x64xi32, #tpu.memory_space<vmem>> -> memref<64xi32, #tpu.memory_space<vmem>>
      %dma_start3A_70 = arith.constant 0 : i32
      %dma_start3A_71 = arith.constant 0 : i32
      %dma_start3A_72 = tpu.memref_slice %arg2[%dma_start3A_70, %dma_start3A_71] : memref<80000x128xf32, #tpu.memory_space<hbm>> -> memref<80000x128xf32, #tpu.memory_space<hbm>>
      tpu.enqueue_indirect_dma source(%dma_start3A_72 : memref<80000x128xf32, #tpu.memory_space<hbm>>) target(%arg11 : memref<64x128xf32, #tpu.memory_space<vmem>>) offsets(%dma_start3A_69 : memref<64xi32, #tpu.memory_space<vmem>>) semaphore(%arg15 : memref<!tpu.dma_semaphore, #tpu.memory_space<semaphore_mem>>)
      %scan3A_73 = arith.constant 0 : i32
      %scan3A_74 = arith.constant 0 : i32
      %scan3A_75 = arith.constant 4 : i32
      %scan3A_76 = arith.addi %scan3A_74, %scan3A_75 : i32
      %scan3A_77 = arith.constant 1 : i32
      scf.for %scan3A_79 = %scan3A_74 to %scan3A_76 step %scan3A_77  : i32 {
        %mul3A_80 = arith.constant 4 : i32
        %mul3A_81 = arith.muli %mul3A_80, %scan3A_79 : i32
        %add3A_82 = arith.constant 0 : i32
        %add3A_83 = arith.addi %mul3A_81, %add3A_82 : i32
        %dma_wait3A = arith.constant 0 : i32
        %dma_wait3A_84 = tpu.memref_slice %arg6[%add3A_83, %dma_wait3A] : memref<16x64xi32, #tpu.memory_space<vmem>> -> memref<1x64xi32, #tpu.memory_space<vmem>>
        %dma_wait3A_85 = tpu.memref_squeeze %dma_wait3A_84 : memref<1x64xi32, #tpu.memory_space<vmem>> -> memref<64xi32, #tpu.memory_space<vmem>>
        %dma_wait3A_86 = arith.constant 0 : i32
        %dma_wait3A_87 = arith.constant 0 : i32
        %dma_wait3A_88 = tpu.memref_slice %arg2[%dma_wait3A_86, %dma_wait3A_87] : memref<80000x128xf32, #tpu.memory_space<hbm>> -> memref<80000x128xf32, #tpu.memory_space<hbm>>
        tpu.wait_indirect_dma semaphore(%arg12 : memref<!tpu.dma_semaphore, #tpu.memory_space<semaphore_mem>>) src(%dma_wait3A_88 : memref<80000x128xf32, #tpu.memory_space<hbm>>) dst(%arg8 : memref<64x128xf32, #tpu.memory_space<vmem>>)
        "tpu.region"() ({
          %run_scoped3A = tpu.sem_alloc : memref<!tpu.dma_semaphore, #tpu.memory_space<semaphore_mem>>
          %dma_start3A_144 = arith.constant 0 : i32
          %dma_start3A_145 = tpu.memref_slice %arg7[%add3A_83, %dma_start3A_144] : memref<16x64xi32, #tpu.memory_space<vmem>> -> memref<1x64xi32, #tpu.memory_space<vmem>>
          %dma_start3A_146 = tpu.memref_squeeze %dma_start3A_145 : memref<1x64xi32, #tpu.memory_space<vmem>> -> memref<64xi32, #tpu.memory_space<vmem>>
          %dma_start3A_147 = arith.constant 0 : i32
          %dma_start3A_148 = arith.constant 0 : i32
          %dma_start3A_149 = tpu.memref_slice %arg16[%dma_start3A_147, %dma_start3A_148] : memref<10112x128xf32, #tpu.memory_space<vmem_shared>> -> memref<10112x128xf32, #tpu.memory_space<vmem_shared>>
          tpu.enqueue_indirect_dma source(%arg8 : memref<64x128xf32, #tpu.memory_space<vmem>>) target(%dma_start3A_149 : memref<10112x128xf32, #tpu.memory_space<vmem_shared>>) offsets(%dma_start3A_146 : memref<64xi32, #tpu.memory_space<vmem>>) semaphore(%run_scoped3A : memref<!tpu.dma_semaphore, #tpu.memory_space<semaphore_mem>>) {add = true}
          %dma_wait3A_150 = arith.constant 0 : i32
          %dma_wait3A_151 = tpu.memref_slice %arg7[%add3A_83, %dma_wait3A_150] : memref<16x64xi32, #tpu.memory_space<vmem>> -> memref<1x64xi32, #tpu.memory_space<vmem>>
          %dma_wait3A_152 = tpu.memref_squeeze %dma_wait3A_151 : memref<1x64xi32, #tpu.memory_space<vmem>> -> memref<64xi32, #tpu.memory_space<vmem>>
          %dma_wait3A_153 = arith.constant 0 : i32
          %dma_wait3A_154 = arith.constant 0 : i32
          %dma_wait3A_155 = tpu.memref_slice %arg16[%dma_wait3A_153, %dma_wait3A_154] : memref<10112x128xf32, #tpu.memory_space<vmem_shared>> -> memref<10112x128xf32, #tpu.memory_space<vmem_shared>>
          tpu.wait_indirect_dma semaphore(%run_scoped3A : memref<!tpu.dma_semaphore, #tpu.memory_space<semaphore_mem>>) src(%arg8 : memref<64x128xf32, #tpu.memory_space<vmem>>) dst(%dma_wait3A_155 : memref<10112x128xf32, #tpu.memory_space<vmem_shared>>)
          tpu.yield
        }) : () -> ()
        %add3A_89 = arith.constant 4 : i32
        %add3A_90 = arith.addi %add3A_83, %add3A_89 : i32
        %lt3A = arith.constant 16 : i32
        %lt3A_91 = arith.cmpi slt, %add3A_90, %lt3A : i32
        %convert_element_type3A = arith.extui %lt3A_91 : i1 to i32
        %cond3A = arith.constant 0 : i32
        %cond3A_92 = arith.cmpi ne, %convert_element_type3A, %cond3A : i32
        scf.if %cond3A_92 {
          %add3A_144 = arith.constant 4 : i32
          %add3A_145 = arith.addi %add3A_83, %add3A_144 : i32
          %dma_start3A_146 = arith.constant 0 : i32
          %dma_start3A_147 = tpu.memref_slice %arg6[%add3A_145, %dma_start3A_146] : memref<16x64xi32, #tpu.memory_space<vmem>> -> memref<1x64xi32, #tpu.memory_space<vmem>>
          %dma_start3A_148 = tpu.memref_squeeze %dma_start3A_147 : memref<1x64xi32, #tpu.memory_space<vmem>> -> memref<64xi32, #tpu.memory_space<vmem>>
          %dma_start3A_149 = arith.constant 0 : i32
          %dma_start3A_150 = arith.constant 0 : i32
          %dma_start3A_151 = tpu.memref_slice %arg2[%dma_start3A_149, %dma_start3A_150] : memref<80000x128xf32, #tpu.memory_space<hbm>> -> memref<80000x128xf32, #tpu.memory_space<hbm>>
          tpu.enqueue_indirect_dma source(%dma_start3A_151 : memref<80000x128xf32, #tpu.memory_space<hbm>>) target(%arg8 : memref<64x128xf32, #tpu.memory_space<vmem>>) offsets(%dma_start3A_148 : memref<64xi32, #tpu.memory_space<vmem>>) semaphore(%arg12 : memref<!tpu.dma_semaphore, #tpu.memory_space<semaphore_mem>>)
        } else {
        }
        %mul3A_93 = arith.constant 4 : i32
        %mul3A_94 = arith.muli %mul3A_93, %scan3A_79 : i32
        %add3A_95 = arith.constant 1 : i32
        %add3A_96 = arith.addi %mul3A_94, %add3A_95 : i32
        %dma_wait3A_97 = arith.constant 0 : i32
        %dma_wait3A_98 = tpu.memref_slice %arg6[%add3A_96, %dma_wait3A_97] : memref<16x64xi32, #tpu.memory_space<vmem>> -> memref<1x64xi32, #tpu.memory_space<vmem>>
        %dma_wait3A_99 = tpu.memref_squeeze %dma_wait3A_98 : memref<1x64xi32, #tpu.memory_space<vmem>> -> memref<64xi32, #tpu.memory_space<vmem>>
        %dma_wait3A_100 = arith.constant 0 : i32
        %dma_wait3A_101 = arith.constant 0 : i32
        %dma_wait3A_102 = tpu.memref_slice %arg2[%dma_wait3A_100, %dma_wait3A_101] : memref<80000x128xf32, #tpu.memory_space<hbm>> -> memref<80000x128xf32, #tpu.memory_space<hbm>>
        tpu.wait_indirect_dma semaphore(%arg13 : memref<!tpu.dma_semaphore, #tpu.memory_space<semaphore_mem>>) src(%dma_wait3A_102 : memref<80000x128xf32, #tpu.memory_space<hbm>>) dst(%arg9 : memref<64x128xf32, #tpu.memory_space<vmem>>)
        "tpu.region"() ({
          %run_scoped3A = tpu.sem_alloc : memref<!tpu.dma_semaphore, #tpu.memory_space<semaphore_mem>>
          %dma_start3A_144 = arith.constant 0 : i32
          %dma_start3A_145 = tpu.memref_slice %arg7[%add3A_96, %dma_start3A_144] : memref<16x64xi32, #tpu.memory_space<vmem>> -> memref<1x64xi32, #tpu.memory_space<vmem>>
          %dma_start3A_146 = tpu.memref_squeeze %dma_start3A_145 : memref<1x64xi32, #tpu.memory_space<vmem>> -> memref<64xi32, #tpu.memory_space<vmem>>
          %dma_start3A_147 = arith.constant 0 : i32
          %dma_start3A_148 = arith.constant 0 : i32
          %dma_start3A_149 = tpu.memref_slice %arg16[%dma_start3A_147, %dma_start3A_148] : memref<10112x128xf32, #tpu.memory_space<vmem_shared>> -> memref<10112x128xf32, #tpu.memory_space<vmem_shared>>
          tpu.enqueue_indirect_dma source(%arg9 : memref<64x128xf32, #tpu.memory_space<vmem>>) target(%dma_start3A_149 : memref<10112x128xf32, #tpu.memory_space<vmem_shared>>) offsets(%dma_start3A_146 : memref<64xi32, #tpu.memory_space<vmem>>) semaphore(%run_scoped3A : memref<!tpu.dma_semaphore, #tpu.memory_space<semaphore_mem>>) {add = true}
          %dma_wait3A_150 = arith.constant 0 : i32
          %dma_wait3A_151 = tpu.memref_slice %arg7[%add3A_96, %dma_wait3A_150] : memref<16x64xi32, #tpu.memory_space<vmem>> -> memref<1x64xi32, #tpu.memory_space<vmem>>
          %dma_wait3A_152 = tpu.memref_squeeze %dma_wait3A_151 : memref<1x64xi32, #tpu.memory_space<vmem>> -> memref<64xi32, #tpu.memory_space<vmem>>
          %dma_wait3A_153 = arith.constant 0 : i32
          %dma_wait3A_154 = arith.constant 0 : i32
          %dma_wait3A_155 = tpu.memref_slice %arg16[%dma_wait3A_153, %dma_wait3A_154] : memref<10112x128xf32, #tpu.memory_space<vmem_shared>> -> memref<10112x128xf32, #tpu.memory_space<vmem_shared>>
          tpu.wait_indirect_dma semaphore(%run_scoped3A : memref<!tpu.dma_semaphore, #tpu.memory_space<semaphore_mem>>) src(%arg9 : memref<64x128xf32, #tpu.memory_space<vmem>>) dst(%dma_wait3A_155 : memref<10112x128xf32, #tpu.memory_space<vmem_shared>>)
          tpu.yield
        }) : () -> ()
        %add3A_103 = arith.constant 4 : i32
        %add3A_104 = arith.addi %add3A_96, %add3A_103 : i32
        %lt3A_105 = arith.constant 16 : i32
        %lt3A_106 = arith.cmpi slt, %add3A_104, %lt3A_105 : i32
        %convert_element_type3A_107 = arith.extui %lt3A_106 : i1 to i32
        %cond3A_108 = arith.constant 0 : i32
        %cond3A_109 = arith.cmpi ne, %convert_element_type3A_107, %cond3A_108 : i32
        scf.if %cond3A_109 {
          %add3A_144 = arith.constant 4 : i32
          %add3A_145 = arith.addi %add3A_96, %add3A_144 : i32
          %dma_start3A_146 = arith.constant 0 : i32
          %dma_start3A_147 = tpu.memref_slice %arg6[%add3A_145, %dma_start3A_146] : memref<16x64xi32, #tpu.memory_space<vmem>> -> memref<1x64xi32, #tpu.memory_space<vmem>>
          %dma_start3A_148 = tpu.memref_squeeze %dma_start3A_147 : memref<1x64xi32, #tpu.memory_space<vmem>> -> memref<64xi32, #tpu.memory_space<vmem>>
          %dma_start3A_149 = arith.constant 0 : i32
          %dma_start3A_150 = arith.constant 0 : i32
          %dma_start3A_151 = tpu.memref_slice %arg2[%dma_start3A_149, %dma_start3A_150] : memref<80000x128xf32, #tpu.memory_space<hbm>> -> memref<80000x128xf32, #tpu.memory_space<hbm>>
          tpu.enqueue_indirect_dma source(%dma_start3A_151 : memref<80000x128xf32, #tpu.memory_space<hbm>>) target(%arg9 : memref<64x128xf32, #tpu.memory_space<vmem>>) offsets(%dma_start3A_148 : memref<64xi32, #tpu.memory_space<vmem>>) semaphore(%arg13 : memref<!tpu.dma_semaphore, #tpu.memory_space<semaphore_mem>>)
        } else {
        }
        %mul3A_110 = arith.constant 4 : i32
        %mul3A_111 = arith.muli %mul3A_110, %scan3A_79 : i32
        %add3A_112 = arith.constant 2 : i32
        %add3A_113 = arith.addi %mul3A_111, %add3A_112 : i32
        %dma_wait3A_114 = arith.constant 0 : i32
        %dma_wait3A_115 = tpu.memref_slice %arg6[%add3A_113, %dma_wait3A_114] : memref<16x64xi32, #tpu.memory_space<vmem>> -> memref<1x64xi32, #tpu.memory_space<vmem>>
        %dma_wait3A_116 = tpu.memref_squeeze %dma_wait3A_115 : memref<1x64xi32, #tpu.memory_space<vmem>> -> memref<64xi32, #tpu.memory_space<vmem>>
        %dma_wait3A_117 = arith.constant 0 : i32
        %dma_wait3A_118 = arith.constant 0 : i32
        %dma_wait3A_119 = tpu.memref_slice %arg2[%dma_wait3A_117, %dma_wait3A_118] : memref<80000x128xf32, #tpu.memory_space<hbm>> -> memref<80000x128xf32, #tpu.memory_space<hbm>>
        tpu.wait_indirect_dma semaphore(%arg14 : memref<!tpu.dma_semaphore, #tpu.memory_space<semaphore_mem>>) src(%dma_wait3A_119 : memref<80000x128xf32, #tpu.memory_space<hbm>>) dst(%arg10 : memref<64x128xf32, #tpu.memory_space<vmem>>)
        "tpu.region"() ({
          %run_scoped3A = tpu.sem_alloc : memref<!tpu.dma_semaphore, #tpu.memory_space<semaphore_mem>>
          %dma_start3A_144 = arith.constant 0 : i32
          %dma_start3A_145 = tpu.memref_slice %arg7[%add3A_113, %dma_start3A_144] : memref<16x64xi32, #tpu.memory_space<vmem>> -> memref<1x64xi32, #tpu.memory_space<vmem>>
          %dma_start3A_146 = tpu.memref_squeeze %dma_start3A_145 : memref<1x64xi32, #tpu.memory_space<vmem>> -> memref<64xi32, #tpu.memory_space<vmem>>
          %dma_start3A_147 = arith.constant 0 : i32
          %dma_start3A_148 = arith.constant 0 : i32
          %dma_start3A_149 = tpu.memref_slice %arg16[%dma_start3A_147, %dma_start3A_148] : memref<10112x128xf32, #tpu.memory_space<vmem_shared>> -> memref<10112x128xf32, #tpu.memory_space<vmem_shared>>
          tpu.enqueue_indirect_dma source(%arg10 : memref<64x128xf32, #tpu.memory_space<vmem>>) target(%dma_start3A_149 : memref<10112x128xf32, #tpu.memory_space<vmem_shared>>) offsets(%dma_start3A_146 : memref<64xi32, #tpu.memory_space<vmem>>) semaphore(%run_scoped3A : memref<!tpu.dma_semaphore, #tpu.memory_space<semaphore_mem>>) {add = true}
          %dma_wait3A_150 = arith.constant 0 : i32
          %dma_wait3A_151 = tpu.memref_slice %arg7[%add3A_113, %dma_wait3A_150] : memref<16x64xi32, #tpu.memory_space<vmem>> -> memref<1x64xi32, #tpu.memory_space<vmem>>
          %dma_wait3A_152 = tpu.memref_squeeze %dma_wait3A_151 : memref<1x64xi32, #tpu.memory_space<vmem>> -> memref<64xi32, #tpu.memory_space<vmem>>
          %dma_wait3A_153 = arith.constant 0 : i32
          %dma_wait3A_154 = arith.constant 0 : i32
          %dma_wait3A_155 = tpu.memref_slice %arg16[%dma_wait3A_153, %dma_wait3A_154] : memref<10112x128xf32, #tpu.memory_space<vmem_shared>> -> memref<10112x128xf32, #tpu.memory_space<vmem_shared>>
          tpu.wait_indirect_dma semaphore(%run_scoped3A : memref<!tpu.dma_semaphore, #tpu.memory_space<semaphore_mem>>) src(%arg10 : memref<64x128xf32, #tpu.memory_space<vmem>>) dst(%dma_wait3A_155 : memref<10112x128xf32, #tpu.memory_space<vmem_shared>>)
          tpu.yield
        }) : () -> ()
        %add3A_120 = arith.constant 4 : i32
        %add3A_121 = arith.addi %add3A_113, %add3A_120 : i32
        %lt3A_122 = arith.constant 16 : i32
        %lt3A_123 = arith.cmpi slt, %add3A_121, %lt3A_122 : i32
        %convert_element_type3A_124 = arith.extui %lt3A_123 : i1 to i32
        %cond3A_125 = arith.constant 0 : i32
        %cond3A_126 = arith.cmpi ne, %convert_element_type3A_124, %cond3A_125 : i32
        scf.if %cond3A_126 {
          %add3A_144 = arith.constant 4 : i32
          %add3A_145 = arith.addi %add3A_113, %add3A_144 : i32
          %dma_start3A_146 = arith.constant 0 : i32
          %dma_start3A_147 = tpu.memref_slice %arg6[%add3A_145, %dma_start3A_146] : memref<16x64xi32, #tpu.memory_space<vmem>> -> memref<1x64xi32, #tpu.memory_space<vmem>>
          %dma_start3A_148 = tpu.memref_squeeze %dma_start3A_147 : memref<1x64xi32, #tpu.memory_space<vmem>> -> memref<64xi32, #tpu.memory_space<vmem>>
          %dma_start3A_149 = arith.constant 0 : i32
          %dma_start3A_150 = arith.constant 0 : i32
          %dma_start3A_151 = tpu.memref_slice %arg2[%dma_start3A_149, %dma_start3A_150] : memref<80000x128xf32, #tpu.memory_space<hbm>> -> memref<80000x128xf32, #tpu.memory_space<hbm>>
          tpu.enqueue_indirect_dma source(%dma_start3A_151 : memref<80000x128xf32, #tpu.memory_space<hbm>>) target(%arg10 : memref<64x128xf32, #tpu.memory_space<vmem>>) offsets(%dma_start3A_148 : memref<64xi32, #tpu.memory_space<vmem>>) semaphore(%arg14 : memref<!tpu.dma_semaphore, #tpu.memory_space<semaphore_mem>>)
        } else {
        }
        %mul3A_127 = arith.constant 4 : i32
        %mul3A_128 = arith.muli %mul3A_127, %scan3A_79 : i32
        %add3A_129 = arith.constant 3 : i32
        %add3A_130 = arith.addi %mul3A_128, %add3A_129 : i32
        %dma_wait3A_131 = arith.constant 0 : i32
        %dma_wait3A_132 = tpu.memref_slice %arg6[%add3A_130, %dma_wait3A_131] : memref<16x64xi32, #tpu.memory_space<vmem>> -> memref<1x64xi32, #tpu.memory_space<vmem>>
        %dma_wait3A_133 = tpu.memref_squeeze %dma_wait3A_132 : memref<1x64xi32, #tpu.memory_space<vmem>> -> memref<64xi32, #tpu.memory_space<vmem>>
        %dma_wait3A_134 = arith.constant 0 : i32
        %dma_wait3A_135 = arith.constant 0 : i32
        %dma_wait3A_136 = tpu.memref_slice %arg2[%dma_wait3A_134, %dma_wait3A_135] : memref<80000x128xf32, #tpu.memory_space<hbm>> -> memref<80000x128xf32, #tpu.memory_space<hbm>>
        tpu.wait_indirect_dma semaphore(%arg15 : memref<!tpu.dma_semaphore, #tpu.memory_space<semaphore_mem>>) src(%dma_wait3A_136 : memref<80000x128xf32, #tpu.memory_space<hbm>>) dst(%arg11 : memref<64x128xf32, #tpu.memory_space<vmem>>)
        "tpu.region"() ({
          %run_scoped3A = tpu.sem_alloc : memref<!tpu.dma_semaphore, #tpu.memory_space<semaphore_mem>>
          %dma_start3A_144 = arith.constant 0 : i32
          %dma_start3A_145 = tpu.memref_slice %arg7[%add3A_130, %dma_start3A_144] : memref<16x64xi32, #tpu.memory_space<vmem>> -> memref<1x64xi32, #tpu.memory_space<vmem>>
          %dma_start3A_146 = tpu.memref_squeeze %dma_start3A_145 : memref<1x64xi32, #tpu.memory_space<vmem>> -> memref<64xi32, #tpu.memory_space<vmem>>
          %dma_start3A_147 = arith.constant 0 : i32
          %dma_start3A_148 = arith.constant 0 : i32
          %dma_start3A_149 = tpu.memref_slice %arg16[%dma_start3A_147, %dma_start3A_148] : memref<10112x128xf32, #tpu.memory_space<vmem_shared>> -> memref<10112x128xf32, #tpu.memory_space<vmem_shared>>
          tpu.enqueue_indirect_dma source(%arg11 : memref<64x128xf32, #tpu.memory_space<vmem>>) target(%dma_start3A_149 : memref<10112x128xf32, #tpu.memory_space<vmem_shared>>) offsets(%dma_start3A_146 : memref<64xi32, #tpu.memory_space<vmem>>) semaphore(%run_scoped3A : memref<!tpu.dma_semaphore, #tpu.memory_space<semaphore_mem>>) {add = true}
          %dma_wait3A_150 = arith.constant 0 : i32
          %dma_wait3A_151 = tpu.memref_slice %arg7[%add3A_130, %dma_wait3A_150] : memref<16x64xi32, #tpu.memory_space<vmem>> -> memref<1x64xi32, #tpu.memory_space<vmem>>
          %dma_wait3A_152 = tpu.memref_squeeze %dma_wait3A_151 : memref<1x64xi32, #tpu.memory_space<vmem>> -> memref<64xi32, #tpu.memory_space<vmem>>
          %dma_wait3A_153 = arith.constant 0 : i32
          %dma_wait3A_154 = arith.constant 0 : i32
          %dma_wait3A_155 = tpu.memref_slice %arg16[%dma_wait3A_153, %dma_wait3A_154] : memref<10112x128xf32, #tpu.memory_space<vmem_shared>> -> memref<10112x128xf32, #tpu.memory_space<vmem_shared>>
          tpu.wait_indirect_dma semaphore(%run_scoped3A : memref<!tpu.dma_semaphore, #tpu.memory_space<semaphore_mem>>) src(%arg11 : memref<64x128xf32, #tpu.memory_space<vmem>>) dst(%dma_wait3A_155 : memref<10112x128xf32, #tpu.memory_space<vmem_shared>>)
          tpu.yield
        }) : () -> ()
        %add3A_137 = arith.constant 4 : i32
        %add3A_138 = arith.addi %add3A_130, %add3A_137 : i32
        %lt3A_139 = arith.constant 16 : i32
        %lt3A_140 = arith.cmpi slt, %add3A_138, %lt3A_139 : i32
        %convert_element_type3A_141 = arith.extui %lt3A_140 : i1 to i32
        %cond3A_142 = arith.constant 0 : i32
        %cond3A_143 = arith.cmpi ne, %convert_element_type3A_141, %cond3A_142 : i32
        scf.if %cond3A_143 {
          %add3A_144 = arith.constant 4 : i32
          %add3A_145 = arith.addi %add3A_130, %add3A_144 : i32
          %dma_start3A_146 = arith.constant 0 : i32
          %dma_start3A_147 = tpu.memref_slice %arg6[%add3A_145, %dma_start3A_146] : memref<16x64xi32, #tpu.memory_space<vmem>> -> memref<1x64xi32, #tpu.memory_space<vmem>>
          %dma_start3A_148 = tpu.memref_squeeze %dma_start3A_147 : memref<1x64xi32, #tpu.memory_space<vmem>> -> memref<64xi32, #tpu.memory_space<vmem>>
          %dma_start3A_149 = arith.constant 0 : i32
          %dma_start3A_150 = arith.constant 0 : i32
          %dma_start3A_151 = tpu.memref_slice %arg2[%dma_start3A_149, %dma_start3A_150] : memref<80000x128xf32, #tpu.memory_space<hbm>> -> memref<80000x128xf32, #tpu.memory_space<hbm>>
          tpu.enqueue_indirect_dma source(%dma_start3A_151 : memref<80000x128xf32, #tpu.memory_space<hbm>>) target(%arg11 : memref<64x128xf32, #tpu.memory_space<vmem>>) offsets(%dma_start3A_148 : memref<64xi32, #tpu.memory_space<vmem>>) semaphore(%arg15 : memref<!tpu.dma_semaphore, #tpu.memory_space<semaphore_mem>>)
        } else {
        }
      }
      %scan3A_78 = arith.constant 4 : i32
    }
    %barrier3A_34 = arith.constant 0 : index
    tpu.barrier barrier_id(%barrier3A_34)
    %mul3A_35 = arith.constant 632 : i32
    %mul3A_36 = arith.muli %arg1, %mul3A_35 : i32
    %mul3A_37 = arith.constant 632 : i32
    %mul3A_38 = arith.muli %arg1, %mul3A_37 : i32
    "tpu.region"() ({
      %run_scoped3A = tpu.sem_alloc : memref<!tpu.dma_semaphore, #tpu.memory_space<semaphore_mem>>
      %dma_start3A = arith.constant 0 : i32
      %dma_start3A_39 = tpu.memref_slice %arg5[%arg0, %mul3A_38, %dma_start3A] : memref<2x10112x128xf32, #tpu.memory_space<hbm>> -> memref<1x632x128xf32, #tpu.memory_space<hbm>>
      %dma_start3A_40 = tpu.memref_squeeze %dma_start3A_39 : memref<1x632x128xf32, #tpu.memory_space<hbm>> -> memref<632x128xf32, #tpu.memory_space<hbm>>
      %dma_start3A_41 = arith.constant 0 : i32
      %dma_start3A_42 = tpu.memref_slice %arg16[%mul3A_36, %dma_start3A_41] : memref<10112x128xf32, #tpu.memory_space<vmem_shared>> -> memref<632x128xf32, #tpu.memory_space<vmem_shared>>
      tpu.enqueue_dma source(%dma_start3A_42 : memref<632x128xf32, #tpu.memory_space<vmem_shared>>) target(%dma_start3A_40 : memref<632x128xf32, #tpu.memory_space<hbm>>) target_semaphore(%run_scoped3A : memref<!tpu.dma_semaphore, #tpu.memory_space<semaphore_mem>>)
      %dma_wait3A = arith.constant 0 : i32
      %dma_wait3A_43 = tpu.memref_slice %arg5[%arg0, %mul3A_38, %dma_wait3A] : memref<2x10112x128xf32, #tpu.memory_space<hbm>> -> memref<1x632x128xf32, #tpu.memory_space<hbm>>
      %dma_wait3A_44 = tpu.memref_squeeze %dma_wait3A_43 : memref<1x632x128xf32, #tpu.memory_space<hbm>> -> memref<632x128xf32, #tpu.memory_space<hbm>>
      %dma_wait3A_45 = arith.constant 0 : i32
      %dma_wait3A_46 = tpu.memref_slice %arg16[%mul3A_36, %dma_wait3A_45] : memref<10112x128xf32, #tpu.memory_space<vmem_shared>> -> memref<632x128xf32, #tpu.memory_space<vmem_shared>>
      tpu.wait_dma2 semaphore(%run_scoped3A : memref<!tpu.dma_semaphore, #tpu.memory_space<semaphore_mem>>) src(%dma_wait3A_46 : memref<632x128xf32, #tpu.memory_space<vmem_shared>>) dst(%dma_wait3A_44 : memref<632x128xf32, #tpu.memory_space<hbm>>)
      tpu.yield
    }) : () -> ()
    return
  }
}

module attributes {stable_mosaic.version = 14 : i64} {
  func.func @_hin_body(%arg0: i32, %arg1: memref<1000x128xf32, #tpu.memory_space<vmem>>, %arg2: memref<128x128xf32, #tpu.memory_space<vmem>>, %arg3: memref<1x128xf32, #tpu.memory_space<vmem>>, %arg4: memref<1000x128xf32, #tpu.memory_space<vmem>>) attributes {dimension_semantics = [#tpu.dimension_semantics<arbitrary>], iteration_bounds = array<i64: 10>, scalar_prefetch = 0 : i64, scratch_operands = 0 : i64, tpu.core_type = #tpu.core_type<tc>, window_params = [{transform_indices = @transform_0, window_bounds = array<i64: 1000, 128>}, {pipeline_mode = #tpu.pipeline_mode<synchronous>, transform_indices = @transform_1, window_bounds = array<i64: 128, 128>}, {pipeline_mode = #tpu.pipeline_mode<synchronous>, transform_indices = @transform_2, window_bounds = array<i64: 1, 128>}, {transform_indices = @transform_3, window_bounds = array<i64: 1000, 128>}]} {
    %get3A = arith.constant 0 : index
    %get3A_0 = arith.constant 0 : index
    %get3A_1 = vector.load %arg1[%get3A, %get3A_0] : memref<1000x128xf32, #tpu.memory_space<vmem>>, vector<1000x128xf32>
    %get3A_2 = arith.constant 0 : index
    %get3A_3 = arith.constant 0 : index
    %get3A_4 = vector.load %arg2[%get3A_2, %get3A_3] : memref<128x128xf32, #tpu.memory_space<vmem>>, vector<128x128xf32>
    %dot_general3A = arith.constant dense<0.000000e+00> : vector<1000x128xf32>
    %dot_general3A_5 = tpu.matmul %get3A_1, %get3A_4, %dot_general3A {dimension_numbers = #tpu.dot_dimension_numbers<[1], [0], [0], [1], [0, 0, 1, 1], [], []>, transpose_lhs_hint = false} : vector<1000x128xf32>, vector<128x128xf32>, vector<1000x128xf32> -> vector<1000x128xf32>
    %get3A_6 = arith.constant 0 : index
    %get3A_7 = arith.constant 0 : index
    %get3A_8 = vector.load %arg3[%get3A_6, %get3A_7] : memref<1x128xf32, #tpu.memory_space<vmem>>, vector<1x128xf32>
    %add3A = vector.broadcast %get3A_8 : vector<1x128xf32> to vector<1000x128xf32>
    %add3A_9 = arith.addf %dot_general3A_5, %add3A : vector<1000x128xf32>
    %tanh3A = math.tanh %add3A_9 : vector<1000x128xf32>
    %swap3A = arith.constant 0 : index
    %swap3A_10 = arith.constant 0 : index
    %swap3A_11 = vector.load %arg4[%swap3A, %swap3A_10] : memref<1000x128xf32, #tpu.memory_space<vmem>>, vector<1000x128xf32>
    tpu.vector_store %arg4[%swap3A, %swap3A_10], %tanh3A {strides = array<i32>} : memref<1000x128xf32, #tpu.memory_space<vmem>>, vector<1000x128xf32>,
    return
  }
  func.func @transform_0(%arg0: i32) -> (i32, i32) {
    %c0_i32 = arith.constant 0 : i32
    %c0_i32_0 = arith.constant 0 : i32
    return %arg0, %c0_i32 : i32, i32
  }
  func.func @transform_1(%arg0: i32) -> (i32, i32) {
    %c0_i32 = arith.constant 0 : i32
    %c0_i32_0 = arith.constant 0 : i32
    %c0_i32_1 = arith.constant 0 : i32
    return %c0_i32, %c0_i32_0 : i32, i32
  }
  func.func @transform_2(%arg0: i32) -> (i32, i32) {
    %c0_i32 = arith.constant 0 : i32
    %c0_i32_0 = arith.constant 0 : i32
    %c0_i32_1 = arith.constant 0 : i32
    return %c0_i32, %c0_i32_0 : i32, i32
  }
  func.func @transform_3(%arg0: i32) -> (i32, i32) {
    %c0_i32 = arith.constant 0 : i32
    %c0_i32_0 = arith.constant 0 : i32
    return %arg0, %c0_i32 : i32, i32
  }
}

module attributes {stable_mosaic.version = 14 : i64} {
  func.func @_expand_body(%arg0: i32, %arg1: i32, %arg2: memref<1000x128xf32, #tpu.memory_space<vmem>>, %arg3: memref<128x128xf32, #tpu.memory_space<vmem>>, %arg4: memref<1x1x128xf32, #tpu.memory_space<vmem>>, %arg5: memref<1000x128xf32, #tpu.memory_space<vmem>>) attributes {dimension_semantics = [#tpu.dimension_semantics<arbitrary>, #tpu.dimension_semantics<arbitrary>], iteration_bounds = array<i64: 10, 8>, scalar_prefetch = 0 : i64, scratch_operands = 0 : i64, tpu.core_type = #tpu.core_type<tc>, window_params = [{transform_indices = @transform_0, window_bounds = array<i64: 1000, 128>}, {transform_indices = @transform_1, window_bounds = array<i64: 128, 128>}, {transform_indices = @transform_2, window_bounds = array<i64: 1, 1, 128>}, {transform_indices = @transform_3, window_bounds = array<i64: 1000, 128>}]} {
    %get3A = arith.constant 0 : index
    %get3A_0 = arith.constant 0 : index
    %get3A_1 = vector.load %arg2[%get3A, %get3A_0] : memref<1000x128xf32, #tpu.memory_space<vmem>>, vector<1000x128xf32>
    %get3A_2 = arith.constant 0 : index
    %get3A_3 = arith.constant 0 : index
    %get3A_4 = vector.load %arg3[%get3A_2, %get3A_3] : memref<128x128xf32, #tpu.memory_space<vmem>>, vector<128x128xf32>
    %dot_general3A = arith.constant dense<0.000000e+00> : vector<1000x128xf32>
    %dot_general3A_5 = tpu.matmul %get3A_1, %get3A_4, %dot_general3A {dimension_numbers = #tpu.dot_dimension_numbers<[1], [0], [0], [1], [0, 0, 1, 1], [], []>, transpose_lhs_hint = false} : vector<1000x128xf32>, vector<128x128xf32>, vector<1000x128xf32> -> vector<1000x128xf32>
    %get3A_6 = arith.constant 0 : index
    %get3A_7 = arith.constant 0 : index
    %get3A_8 = arith.constant 0 : index
    %get3A_9 = vector.load %arg4[%get3A_6, %get3A_7, %get3A_8] : memref<1x1x128xf32, #tpu.memory_space<vmem>>, vector<1x1x128xf32>
    %get3A_10 = vector.shape_cast %get3A_9 : vector<1x1x128xf32> to vector<1x128xf32>
    %add3A = vector.broadcast %get3A_10 : vector<1x128xf32> to vector<1000x128xf32>
    %add3A_11 = arith.addf %dot_general3A_5, %add3A : vector<1000x128xf32>
    %swap3A = arith.constant 0 : index
    %swap3A_12 = arith.constant 0 : index
    %swap3A_13 = vector.load %arg5[%swap3A, %swap3A_12] : memref<1000x128xf32, #tpu.memory_space<vmem>>, vector<1000x128xf32>
    tpu.vector_store %arg5[%swap3A, %swap3A_12], %add3A_11 {strides = array<i32>} : memref<1000x128xf32, #tpu.memory_space<vmem>>, vector<1000x128xf32>,
    return
  }
  func.func @transform_0(%arg0: i32, %arg1: i32) -> (i32, i32) {
    %c0_i32 = arith.constant 0 : i32
    %c0_i32_0 = arith.constant 0 : i32
    return %arg0, %c0_i32 : i32, i32
  }
  func.func @transform_1(%arg0: i32, %arg1: i32) -> (i32, i32) {
    %c0_i32 = arith.constant 0 : i32
    %c0_i32_0 = arith.constant 0 : i32
    return %arg1, %c0_i32 : i32, i32
  }
  func.func @transform_2(%arg0: i32, %arg1: i32) -> (i32, i32, i32) {
    %c0_i32 = arith.constant 0 : i32
    %c0_i32_0 = arith.constant 0 : i32
    %c0_i32_1 = arith.constant 0 : i32
    return %arg1, %c0_i32, %c0_i32_0 : i32, i32, i32
  }
  func.func @transform_3(%arg0: i32, %arg1: i32) -> (i32, i32) {
    %mul3A = arith.constant 10 : i32
    %mul3A_0 = arith.muli %arg1, %mul3A : i32
    %add3A = arith.addi %mul3A_0, %arg0 : i32
    %c0_i32 = arith.constant 0 : i32
    %c0_i32_1 = arith.constant 0 : i32
    return %add3A, %c0_i32 : i32, i32
  }
}

module attributes {stable_mosaic.version = 14 : i64} {
  func.func @_gru_body(%arg0: i32, %arg1: memref<1000x128xf32, #tpu.memory_space<vmem>>, %arg2: memref<1000x128xf32, #tpu.memory_space<vmem>>, %arg3: memref<1000x128xf32, #tpu.memory_space<vmem>>, %arg4: memref<128x128xf32, #tpu.memory_space<vmem>>, %arg5: memref<128x128xf32, #tpu.memory_space<vmem>>, %arg6: memref<1x128xf32, #tpu.memory_space<vmem>>, %arg7: memref<128x128xf32, #tpu.memory_space<vmem>>, %arg8: memref<128x128xf32, #tpu.memory_space<vmem>>, %arg9: memref<1x128xf32, #tpu.memory_space<vmem>>, %arg10: memref<128x128xf32, #tpu.memory_space<vmem>>, %arg11: memref<128x128xf32, #tpu.memory_space<vmem>>, %arg12: memref<1x128xf32, #tpu.memory_space<vmem>>, %arg13: memref<1000x128xf32, #tpu.memory_space<vmem>>) attributes {dimension_semantics = [#tpu.dimension_semantics<arbitrary>], iteration_bounds = array<i64: 10>, scalar_prefetch = 0 : i64, scratch_operands = 0 : i64, tpu.core_type = #tpu.core_type<tc>, window_params = [{transform_indices = @transform_0, window_bounds = array<i64: 1000, 128>}, {transform_indices = @transform_1, window_bounds = array<i64: 1000, 128>}, {transform_indices = @transform_2, window_bounds = array<i64: 1000, 128>}, {pipeline_mode = #tpu.pipeline_mode<synchronous>, transform_indices = @transform_3, window_bounds = array<i64: 128, 128>}, {pipeline_mode = #tpu.pipeline_mode<synchronous>, transform_indices = @transform_4, window_bounds = array<i64: 128, 128>}, {pipeline_mode = #tpu.pipeline_mode<synchronous>, transform_indices = @transform_5, window_bounds = array<i64: 1, 128>}, {pipeline_mode = #tpu.pipeline_mode<synchronous>, transform_indices = @transform_6, window_bounds = array<i64: 128, 128>}, {pipeline_mode = #tpu.pipeline_mode<synchronous>, transform_indices = @transform_7, window_bounds = array<i64: 128, 128>}, {pipeline_mode = #tpu.pipeline_mode<synchronous>, transform_indices = @transform_8, window_bounds = array<i64: 1, 128>}, {pipeline_mode = #tpu.pipeline_mode<synchronous>, transform_indices = @transform_9, window_bounds = array<i64: 128, 128>}, {pipeline_mode = #tpu.pipeline_mode<synchronous>, transform_indices = @transform_10, window_bounds = array<i64: 128, 128>}, {pipeline_mode = #tpu.pipeline_mode<synchronous>, transform_indices = @transform_11, window_bounds = array<i64: 1, 128>}, {transform_indices = @transform_12, window_bounds = array<i64: 1000, 128>}]} {
    %get3A = arith.constant 0 : index
    %get3A_0 = arith.constant 0 : index
    %get3A_1 = vector.load %arg1[%get3A, %get3A_0] : memref<1000x128xf32, #tpu.memory_space<vmem>>, vector<1000x128xf32>
    %get3A_2 = arith.constant 0 : index
    %get3A_3 = arith.constant 0 : index
    %get3A_4 = vector.load %arg2[%get3A_2, %get3A_3] : memref<1000x128xf32, #tpu.memory_space<vmem>>, vector<1000x128xf32>
    %add3A = arith.addf %get3A_1, %get3A_4 : vector<1000x128xf32>
    %get3A_5 = arith.constant 0 : index
    %get3A_6 = arith.constant 0 : index
    %get3A_7 = vector.load %arg3[%get3A_5, %get3A_6] : memref<1000x128xf32, #tpu.memory_space<vmem>>, vector<1000x128xf32>
    %get3A_8 = arith.constant 0 : index
    %get3A_9 = arith.constant 0 : index
    %get3A_10 = vector.load %arg4[%get3A_8, %get3A_9] : memref<128x128xf32, #tpu.memory_space<vmem>>, vector<128x128xf32>
    %dot_general3A = arith.constant dense<0.000000e+00> : vector<1000x128xf32>
    %dot_general3A_11 = tpu.matmul %add3A, %get3A_10, %dot_general3A {dimension_numbers = #tpu.dot_dimension_numbers<[1], [0], [0], [1], [0, 0, 1, 1], [], []>, transpose_lhs_hint = false} : vector<1000x128xf32>, vector<128x128xf32>, vector<1000x128xf32> -> vector<1000x128xf32>
    %get3A_12 = arith.constant 0 : index
    %get3A_13 = arith.constant 0 : index
    %get3A_14 = vector.load %arg5[%get3A_12, %get3A_13] : memref<128x128xf32, #tpu.memory_space<vmem>>, vector<128x128xf32>
    %dot_general3A_15 = arith.constant dense<0.000000e+00> : vector<1000x128xf32>
    %dot_general3A_16 = tpu.matmul %get3A_7, %get3A_14, %dot_general3A_15 {dimension_numbers = #tpu.dot_dimension_numbers<[1], [0], [0], [1], [0, 0, 1, 1], [], []>, transpose_lhs_hint = false} : vector<1000x128xf32>, vector<128x128xf32>, vector<1000x128xf32> -> vector<1000x128xf32>
    %add3A_17 = arith.addf %dot_general3A_11, %dot_general3A_16 : vector<1000x128xf32>
    %get3A_18 = arith.constant 0 : index
    %get3A_19 = arith.constant 0 : index
    %get3A_20 = vector.load %arg6[%get3A_18, %get3A_19] : memref<1x128xf32, #tpu.memory_space<vmem>>, vector<1x128xf32>
    %add3A_21 = vector.broadcast %get3A_20 : vector<1x128xf32> to vector<1000x128xf32>
    %add3A_22 = arith.addf %add3A_17, %add3A_21 : vector<1000x128xf32>
    %logistic3A = arith.negf %add3A_22 : vector<1000x128xf32>
    %logistic3A_23 = math.exp %logistic3A : vector<1000x128xf32>
    %logistic3A_24 = arith.constant 1.000000e+00 : f32
    %logistic3A_25 = vector.broadcast %logistic3A_24 : f32 to vector<1000x128xf32>
    %logistic3A_26 = arith.addf %logistic3A_25, %logistic3A_23 : vector<1000x128xf32>
    %logistic3A_27 = arith.divf %logistic3A_25, %logistic3A_26 : vector<1000x128xf32>
    %get3A_28 = arith.constant 0 : index
    %get3A_29 = arith.constant 0 : index
    %get3A_30 = vector.load %arg7[%get3A_28, %get3A_29] : memref<128x128xf32, #tpu.memory_space<vmem>>, vector<128x128xf32>
    %dot_general3A_31 = arith.constant dense<0.000000e+00> : vector<1000x128xf32>
    %dot_general3A_32 = tpu.matmul %add3A, %get3A_30, %dot_general3A_31 {dimension_numbers = #tpu.dot_dimension_numbers<[1], [0], [0], [1], [0, 0, 1, 1], [], []>, transpose_lhs_hint = false} : vector<1000x128xf32>, vector<128x128xf32>, vector<1000x128xf32> -> vector<1000x128xf32>
    %get3A_33 = arith.constant 0 : index
    %get3A_34 = arith.constant 0 : index
    %get3A_35 = vector.load %arg8[%get3A_33, %get3A_34] : memref<128x128xf32, #tpu.memory_space<vmem>>, vector<128x128xf32>
    %dot_general3A_36 = arith.constant dense<0.000000e+00> : vector<1000x128xf32>
    %dot_general3A_37 = tpu.matmul %get3A_7, %get3A_35, %dot_general3A_36 {dimension_numbers = #tpu.dot_dimension_numbers<[1], [0], [0], [1], [0, 0, 1, 1], [], []>, transpose_lhs_hint = false} : vector<1000x128xf32>, vector<128x128xf32>, vector<1000x128xf32> -> vector<1000x128xf32>
    %add3A_38 = arith.addf %dot_general3A_32, %dot_general3A_37 : vector<1000x128xf32>
    %get3A_39 = arith.constant 0 : index
    %get3A_40 = arith.constant 0 : index
    %get3A_41 = vector.load %arg9[%get3A_39, %get3A_40] : memref<1x128xf32, #tpu.memory_space<vmem>>, vector<1x128xf32>
    %add3A_42 = vector.broadcast %get3A_41 : vector<1x128xf32> to vector<1000x128xf32>
    %add3A_43 = arith.addf %add3A_38, %add3A_42 : vector<1000x128xf32>
    %logistic3A_44 = arith.negf %add3A_43 : vector<1000x128xf32>
    %logistic3A_45 = math.exp %logistic3A_44 : vector<1000x128xf32>
    %logistic3A_46 = arith.constant 1.000000e+00 : f32
    %logistic3A_47 = vector.broadcast %logistic3A_46 : f32 to vector<1000x128xf32>
    %logistic3A_48 = arith.addf %logistic3A_47, %logistic3A_45 : vector<1000x128xf32>
    %logistic3A_49 = arith.divf %logistic3A_47, %logistic3A_48 : vector<1000x128xf32>
    %get3A_50 = arith.constant 0 : index
    %get3A_51 = arith.constant 0 : index
    %get3A_52 = vector.load %arg10[%get3A_50, %get3A_51] : memref<128x128xf32, #tpu.memory_space<vmem>>, vector<128x128xf32>
    %dot_general3A_53 = arith.constant dense<0.000000e+00> : vector<1000x128xf32>
    %dot_general3A_54 = tpu.matmul %add3A, %get3A_52, %dot_general3A_53 {dimension_numbers = #tpu.dot_dimension_numbers<[1], [0], [0], [1], [0, 0, 1, 1], [], []>, transpose_lhs_hint = false} : vector<1000x128xf32>, vector<128x128xf32>, vector<1000x128xf32> -> vector<1000x128xf32>
    %get3A_55 = arith.constant 0 : index
    %get3A_56 = arith.constant 0 : index
    %get3A_57 = vector.load %arg11[%get3A_55, %get3A_56] : memref<128x128xf32, #tpu.memory_space<vmem>>, vector<128x128xf32>
    %dot_general3A_58 = arith.constant dense<0.000000e+00> : vector<1000x128xf32>
    %dot_general3A_59 = tpu.matmul %get3A_7, %get3A_57, %dot_general3A_58 {dimension_numbers = #tpu.dot_dimension_numbers<[1], [0], [0], [1], [0, 0, 1, 1], [], []>, transpose_lhs_hint = false} : vector<1000x128xf32>, vector<128x128xf32>, vector<1000x128xf32> -> vector<1000x128xf32>
    %mul3A = arith.mulf %logistic3A_49, %dot_general3A_59 : vector<1000x128xf32>
    %add3A_60 = arith.addf %dot_general3A_54, %mul3A : vector<1000x128xf32>
    %get3A_61 = arith.constant 0 : index
    %get3A_62 = arith.constant 0 : index
    %get3A_63 = vector.load %arg12[%get3A_61, %get3A_62] : memref<1x128xf32, #tpu.memory_space<vmem>>, vector<1x128xf32>
    %add3A_64 = vector.broadcast %get3A_63 : vector<1x128xf32> to vector<1000x128xf32>
    %add3A_65 = arith.addf %add3A_60, %add3A_64 : vector<1000x128xf32>
    %tanh3A = math.tanh %add3A_65 : vector<1000x128xf32>
    %sub3A = arith.constant 1.000000e+00 : f32
    %sub3A_66 = vector.broadcast %sub3A : f32 to vector<1000x128xf32>
    %sub3A_67 = arith.subf %sub3A_66, %logistic3A_27 : vector<1000x128xf32>
    %mul3A_68 = arith.mulf %sub3A_67, %tanh3A : vector<1000x128xf32>
    %mul3A_69 = arith.mulf %logistic3A_27, %get3A_7 : vector<1000x128xf32>
    %add3A_70 = arith.addf %mul3A_68, %mul3A_69 : vector<1000x128xf32>
    %swap3A = arith.constant 0 : index
    %swap3A_71 = arith.constant 0 : index
    %swap3A_72 = vector.load %arg13[%swap3A, %swap3A_71] : memref<1000x128xf32, #tpu.memory_space<vmem>>, vector<1000x128xf32>
    tpu.vector_store %arg13[%swap3A, %swap3A_71], %add3A_70 {strides = array<i32>} : memref<1000x128xf32, #tpu.memory_space<vmem>>, vector<1000x128xf32>,
    return
  }
  func.func @transform_0(%arg0: i32) -> (i32, i32) {
    %c0_i32 = arith.constant 0 : i32
    %c0_i32_0 = arith.constant 0 : i32
    return %arg0, %c0_i32 : i32, i32
  }
  func.func @transform_1(%arg0: i32) -> (i32, i32) {
    %c0_i32 = arith.constant 0 : i32
    %c0_i32_0 = arith.constant 0 : i32
    return %arg0, %c0_i32 : i32, i32
  }
  func.func @transform_2(%arg0: i32) -> (i32, i32) {
    %c0_i32 = arith.constant 0 : i32
    %c0_i32_0 = arith.constant 0 : i32
    return %arg0, %c0_i32 : i32, i32
  }
  func.func @transform_3(%arg0: i32) -> (i32, i32) {
    %c0_i32 = arith.constant 0 : i32
    %c0_i32_0 = arith.constant 0 : i32
    %c0_i32_1 = arith.constant 0 : i32
    return %c0_i32, %c0_i32_0 : i32, i32
  }
  func.func @transform_4(%arg0: i32) -> (i32, i32) {
    %c0_i32 = arith.constant 0 : i32
    %c0_i32_0 = arith.constant 0 : i32
    %c0_i32_1 = arith.constant 0 : i32
    return %c0_i32, %c0_i32_0 : i32, i32
  }
  func.func @transform_5(%arg0: i32) -> (i32, i32) {
    %c0_i32 = arith.constant 0 : i32
    %c0_i32_0 = arith.constant 0 : i32
    %c0_i32_1 = arith.constant 0 : i32
    return %c0_i32, %c0_i32_0 : i32, i32
  }
  func.func @transform_6(%arg0: i32) -> (i32, i32) {
    %c0_i32 = arith.constant 0 : i32
    %c0_i32_0 = arith.constant 0 : i32
    %c0_i32_1 = arith.constant 0 : i32
    return %c0_i32, %c0_i32_0 : i32, i32
  }
  func.func @transform_7(%arg0: i32) -> (i32, i32) {
    %c0_i32 = arith.constant 0 : i32
    %c0_i32_0 = arith.constant 0 : i32
    %c0_i32_1 = arith.constant 0 : i32
    return %c0_i32, %c0_i32_0 : i32, i32
  }
  func.func @transform_8(%arg0: i32) -> (i32, i32) {
    %c0_i32 = arith.constant 0 : i32
    %c0_i32_0 = arith.constant 0 : i32
    %c0_i32_1 = arith.constant 0 : i32
    return %c0_i32, %c0_i32_0 : i32, i32
  }
  func.func @transform_9(%arg0: i32) -> (i32, i32) {
    %c0_i32 = arith.constant 0 : i32
    %c0_i32_0 = arith.constant 0 : i32
    %c0_i32_1 = arith.constant 0 : i32
    return %c0_i32, %c0_i32_0 : i32, i32
  }
  func.func @transform_10(%arg0: i32) -> (i32, i32) {
    %c0_i32 = arith.constant 0 : i32
    %c0_i32_0 = arith.constant 0 : i32
    %c0_i32_1 = arith.constant 0 : i32
    return %c0_i32, %c0_i32_0 : i32, i32
  }
  func.func @transform_11(%arg0: i32) -> (i32, i32) {
    %c0_i32 = arith.constant 0 : i32
    %c0_i32_0 = arith.constant 0 : i32
    %c0_i32_1 = arith.constant 0 : i32
    return %c0_i32, %c0_i32_0 : i32, i32
  }
  func.func @transform_12(%arg0: i32) -> (i32, i32) {
    %c0_i32 = arith.constant 0 : i32
    %c0_i32_0 = arith.constant 0 : i32
    return %arg0, %c0_i32 : i32, i32
  }
}

module attributes {stable_mosaic.version = 14 : i64} {
  func.func @_head_body(%arg0: memref<16x625x128xf32, #tpu.memory_space<vmem>>, %arg1: memref<16x1xi32, #tpu.memory_space<vmem>>, %arg2: memref<16x8xf32, #tpu.memory_space<vmem>>, %arg3: memref<8x64xf32, #tpu.memory_space<vmem>>, %arg4: memref<128x64xf32, #tpu.memory_space<vmem>>, %arg5: memref<1x64xf32, #tpu.memory_space<vmem>>, %arg6: memref<64x64xf32, #tpu.memory_space<vmem>>, %arg7: memref<1x64xf32, #tpu.memory_space<vmem>>, %arg8: memref<64x1xf32, #tpu.memory_space<vmem>>, %arg9: memref<1x1xf32, #tpu.memory_space<vmem>>, %arg10: memref<64x1xf32, #tpu.memory_space<vmem>>, %arg11: memref<1x1xf32, #tpu.memory_space<vmem>>, %arg12: memref<128x64xf32, #tpu.memory_space<vmem>>, %arg13: memref<1x64xf32, #tpu.memory_space<vmem>>, %arg14: memref<64x1xf32, #tpu.memory_space<vmem>>, %arg15: memref<1x1xf32, #tpu.memory_space<vmem>>, %arg16: memref<16x1xf32, #tpu.memory_space<vmem>>, %arg17: memref<16x1xf32, #tpu.memory_space<vmem>>, %arg18: memref<16x1xf32, #tpu.memory_space<vmem>>, %arg19: memref<16x1xf32, #tpu.memory_space<vmem>>, %arg20: memref<16x128xf32, #tpu.memory_space<vmem>>) attributes {dimension_semantics = [], scalar_prefetch = 0 : i64, scratch_operands = 0 : i64, tpu.core_type = #tpu.core_type<tc>} {
    %get3A = arith.constant 0 : index
    %get3A_0 = arith.constant 0 : index
    %get3A_1 = arith.constant 0 : index
    %get3A_2 = vector.load %arg0[%get3A, %get3A_0, %get3A_1] : memref<16x625x128xf32, #tpu.memory_space<vmem>>, vector<16x625x128xf32>
    %get3A_3 = arith.constant 0 : index
    %get3A_4 = arith.constant 0 : index
    %get3A_5 = vector.load %arg1[%get3A_3, %get3A_4] : memref<16x1xi32, #tpu.memory_space<vmem>>, vector<16x1xi32>
    %iota3A = tpu.iota {dimensions = array<i32: 1>} : vector<16x625xi32>
    %lt3A = vector.broadcast %get3A_5 : vector<16x1xi32> to vector<16x625xi32>
    %lt3A_6 = arith.cmpi slt, %iota3A, %lt3A : vector<16x625xi32>
    %convert_element_type3A = arith.extui %lt3A_6 : vector<16x625xi1> to vector<16x625xi32>
    %convert_element_type3A_7 = arith.sitofp %convert_element_type3A : vector<16x625xi32> to vector<16x625xf32>
    %reduce_sum3A = arith.constant dense<0.000000e+00> : vector<16xf32>
    %reduce_sum3A_8 = vector.multi_reduction <add>, %convert_element_type3A_7, %reduce_sum3A [1] : vector<16x625xf32> to vector<16xf32>
    %broadcast_in_dim3A = vector.shape_cast %reduce_sum3A_8 : vector<16xf32> to vector<16x1xf32>
    %max3A = arith.constant 1.000000e+00 : f32
    %max3A_9 = vector.broadcast %max3A : f32 to vector<16x1xf32>
    %max3A_10 = arith.maximumf %broadcast_in_dim3A, %max3A_9 : vector<16x1xf32>
    %broadcast_in_dim3A_11 = vector.shape_cast %convert_element_type3A_7 : vector<16x625xf32> to vector<16x625x1xf32>
    %mul3A = vector.broadcast %broadcast_in_dim3A_11 : vector<16x625x1xf32> to vector<16x625x128xf32>
    %mul3A_12 = arith.mulf %get3A_2, %mul3A : vector<16x625x128xf32>
    %reduce_sum3A_13 = arith.constant dense<0.000000e+00> : vector<16x128xf32>
    %reduce_sum3A_14 = vector.multi_reduction <add>, %mul3A_12, %reduce_sum3A_13 [1] : vector<16x625x128xf32> to vector<16x128xf32>
    %div3A = vector.broadcast %max3A_10 : vector<16x1xf32> to vector<16x128xf32>
    %div3A_15 = arith.divf %reduce_sum3A_14, %div3A : vector<16x128xf32>
    %get3A_16 = arith.constant 0 : index
    %get3A_17 = arith.constant 0 : index
    %get3A_18 = vector.load %arg2[%get3A_16, %get3A_17] : memref<16x8xf32, #tpu.memory_space<vmem>>, vector<16x8xf32>
    %get3A_19 = arith.constant 0 : index
    %get3A_20 = arith.constant 0 : index
    %get3A_21 = vector.load %arg3[%get3A_19, %get3A_20] : memref<8x64xf32, #tpu.memory_space<vmem>>, vector<8x64xf32>
    %dot_general3A = arith.constant dense<0.000000e+00> : vector<16x64xf32>
    %dot_general3A_22 = tpu.matmul %get3A_18, %get3A_21, %dot_general3A {dimension_numbers = #tpu.dot_dimension_numbers<[1], [0], [0], [1], [0, 0, 1, 1], [], []>, transpose_lhs_hint = false} : vector<16x8xf32>, vector<8x64xf32>, vector<16x64xf32> -> vector<16x64xf32>
    %get3A_23 = arith.constant 0 : index
    %get3A_24 = arith.constant 0 : index
    %get3A_25 = vector.load %arg4[%get3A_23, %get3A_24] : memref<128x64xf32, #tpu.memory_space<vmem>>, vector<128x64xf32>
    %dot_general3A_26 = arith.constant dense<0.000000e+00> : vector<16x64xf32>
    %dot_general3A_27 = tpu.matmul %div3A_15, %get3A_25, %dot_general3A_26 {dimension_numbers = #tpu.dot_dimension_numbers<[1], [0], [0], [1], [0, 0, 1, 1], [], []>, transpose_lhs_hint = false} : vector<16x128xf32>, vector<128x64xf32>, vector<16x64xf32> -> vector<16x64xf32>
    %add3A = arith.addf %dot_general3A_22, %dot_general3A_27 : vector<16x64xf32>
    %get3A_28 = arith.constant 0 : index
    %get3A_29 = arith.constant 0 : index
    %get3A_30 = vector.load %arg5[%get3A_28, %get3A_29] : memref<1x64xf32, #tpu.memory_space<vmem>>, vector<1x64xf32>
    %add3A_31 = vector.broadcast %get3A_30 : vector<1x64xf32> to vector<16x64xf32>
    %add3A_32 = arith.addf %add3A, %add3A_31 : vector<16x64xf32>
    %max3A_33 = arith.constant 0.000000e+00 : f32
    %max3A_34 = vector.broadcast %max3A_33 : f32 to vector<16x64xf32>
    %max3A_35 = arith.maximumf %add3A_32, %max3A_34 : vector<16x64xf32>
    %get3A_36 = arith.constant 0 : index
    %get3A_37 = arith.constant 0 : index
    %get3A_38 = vector.load %arg6[%get3A_36, %get3A_37] : memref<64x64xf32, #tpu.memory_space<vmem>>, vector<64x64xf32>
    %dot_general3A_39 = arith.constant dense<0.000000e+00> : vector<16x64xf32>
    %dot_general3A_40 = tpu.matmul %max3A_35, %get3A_38, %dot_general3A_39 {dimension_numbers = #tpu.dot_dimension_numbers<[1], [0], [0], [1], [0, 0, 1, 1], [], []>, transpose_lhs_hint = false} : vector<16x64xf32>, vector<64x64xf32>, vector<16x64xf32> -> vector<16x64xf32>
    %get3A_41 = arith.constant 0 : index
    %get3A_42 = arith.constant 0 : index
    %get3A_43 = vector.load %arg7[%get3A_41, %get3A_42] : memref<1x64xf32, #tpu.memory_space<vmem>>, vector<1x64xf32>
    %add3A_44 = vector.broadcast %get3A_43 : vector<1x64xf32> to vector<16x64xf32>
    %add3A_45 = arith.addf %dot_general3A_40, %add3A_44 : vector<16x64xf32>
    %max3A_46 = arith.constant 0.000000e+00 : f32
    %max3A_47 = vector.broadcast %max3A_46 : f32 to vector<16x64xf32>
    %max3A_48 = arith.maximumf %add3A_45, %max3A_47 : vector<16x64xf32>
    %get3A_49 = arith.constant 0 : index
    %get3A_50 = arith.constant 0 : index
    %get3A_51 = vector.load %arg8[%get3A_49, %get3A_50] : memref<64x1xf32, #tpu.memory_space<vmem>>, vector<64x1xf32>
    %dot_general3A_52 = arith.constant dense<0.000000e+00> : vector<16x1xf32>
    %dot_general3A_53 = tpu.matmul %max3A_48, %get3A_51, %dot_general3A_52 {dimension_numbers = #tpu.dot_dimension_numbers<[1], [0], [0], [1], [0, 0, 1, 1], [], []>, transpose_lhs_hint = false} : vector<16x64xf32>, vector<64x1xf32>, vector<16x1xf32> -> vector<16x1xf32>
    %get3A_54 = arith.constant 0 : index
    %get3A_55 = arith.constant 0 : index
    %get3A_56 = vector.load %arg9[%get3A_54, %get3A_55] : memref<1x1xf32, #tpu.memory_space<vmem>>, vector<1x1xf32>
    %add3A_57 = vector.broadcast %get3A_56 : vector<1x1xf32> to vector<16x1xf32>
    %add3A_58 = arith.addf %dot_general3A_53, %add3A_57 : vector<16x1xf32>
    %logistic3A = arith.negf %add3A_58 : vector<16x1xf32>
    %logistic3A_59 = math.exp %logistic3A : vector<16x1xf32>
    %logistic3A_60 = arith.constant 1.000000e+00 : f32
    %logistic3A_61 = vector.broadcast %logistic3A_60 : f32 to vector<16x1xf32>
    %logistic3A_62 = arith.addf %logistic3A_61, %logistic3A_59 : vector<16x1xf32>
    %logistic3A_63 = arith.divf %logistic3A_61, %logistic3A_62 : vector<16x1xf32>
    %get3A_64 = arith.constant 0 : index
    %get3A_65 = arith.constant 0 : index
    %get3A_66 = vector.load %arg10[%get3A_64, %get3A_65] : memref<64x1xf32, #tpu.memory_space<vmem>>, vector<64x1xf32>
    %dot_general3A_67 = arith.constant dense<0.000000e+00> : vector<16x1xf32>
    %dot_general3A_68 = tpu.matmul %max3A_48, %get3A_66, %dot_general3A_67 {dimension_numbers = #tpu.dot_dimension_numbers<[1], [0], [0], [1], [0, 0, 1, 1], [], []>, transpose_lhs_hint = false} : vector<16x64xf32>, vector<64x1xf32>, vector<16x1xf32> -> vector<16x1xf32>
    %get3A_69 = arith.constant 0 : index
    %get3A_70 = arith.constant 0 : index
    %get3A_71 = vector.load %arg11[%get3A_69, %get3A_70] : memref<1x1xf32, #tpu.memory_space<vmem>>, vector<1x1xf32>
    %add3A_72 = vector.broadcast %get3A_71 : vector<1x1xf32> to vector<16x1xf32>
    %add3A_73 = arith.addf %dot_general3A_68, %add3A_72 : vector<16x1xf32>
    %logistic3A_74 = arith.negf %add3A_73 : vector<16x1xf32>
    %logistic3A_75 = math.exp %logistic3A_74 : vector<16x1xf32>
    %logistic3A_76 = arith.constant 1.000000e+00 : f32
    %logistic3A_77 = vector.broadcast %logistic3A_76 : f32 to vector<16x1xf32>
    %logistic3A_78 = arith.addf %logistic3A_77, %logistic3A_75 : vector<16x1xf32>
    %logistic3A_79 = arith.divf %logistic3A_77, %logistic3A_78 : vector<16x1xf32>
    %get3A_80 = arith.constant 0 : index
    %get3A_81 = arith.constant 0 : index
    %get3A_82 = vector.load %arg12[%get3A_80, %get3A_81] : memref<128x64xf32, #tpu.memory_space<vmem>>, vector<128x64xf32>
    %dot_general3A_83 = arith.constant dense<0.000000e+00> : vector<16x64xf32>
    %dot_general3A_84 = tpu.matmul %div3A_15, %get3A_82, %dot_general3A_83 {dimension_numbers = #tpu.dot_dimension_numbers<[1], [0], [0], [1], [0, 0, 1, 1], [], []>, transpose_lhs_hint = false} : vector<16x128xf32>, vector<128x64xf32>, vector<16x64xf32> -> vector<16x64xf32>
    %get3A_85 = arith.constant 0 : index
    %get3A_86 = arith.constant 0 : index
    %get3A_87 = vector.load %arg13[%get3A_85, %get3A_86] : memref<1x64xf32, #tpu.memory_space<vmem>>, vector<1x64xf32>
    %add3A_88 = vector.broadcast %get3A_87 : vector<1x64xf32> to vector<16x64xf32>
    %add3A_89 = arith.addf %dot_general3A_84, %add3A_88 : vector<16x64xf32>
    %max3A_90 = arith.constant 0.000000e+00 : f32
    %max3A_91 = vector.broadcast %max3A_90 : f32 to vector<16x64xf32>
    %max3A_92 = arith.maximumf %add3A_89, %max3A_91 : vector<16x64xf32>
    %get3A_93 = arith.constant 0 : index
    %get3A_94 = arith.constant 0 : index
    %get3A_95 = vector.load %arg14[%get3A_93, %get3A_94] : memref<64x1xf32, #tpu.memory_space<vmem>>, vector<64x1xf32>
    %dot_general3A_96 = arith.constant dense<0.000000e+00> : vector<16x1xf32>
    %dot_general3A_97 = tpu.matmul %max3A_92, %get3A_95, %dot_general3A_96 {dimension_numbers = #tpu.dot_dimension_numbers<[1], [0], [0], [1], [0, 0, 1, 1], [], []>, transpose_lhs_hint = false} : vector<16x64xf32>, vector<64x1xf32>, vector<16x1xf32> -> vector<16x1xf32>
    %get3A_98 = arith.constant 0 : index
    %get3A_99 = arith.constant 0 : index
    %get3A_100 = vector.load %arg15[%get3A_98, %get3A_99] : memref<1x1xf32, #tpu.memory_space<vmem>>, vector<1x1xf32>
    %add3A_101 = vector.broadcast %get3A_100 : vector<1x1xf32> to vector<16x1xf32>
    %add3A_102 = arith.addf %dot_general3A_97, %add3A_101 : vector<16x1xf32>
    %logistic3A_103 = arith.negf %add3A_102 : vector<16x1xf32>
    %logistic3A_104 = math.exp %logistic3A_103 : vector<16x1xf32>
    %logistic3A_105 = arith.constant 1.000000e+00 : f32
    %logistic3A_106 = vector.broadcast %logistic3A_105 : f32 to vector<16x1xf32>
    %logistic3A_107 = arith.addf %logistic3A_106, %logistic3A_104 : vector<16x1xf32>
    %logistic3A_108 = arith.divf %logistic3A_106, %logistic3A_107 : vector<16x1xf32>
    %swap3A = arith.constant 0 : index
    %swap3A_109 = arith.constant 0 : index
    %swap3A_110 = vector.load %arg16[%swap3A, %swap3A_109] : memref<16x1xf32, #tpu.memory_space<vmem>>, vector<16x1xf32>
    tpu.vector_store %arg16[%swap3A, %swap3A_109], %logistic3A_108 {strides = array<i32>} : memref<16x1xf32, #tpu.memory_space<vmem>>, vector<16x1xf32>,
    %swap3A_111 = arith.constant 0 : index
    %swap3A_112 = arith.constant 0 : index
    %swap3A_113 = vector.load %arg17[%swap3A_111, %swap3A_112] : memref<16x1xf32, #tpu.memory_space<vmem>>, vector<16x1xf32>
    tpu.vector_store %arg17[%swap3A_111, %swap3A_112], %logistic3A_63 {strides = array<i32>} : memref<16x1xf32, #tpu.memory_space<vmem>>, vector<16x1xf32>,
    %swap3A_114 = arith.constant 0 : index
    %swap3A_115 = arith.constant 0 : index
    %swap3A_116 = vector.load %arg18[%swap3A_114, %swap3A_115] : memref<16x1xf32, #tpu.memory_space<vmem>>, vector<16x1xf32>
    tpu.vector_store %arg18[%swap3A_114, %swap3A_115], %logistic3A_79 {strides = array<i32>} : memref<16x1xf32, #tpu.memory_space<vmem>>, vector<16x1xf32>,
    %ge3A = arith.constant 5.000000e-01 : f32
    %ge3A_117 = vector.broadcast %ge3A : f32 to vector<16x1xf32>
    %ge3A_118 = arith.cmpf oge, %logistic3A_63, %ge3A_117 : vector<16x1xf32>
    %convert_element_type3A_119 = arith.extui %ge3A_118 : vector<16x1xi1> to vector<16x1xi32>
    %convert_element_type3A_120 = arith.sitofp %convert_element_type3A_119 : vector<16x1xi32> to vector<16x1xf32>
    %swap3A_121 = arith.constant 0 : index
    %swap3A_122 = arith.constant 0 : index
    %swap3A_123 = vector.load %arg19[%swap3A_121, %swap3A_122] : memref<16x1xf32, #tpu.memory_space<vmem>>, vector<16x1xf32>
    tpu.vector_store %arg19[%swap3A_121, %swap3A_122], %convert_element_type3A_120 {strides = array<i32>} : memref<16x1xf32, #tpu.memory_space<vmem>>, vector<16x1xf32>,
    %swap3A_124 = arith.constant 0 : index
    %swap3A_125 = arith.constant 0 : index
    %swap3A_126 = vector.load %arg20[%swap3A_124, %swap3A_125] : memref<16x128xf32, #tpu.memory_space<vmem>>, vector<16x128xf32>
    tpu.vector_store %arg20[%swap3A_124, %swap3A_125], %div3A_15 {strides = array<i32>} : memref<16x128xf32, #tpu.memory_space<vmem>>, vector<16x128xf32>,
    return
  }
}

</mosaic_0001>

<sc_bundles>
// kernel: kernel.10.cloned.1.call-start
scs
__scs_entry_jumppad:
0x0: {  	(pc) =	sbr.rel $0x88, $3  }
0x1: {  	(tag) =	ssettag $0x0;
	lr =	simm.s32 $0x1  }
0x2: {  	[smem:$0x3F83] =	sst lr;
	_ =	strace $0xD0000000  }
0x3: {  	_ = 	snop  }
0x4: {  	_ = 	snop  }
0x5: {  	_ = 	snop  }
0x6: {  	_ = 	snop  }
0x7: {  	_ = 	snop  }
__scs_overlays_trampoline_lowered:
0x8: {  	[smem:$0x3F92] =	sst s0  }
0x9: {  	[smem:$0x3F93] =	sst s1  }
0xa: {  	[smem:$0x3F94] =	sst s2  }
0xb: {  	[smem:$0x3F95] =	sst s3  }
0xc: {  	[smem:$0x3F96] =	sst s4  }
0xd: {  	[smem:$0x3F97] =	sst s5  }
0xe: {  	[smem:$0x3F98] =	sst s6  }
0xf: {  	[smem:$0x3F99] =	sst s7  }
0x10: {  	[smem:$0x3F9A] =	sst s8  }
0x11: {  	[smem:$0x3F9B] =	sst s9;
	s0 =	simm.s32 @!p0 $0x0  }
0x12: {  	s1 =	sld [smem:$0x3F81];
	s0 =	simm.s32 @p0 $0x1  }
0x13: {  	[smem:$0x3F9C] =	sst s0;
	s0 =	simm.s32 @!p1 $0x0  }
0x14: {  	s2 =	sld [smem:$0x3F80];
	s0 =	simm.s32 @p1 $0x1  }
0x15: {  	[smem:$0x3F9D] =	sst s0;
	s0 =	simm.s32 @!p2 $0x0  }
0x16: {  	s3 =	sld [smem:$0x3FDB];
	s0 =	simm.s32 @p2 $0x1  }
0x17: {  	s4 =	simm.s32 $0x1BF5;
	[smem:$0x3F9F] =	sst s0  }
0x18: {  	s0 =	sld [smem:$0x3F82];
	_ =	swait.ge [sflag:s4], $0x0  }
0x19: {  	s7 =	sld [smem:$0x3F83]  }
0x1a: {  	s8 =	sadd.s32 $0xFFFFE003, lr  }
0x1b: {  	s9 =	sadd.s32 $0xFFFFFEF7, lr;
	s5 =	simm.s32 $0xFFFFFFFF;
	p2 =	slt.u32 s8, $0xFFFFF086  }
0x1c: {  	p1 =	slt.u32 s9, $0xF7A;
	s5 =	simm.s32 @!p2 $0x0  }
0x1d: {  	s5 =	simm.s32 @p1 $0x1;
	p0 =	seq.s32 s7, s2  }
0x1e: {  	s7 =	smul.u32 @!p0 $0xF7A, s2;
	p2 =	seq.s32 @!p0 s5, $0x0  }
0x1f: {  	s9 =	smul.u32 $0xF7A, s1;
	s8 =	simm.s32 @!p0 $0x1BF5;
	p2 =	por !p2, p0  }
0x20: {  	[sflag:s8] =	ssyncset.s32 @!p0 $0xFFFFF086;
	s6 =	sadd.s32 @!p0 s3, s7;
	s7 =	simm.s32 @!p0 $0x108  }
0x21: {  	s3 =	sadd.s32 s3, s9;
	s6 =	sadd.s32 @!p0 $0x88, s6;
	s7 =	simm.s32 @p2 $0x1082  }
0x22: {  	[simem:s7], [sflag:s8] =	dma.local @!p0 [hbm:s6], $0xF7A  }
0x23: {  	s9 =	sor.u32 $0xD0000000, s2;
	s6 =	simm.s32 $0x108;
	_ =	swait.ge @!p0 [sflag:s8], $0x0  }
0x24: {  	s3 =	sadd.s32 $0x88, s3;
	s6 =	simm.s32 @!p1 $0x1082;
	[sflag:s4] =	ssyncset.s32 $0xFFFFF086  }
0x25: {  	[simem:s6], [sflag:s4] =	dma.local [hbm:s3], $0xF7A  }
0x26: {  	[smem:$0x3F83] =	sst s1;
	(tag) =	ssettag s2;
	_ =	strace s9  }
0x27: {  	s1 =	sld [smem:$0x3F93]  }
0x28: {  	s2 =	sld [smem:$0x3F94]  }
0x29: {  	s4 =	sld [smem:$0x3F96]  }
0x2a: {  	p0 =	seq.s32 s5, $0x0;
	s5 =	sld [smem:$0x3F97]  }
0x2b: {  	s6 =	sld [smem:$0x3F98]  }
0x2c: {  	s7 =	sld [smem:$0x3F99]  }
0x2d: {  	s3 =	simm.s32 $0x108;
	s8 =	sld [smem:$0x3F9A]  }
0x2e: {  	s3 =	simm.s32 @!p0 $0x1082;
	s9 =	sld [smem:$0x3F9B]  }
0x2f: {  	lr =	sadd.s32 s0, s3;
	s0 =	sld [smem:$0x3F92]  }
0x30: {  	s3 =	sld [smem:$0x3F95]  }
0x31: {  	[smem:$0x3F9E] =	sst s10  }
0x32: {  	s10 =	sld [smem:$0x3F9C];
	_ =	sdelay $0x3  }
0x33: {  	p0 =	seq.s32 s10, $0x1;
	s10 =	sld [smem:$0x3F9E];
	_ =	sdelay $0x3  }
0x34: {  	[smem:$0x3F9E] =	sst s10  }
0x35: {  	s10 =	sld [smem:$0x3F9D];
	_ =	sdelay $0x3  }
0x36: {  	p1 =	seq.s32 s10, $0x1;
	s10 =	sld [smem:$0x3F9E];
	_ =	sdelay $0x3  }
0x37: {  	[smem:$0x3F9E] =	sst s10  }
0x38: {  	s10 =	sld [smem:$0x3F9F]  }
0x39: {  	_ = 	snop;
	(pc) =	sbr.ind lr, $3  }
0x3a: {  	_ = 	snop  }
0x3b: {  	_ = 	snop  }
0x3c: {  	p2 =	seq.s32 s10, $0x1;
	s10 =	sld [smem:$0x3F9E]  }
0x3d: {  	_ =	shalt  }
0x3e: {  	_ =	shalt  }
0x3f: {  	_ =	shalt  }
0x40: {  	_ =	shalt  }
0x41: {  	_ =	shalt  }
0x42: {  	_ =	shalt  }
0x43: {  	_ =	shalt  }
0x44: {  	_ =	shalt  }
0x45: {  	_ =	shalt  }
0x46: {  	_ =	shalt  }
0x47: {  	_ =	shalt  }
0x48: {  	_ =	shalt  }
0x49: {  	_ =	shalt  }
0x4a: {  	_ =	shalt  }
0x4b: {  	_ =	shalt  }
0x4c: {  	_ =	shalt  }
0x4d: {  	_ =	shalt  }
0x4e: {  	_ =	shalt  }
0x4f: {  	_ =	shalt  }
0x50: {  	_ =	shalt  }
0x51: {  	_ =	shalt  }
0x52: {  	_ =	shalt  }
0x53: {  	_ =	shalt  }
0x54: {  	_ =	shalt  }
0x55: {  	_ =	shalt  }
0x56: {  	_ =	shalt  }
0x57: {  	_ =	shalt  }
0x58: {  	_ =	shalt  }
0x59: {  	_ =	shalt  }
0x5a: {  	_ =	shalt  }
0x5b: {  	_ =	shalt  }
0x5c: {  	_ =	shalt  }
0x5d: {  	_ =	shalt  }
0x5e: {  	_ =	shalt  }
0x5f: {  	_ =	shalt  }
0x60: {  	_ =	shalt  }
0x61: {  	_ =	shalt  }
0x62: {  	_ =	shalt  }
0x63: {  	_ =	shalt  }
0x64: {  	_ =	shalt  }
0x65: {  	_ =	shalt  }
0x66: {  	_ =	shalt  }
0x67: {  	_ =	shalt  }
0x68: {  	_ =	shalt  }
0x69: {  	_ =	shalt  }
0x6a: {  	_ =	shalt  }
0x6b: {  	_ =	shalt  }
0x6c: {  	_ =	shalt  }
0x6d: {  	_ =	shalt  }
0x6e: {  	_ =	shalt  }
0x6f: {  	_ =	shalt  }
0x70: {  	_ =	shalt  }
0x71: {  	_ =	shalt  }
0x72: {  	_ =	shalt  }
0x73: {  	_ =	shalt  }
0x74: {  	_ =	shalt  }
0x75: {  	_ =	shalt  }
0x76: {  	_ =	shalt  }
0x77: {  	_ =	shalt  }
0x78: {  	_ =	shalt  }
0x79: {  	_ =	shalt  }
0x7a: {  	_ =	shalt  }
0x7b: {  	_ =	shalt  }
0x7c: {  	_ =	shalt  }
0x7d: {  	_ =	shalt  }
0x7e: {  	_ =	shalt  }
0x7f: {  	_ =	shalt  }
0x80: {  	_ =	shalt  }
0x81: {  	_ =	shalt  }
0x82: {  	_ =	shalt  }
0x83: {  	_ =	shalt  }
0x84: {  	_ =	shalt  }
0x85: {  	_ =	shalt  }
0x86: {  	_ =	shalt  }
0x87: {  	_ =	shalt  }
.Lfunc_end0:
.L_simem_size_0:
called_computation_lowered:
.L_overlay_start_0:
0x88: {  	s2 =	sld [smem:$0x3FD9]  }
0x89: {  	s3 =	sld [smem:$0x3FFE];
	_ =	sdelay $0x1  }
0x8a: {  	s1 =	srdreg.scid  }
0x8b: {  	s0 =	sand.u32 $0x1, s1  }
0x8c: {  	s16 =	sshll.u32 s0, $0xA;
	s2 =	sadd.s32 s3, s2  }
0x8d: {  	s2 =	sadd.s32 s2, s16  }
0x8e: {  	[smem:$0x3FAA] =	sst s2  }
0x8f: {  	_ = 	snop  }
0x90: {  	(tm) =	ssettm $0x1  }
0x91: {  	s17 =	sld [smem:$0x3FFB];
	_ =	sdelay $0x3  }
0x92: {  	_ =	strace s17  }
0x93: {  	s2 =	sld [smem:$0x3FFC];
	_ =	sdelay $0x3  }
0x94: {  	_ =	strace s2  }
0x95: {  	s2 =	sld [smem:$0x3FFD];
	_ =	sdelay $0x3  }
0x96: {  	_ =	strace s2  }
0x97: {  	_ =	strace $0x8FFFFFFF  }
0x98: {  	s18 =	sld [smem:$0x3FDB];
	_ =	sdelay $0x1  }
0x99: {  	s19 =	simm.s32 $_scs_section_size  }
0x9a: {  	s4 =	simm.s32 $_size__tile_overlayer_lowered;
	s5 =	simm.s32 $_tile_overlayer_lowered  }
0x9b: {  	s22 =	simm.s32 $0x1BFF;
	s21 =	sshll.u32 s5, $0x1;
	s2 =	sadd.s32 s19, s18  }
0x9c: {  	s6 =	simm.s32 $0x0;
	s20 =	sshll.u32 s4, $0x1;
	s4 =	sadd.s32 s21, s2  }
0x9d: {  	[timem:s6], [sflag:s22] =	dma.local [hbm:s4], s20  }
0x9e: {  	_ =	swait.ge [sflag:s22], s20  }
0x9f: {  	s3 =	ssub.s32 $0x0, s20;
	[sflag:s22] =	ssyncset.done $0x0  }
0xa0: {  	[sflag:s22] =	ssyncadd.s32 s3;
	_ =	sdelay $0x1  }
0xa1: {  	s23 =	simm.s32 $0x1B8B  }
0xa2: {  	_ =	swait.ge [sflag:s23], $0x1  }
0xa3: {  	[sflag:s23] =	ssyncset.done $0x0  }
0xa4: {  	s25 =	simm.s32 $0x1B8E;
	s24 =	sld [smem:$0x3FFE];
	[sflag:s23] =	ssyncadd.s32 $0xFFFFFFFF  }
0xa5: {  	s26 =	simm.s32 $execute0_lowered;
	[smem:$0x3FD2] =	sst s25  }
0xa6: {  	s4 =	sshll.u32 s26, $0x1;
	_ =	strace $0x80000046;
	[dreg:$0x1] =	wrdreg $0xFFFFFFFF  }
0xa7: {  	s28 =	simm.s32 $_size_execute0_lowered;
	s2 =	sadd.s32 s2, s4;
	[dreg:$0x0] =	wrdreg $0x0  }
0xa8: {  	s4 =	sshll.u32 s28, $0x1;
	[dreg:$0x2] =	wrdreg s2  }
0xa9: {  	[dreg:$0x3] =	wrdreg s4  }
0xaa: {  	[dreg:$0x4] =	wrdreg $0xC0  }
0xab: {  	_ =	task [dreg:s6], $0x5FFFF  }
0xac: {  	[dreg:$0x1] =	wrdreg $0xFFFFFFFF  }
0xad: {  	[dreg:$0x0] =	wrdreg $0x60  }
0xae: {  	[dreg:$0x2] =	wrdreg s24  }
0xaf: {  	[dreg:$0x3] =	wrdreg $0x90000  }
0xb0: {  	[dreg:$0x4] =	wrdreg $0x9  }
0xb1: {  	_ =	task.clear_ibuf [dreg:s6], $0x5FFFF;
	_ =	strace $0x90000046  }
0xb2: {  	s29 =	simm.s32 $0x9;
	_ =	strace $0x80000048  }
0xb3: {  	_ =	swait.ge [sflag:s29], $0x1  }
0xb4: {  	[sflag:s29] =	ssyncadd.s32 $0xFFFFFFFF  }
0xb5: {  	_ =	strace $0x90000048  }
0xb6: {  	_ =	sfence  }
0xb7: {  	s30 =	sld [smem:$0x0];
	_ =	sdelay $0x2  }
0xb8: {  	s31 =	sshll.u32 s1, $0xD;
	s1 =	sshrl.u32 s1, $0x2  }
0xb9: {  	s3 =	sand.u32 $0x4000, s31;
	s1 =	sadd.s32 s1, s30  }
0xba: {  	s0 =	sor.u32 s3, s0;
	s1 =	sshll.u32 s1, $0x11  }
0xbb: {  	s0 =	sor.u32 s1, s0  }
0xbc: {  	s0 =	sadd.s32 $0x8F2B, s0  }
0xbd: {  	[sflag:s0] =	ssyncadd.remote.s32 $0x1  }
0xbe: {  	_ =	sfence.sel $0xFFFF  }
0xbf: {  	[dreg:$0x0] =	wrdreg $0xFFFFFFFF;
	(pc) =	sbr.abs _section_cstart, $3  }
0xc0: {  	[dreg:$0x1] =	wrdreg $0xFFFFFFFF  }
0xc1: {  	_ =	task.clear_ibuf [dreg:s6], $0x2FFFF;
	_ =	strace $0x9FFFFFFF  }
0xc2: {  	(tm) =	ssettm $0x7FFFFFFF  }
0xc3: {  	_ =	shalt  }
tec
execute0_lowered:
.L_overlay_start_1:
0x0: {  	(tag) =	ssettag $0x1  }
0x1: {  	s0 =	rddreg [dreg:$0x0];
	s1 =	srdreg.scid  }
0x2: {  	s8 =	stileid.u32;
	s2 =	rddreg [dreg:$0x1]  }
0x3: {  	s3 =	simm.s32 $0x0;
	s9 =	simm.s32 $0x12;
	s17 =	simm.s32 $0x80  }
0x4: {  	s18 =	simm.s32 $0x100;
	s20 =	simm.s32 $0x180;
	[smem:$0x7FF] =	sst s3  }
0x5: {  	s21 =	simm.s32 $0x200;
	_ =	strace $0x80000047;
	[dreg:$0x3] =	wrdreg s17  }
0x6: {  	s22 =	simm.s32 $0x880;
	s23 =	simm.s32 $0x280;
	[dreg:$0x4] =	wrdreg s18  }
0x7: {  	s25 =	simm.s32 $0x900;
	s10 =	simm.s32 $0x380;
	[dreg:$0x5] =	wrdreg s20  }
0x8: {  	s12 =	simm.s32 $0xA00;
	s14 =	simm.s32 $0x400;
	[dreg:$0x6] =	wrdreg s21  }
0x9: {  	s28 =	simm.s32 $0x1;
	s4 =	smul.u32 $0x120, s8;
	[dreg:$0x7] =	wrdreg s22  }
0xa: {  	s6 =	sshll.u32 s8, $0x5;
	s7 =	smul.u32 $0x13C00, s8;
	[dreg:$0x8] =	wrdreg s23  }
0xb: {  	s16 =	smul.u32 $0x4F000, s8;
	s8 =	simm.s32 $0x980;
	[dreg:$0x9] =	wrdreg s25  }
0xc: {  	s29 =	simm.s32 $0x2;
	s1 =	sand.u32 $0x1, s1;
	[dreg:$0xb] =	wrdreg s8  }
0xd: {  	s30 =	simm.s32 $0x3;
	s5 =	smul.u32 $0x13C000, s1;
	[dreg:$0xc] =	wrdreg s10  }
0xe: {  	p0 =	seq.s32 s1, $0x0;
	s6 =	sor.u32 $0x1200, s6;
	[dreg:$0xd] =	wrdreg s12  }
0xf: {  	s1 =	ssub.s32 $0x2, s1;
	[dreg:$0xe] =	wrdreg s14;
	s18 =	simm.s32 $0x480  }
0x10: {  	s21 =	simm.s32 $0xB00;
	s23 =	simm.s32 $0x500;
	[dreg:$0x10] =	wrdreg s18  }
0x11: {  	s25 =	simm.s32 $0x580;
	s6 =	smov.u32 @p0 s4;
	[dreg:$0x11] =	wrdreg s21  }
0x12: {  	s4 =	sadd.s32 $0x2CC00, s0;
	s15 =	sshrl.u32 s1, $0x1;
	[dreg:$0x12] =	wrdreg s23  }
0x13: {  	s9 =	simm.s32 @!p0 $0x2;
	[dreg:$0x14] =	wrdreg s25;
	s5 =	sadd.s32 s7, s5  }
0x14: {  	s6 =	sshll.u32 s6, $0x4;
	s1 =	ssub.s32 s1, s15;
	[dreg:$0x16] =	wrdreg s9  }
0x15: {  	s5 =	sshrl.u32 s5, $0x3;
	s7 =	sadd.s32 s6, s0;
	s1 =	smax.u32 s1, $0x1  }
0x16: {  	s6 =	sshrl.u32 s16, $0x2;
	s16 =	simm.s32 $0xA80;
	[dreg:$0x1a] =	wrdreg s1  }
0x17: {  	s0 =	sadd.s32 s5, s0;
	s5 =	simm.s32 $0x300;
	[dreg:$0xf] =	wrdreg s16  }
0x18: {  	s31 =	simm.s32 $0x4;
	s20 =	sadd.s32 $0x18C00, s7;
	[dreg:$0xa] =	wrdreg s5  }
0x19: {  	s8 =	simm.s32 $0xD00;
	s22 =	sadd.s32 $0x4C00, s7;
	[smem:$0x7FC] =	sst s20  }
0x1a: {  	s10 =	simm.s32 $0xD80;
	s19 =	sadd.s32 s6, s2;
	[smem:$0x7FD] =	sst s22  }
0x1b: {  	s12 =	simm.s32 $0xE00;
	s6 =	sadd.s32 $0x12000, s19;
	[dreg:$0x17] =	wrdreg s19  }
0x1c: {  	s14 =	simm.s32 $0xF00;
	s0 =	sadd.s32 $0x165400, s0;
	[dreg:$0x18] =	wrdreg s6  }
0x1d: {  	s21 =	simm.s32 $0x5;
	s24 =	sadd.s32 $0x2000, s19;
	[dreg:$0x19] =	wrdreg s0  }
0x1e: {  	s23 =	simm.s32 $0x40;
	s26 =	sadd.s32 $0x4000, s19;
	[dreg:$0x1b] =	wrdreg s24  }
0x1f: {  	s25 =	simm.s32 $0x5000;
	s9 =	sadd.s32 $0x8000, s19;
	[dreg:$0x1c] =	wrdreg s26  }
0x20: {  	s1 =	simm.s32 $0x600;
	s11 =	sadd.s32 $0xA000, s19;
	[dreg:$0x1e] =	wrdreg s9  }
0x21: {  	s7 =	simm.s32 $0x680;
	s13 =	sadd.s32 $0xC000, s19;
	[dreg:$0x1f] =	wrdreg s11  }
0x22: {  	s16 =	simm.s32 $0x0;
	s15 =	sadd.s32 $0xE000, s19;
	[smem:$0x7F9] =	sst s13  }
0x23: {  	s17 =	sadd.s32 $0x10000, s19;
	s20 =	simm.s32 $0x1000;
	[smem:$0x7FA] =	sst s15  }
0x24: {  	s22 =	simm.s32 $0x800;
	s6 =	sadd.s32 $0x6000, s19;
	[smem:$0x7FB] =	sst s17  }
0x25: {  	s24 =	simm.s32 $0xB80;
	s26 =	simm.s32 $0xC00;
	s0 =	simm.s32 $0xC80  }
0x26: {  	s9 =	simm.s32 $0x700;
	s11 =	simm.s32 $0x780;
	[dreg:$0x1d] =	wrdreg s6  }
0x27: {  	s13 =	simm.s32 $0xE80;
	s15 =	simm.s32 $0xF80;
	[dreg:$0x13] =	wrdreg s24  }
0x28: {  	v0 =	vimm.f32 $0.0e+00;
	s24 =	simm.s32 $0x3000;
	[dreg:$0x15] =	wrdreg s26;
	s26 =	simm.s32 $0x7000  }
.LBB2_1:
0x29: {  	s17 =	simm.s32 $0x0;
	s18 =	simm.s32 $0x200  }
.LBB2_2:
0x2a: {  	p0 =	sne.s32 s18, $0x7E00;
	[tilespmem:s17+$0x1070] =	vst v0  }
0x2b: {  	[tilespmem:s17+$0x1000] =	vst v0  }
0x2c: {  	[tilespmem:s17+$0x1010] =	vst v0  }
.Ltmp0:
0x2d: {  	[tilespmem:s17+$0x1020] =	vst v0;
	(pc) =	sbr.rel @p0 .LBB2_2-.Ltmp0, $4  }
0x2e: {  	[tilespmem:s17+$0x1030] =	vst v0  }
0x2f: {  	[tilespmem:s17+$0x1040] =	vst v0  }
0x30: {  	[tilespmem:s17+$0x1050] =	vst v0  }
0x31: {  	[tilespmem:s17+$0x1060] =	vst v0;
	s17 =	sshra.s32 s18, $0x2;
	s18 =	sadd.s32 $0x200, s18  }
0x32: {  	[tilespmem:s17+$0x1070] =	vst v0  }
0x33: {  	[tilespmem:s17+$0x1000] =	vst v0  }
0x34: {  	[tilespmem:s17+$0x1010] =	vst v0  }
0x35: {  	[tilespmem:s17+$0x1020] =	vst v0  }
0x36: {  	[tilespmem:s17+$0x1030] =	vst v0  }
0x37: {  	[tilespmem:s17+$0x1040] =	vst v0  }
0x38: {  	[tilespmem:s17+$0x1050] =	vst v0  }
0x39: {  	[tilespmem:s17+$0x1060] =	vst v0  }
0x3a: {  	[spmem:s19] =	stream.linear.scatter [tilespmem:s20], [sflag:$0x5], $0x2000, $0x38;
	[tilespmem:$0x1CC00] =	vst v63  }
0x3b: {  	_ =	swait.ge [sflag:s21], $0x2000  }
0x3c: {  	[sflag:s21] =	ssyncset.done $0x0  }
0x3d: {  	s5 =	rddreg [dreg:$0x1b];
	[sflag:s21] =	ssyncadd.s32 $0xFFFFE000  }
0x3e: {  	[spmem:s5] =	stream.linear.scatter [tilespmem:s20], [sflag:$0x5], $0x2000, $0x38;
	[tilespmem:$0x1CC00] =	vst v63  }
0x3f: {  	_ =	swait.ge [sflag:s21], $0x2000  }
0x40: {  	[sflag:s21] =	ssyncset.done $0x0  }
0x41: {  	s6 =	rddreg [dreg:$0x1c];
	[sflag:s21] =	ssyncadd.s32 $0xFFFFE000  }
0x42: {  	[spmem:s6] =	stream.linear.scatter [tilespmem:s20], [sflag:$0x5], $0x2000, $0x38;
	[tilespmem:$0x1CC00] =	vst v63  }
0x43: {  	_ =	swait.ge [sflag:s21], $0x2000  }
0x44: {  	[sflag:s21] =	ssyncset.done $0x0  }
0x45: {  	s17 =	rddreg [dreg:$0x1d];
	[sflag:s21] =	ssyncadd.s32 $0xFFFFE000  }
0x46: {  	[spmem:s17] =	stream.linear.scatter [tilespmem:s20], [sflag:$0x5], $0x2000, $0x38;
	[tilespmem:$0x1CC00] =	vst v63  }
0x47: {  	_ =	swait.ge [sflag:s21], $0x2000  }
0x48: {  	[sflag:s21] =	ssyncset.done $0x0  }
0x49: {  	s18 =	rddreg [dreg:$0x1e];
	[sflag:s21] =	ssyncadd.s32 $0xFFFFE000  }
0x4a: {  	[spmem:s18] =	stream.linear.scatter [tilespmem:s20], [sflag:$0x5], $0x2000, $0x38;
	[tilespmem:$0x1CC00] =	vst v63  }
0x4b: {  	_ =	swait.ge [sflag:s21], $0x2000  }
0x4c: {  	[sflag:s21] =	ssyncset.done $0x0  }
0x4d: {  	s19 =	rddreg [dreg:$0x1f];
	[sflag:s21] =	ssyncadd.s32 $0xFFFFE000  }
0x4e: {  	[spmem:s19] =	stream.linear.scatter [tilespmem:s20], [sflag:$0x5], $0x2000, $0x38;
	[tilespmem:$0x1CC00] =	vst v63  }
0x4f: {  	_ =	swait.ge [sflag:s21], $0x2000  }
0x50: {  	s6 =	sld [smem:$0x7F9]  }
0x51: {  	[sflag:s21] =	ssyncset.done $0x0  }
0x52: {  	[sflag:s21] =	ssyncadd.s32 $0xFFFFE000  }
0x53: {  	[spmem:s6] =	stream.linear.scatter [tilespmem:s20], [sflag:$0x5], $0x2000, $0x38;
	[tilespmem:$0x1CC00] =	vst v63  }
0x54: {  	_ =	swait.ge [sflag:s21], $0x2000  }
0x55: {  	s17 =	sld [smem:$0x7FA]  }
0x56: {  	[sflag:s21] =	ssyncset.done $0x0  }
0x57: {  	[sflag:s21] =	ssyncadd.s32 $0xFFFFE000  }
0x58: {  	[spmem:s17] =	stream.linear.scatter [tilespmem:s20], [sflag:$0x5], $0x2000, $0x38;
	[tilespmem:$0x1CC00] =	vst v63  }
0x59: {  	_ =	swait.ge [sflag:s21], $0x2000  }
0x5a: {  	s18 =	sld [smem:$0x7FB]  }
0x5b: {  	[sflag:s21] =	ssyncset.done $0x0  }
0x5c: {  	[sflag:s21] =	ssyncadd.s32 $0xFFFFE000  }
0x5d: {  	[spmem:s18] =	stream.linear.scatter [tilespmem:s20], [sflag:$0x5], $0x2000, $0x38;
	[tilespmem:$0x1CC00] =	vst v63  }
0x5e: {  	_ =	swait.ge [sflag:s21], $0x2000  }
0x5f: {  	[sflag:s21] =	ssyncset.done $0x0  }
0x60: {  	s19 =	rddreg [dreg:$0x18];
	[sflag:s21] =	ssyncadd.s32 $0xFFFFE000  }
0x61: {  	[spmem:s19] =	stream.linear.scatter [tilespmem:s20], [sflag:$0x5], $0x1C00, $0x38;
	[tilespmem:$0x1CC00] =	vst v63  }
0x62: {  	_ =	swait.ge [sflag:s21], $0x1C00  }
0x63: {  	[sflag:s21] =	ssyncset.done $0x0  }
0x64: {  	[sflag:s21] =	ssyncadd.s32 $0xFFFFE400  }
0x65: {  	[bflag:$0x0] =	sbarrier.arrive $0xFFFF  }
0x66: {  	s19 =	sld [smem:$0x7FD];
	_ =	sdelay $0x2  }
0x67: {  	[tilespmem:s3], [sflag:$0x5] =	stream.linear.gather [hbm4b:s19+s3], $0x800, $0x38;
	[tilespmem:$0x1CC00] =	vst v63  }
0x68: {  	_ =	swait.ge [sflag:s21], $0x800  }
0x69: {  	s6 =	sld [smem:$0x7FC]  }
0x6a: {  	[sflag:s21] =	ssyncset.done $0x0  }
0x6b: {  	[sflag:s21] =	ssyncadd.s32 $0xFFFFF800  }
0x6c: {  	[tilespmem:s22], [sflag:$0x5] =	stream.linear.gather [hbm4b:s6+s3], $0x800, $0x38;
	[tilespmem:$0x1CC00] =	vst v63  }
0x6d: {  	_ =	swait.ge [sflag:s21], $0x800  }
0x6e: {  	[sflag:s21] =	ssyncset.done $0x0  }
0x6f: {  	[sflag:s21] =	ssyncadd.s32 $0xFFFFF800  }
0x70: {  	[tilespmem:s20], [sflag:$0x1] =	stream.indirect.gather [hbm4b:s4+s23], $0x80, s3, s23, $0xb8;
	[tilespmem:$0x1CC00] =	vst v63  }
0x71: {  	s5 =	rddreg [dreg:$0x3]  }
0x72: {  	[tilespmem:s24], [sflag:$0x2] =	stream.indirect.gather [hbm4b:s4+s23], $0x80, s5, s23, $0xb8;
	[tilespmem:$0x1CC00] =	vst v63  }
0x73: {  	s18 =	rddreg [dreg:$0x4]  }
0x74: {  	[tilespmem:s25], [sflag:$0x3] =	stream.indirect.gather [hbm4b:s4+s23], $0x80, s18, s23, $0xb8;
	[tilespmem:$0x1CC00] =	vst v63  }
0x75: {  	s5 =	rddreg [dreg:$0x5]  }
0x76: {  	[tilespmem:s26], [sflag:$0x4] =	stream.indirect.gather [hbm4b:s4+s23], $0x80, s5, s23, $0xb8;
	[tilespmem:$0x1CC00] =	vst v63  }
0x77: {  	_ =	swait.ge [sflag:s28], $0x2000  }
0x78: {  	[sflag:s28] =	ssyncset.done $0x0  }
0x79: {  	[sflag:s28] =	ssyncadd.s32 $0xFFFFE000  }
0x7a: {  	[spmem:s2] =	stream.indirect.scatter.add.f32 [tilespmem:s20], [sflag:$0x5], $0x80, s22, s23, $0xb8;
	[tilespmem:$0x1CC00] =	vst v63  }
0x7b: {  	_ =	swait.ge [sflag:s21], $0x2000  }
0x7c: {  	[sflag:s21] =	ssyncset.done $0x0  }
0x7d: {  	s18 =	rddreg [dreg:$0x6];
	[sflag:s21] =	ssyncadd.s32 $0xFFFFE000  }
0x7e: {  	[tilespmem:s20], [sflag:$0x1] =	stream.indirect.gather [hbm4b:s4+s23], $0x80, s18, s23, $0xb8;
	[tilespmem:$0x1CC00] =	vst v63  }
0x7f: {  	_ =	swait.ge [sflag:s29], $0x2000  }
0x80: {  	[sflag:s29] =	ssyncset.done $0x0  }
0x81: {  	s5 =	rddreg [dreg:$0x7];
	[sflag:s29] =	ssyncadd.s32 $0xFFFFE000  }
0x82: {  	[spmem:s2] =	stream.indirect.scatter.add.f32 [tilespmem:s24], [sflag:$0x5], $0x80, s5, s23, $0xb8;
	[tilespmem:$0x1CC00] =	vst v63  }
0x83: {  	_ =	swait.ge [sflag:s21], $0x2000  }
0x84: {  	[sflag:s21] =	ssyncset.done $0x0  }
0x85: {  	s18 =	rddreg [dreg:$0x8];
	[sflag:s21] =	ssyncadd.s32 $0xFFFFE000  }
0x86: {  	[tilespmem:s24], [sflag:$0x2] =	stream.indirect.gather [hbm4b:s4+s23], $0x80, s18, s23, $0xb8;
	[tilespmem:$0x1CC00] =	vst v63  }
0x87: {  	_ =	swait.ge [sflag:s30], $0x2000  }
0x88: {  	[sflag:s30] =	ssyncset.done $0x0  }
0x89: {  	s5 =	rddreg [dreg:$0x9];
	[sflag:s30] =	ssyncadd.s32 $0xFFFFE000  }
0x8a: {  	[spmem:s2] =	stream.indirect.scatter.add.f32 [tilespmem:s25], [sflag:$0x5], $0x80, s5, s23, $0xb8;
	[tilespmem:$0x1CC00] =	vst v63  }
0x8b: {  	_ =	swait.ge [sflag:s21], $0x2000  }
0x8c: {  	[sflag:s21] =	ssyncset.done $0x0  }
0x8d: {  	s18 =	rddreg [dreg:$0xa];
	[sflag:s21] =	ssyncadd.s32 $0xFFFFE000  }
0x8e: {  	[tilespmem:s25], [sflag:$0x3] =	stream.indirect.gather [hbm4b:s4+s23], $0x80, s18, s23, $0xb8;
	[tilespmem:$0x1CC00] =	vst v63  }
0x8f: {  	_ =	swait.ge [sflag:s31], $0x2000  }
0x90: {  	[sflag:s31] =	ssyncset.done $0x0  }
0x91: {  	s5 =	rddreg [dreg:$0xb];
	[sflag:s31] =	ssyncadd.s32 $0xFFFFE000  }
0x92: {  	[spmem:s2] =	stream.indirect.scatter.add.f32 [tilespmem:s26], [sflag:$0x5], $0x80, s5, s23, $0xb8;
	[tilespmem:$0x1CC00] =	vst v63  }
0x93: {  	_ =	swait.ge [sflag:s21], $0x2000  }
0x94: {  	[sflag:s21] =	ssyncset.done $0x0  }
0x95: {  	s18 =	rddreg [dreg:$0xc];
	[sflag:s21] =	ssyncadd.s32 $0xFFFFE000  }
0x96: {  	[tilespmem:s26], [sflag:$0x4] =	stream.indirect.gather [hbm4b:s4+s23], $0x80, s18, s23, $0xb8;
	[tilespmem:$0x1CC00] =	vst v63  }
0x97: {  	_ =	swait.ge [sflag:s28], $0x2000  }
0x98: {  	[sflag:s28] =	ssyncset.done $0x0  }
0x99: {  	s5 =	rddreg [dreg:$0xd];
	[sflag:s28] =	ssyncadd.s32 $0xFFFFE000  }
0x9a: {  	[spmem:s2] =	stream.indirect.scatter.add.f32 [tilespmem:s20], [sflag:$0x5], $0x80, s5, s23, $0xb8;
	[tilespmem:$0x1CC00] =	vst v63  }
0x9b: {  	_ =	swait.ge [sflag:s21], $0x2000  }
0x9c: {  	[sflag:s21] =	ssyncset.done $0x0  }
0x9d: {  	s18 =	rddreg [dreg:$0xe];
	[sflag:s21] =	ssyncadd.s32 $0xFFFFE000  }
0x9e: {  	[tilespmem:s20], [sflag:$0x1] =	stream.indirect.gather [hbm4b:s4+s23], $0x80, s18, s23, $0xb8;
	[tilespmem:$0x1CC00] =	vst v63  }
0x9f: {  	_ =	swait.ge [sflag:s29], $0x2000  }
0xa0: {  	[sflag:s29] =	ssyncset.done $0x0  }
0xa1: {  	s5 =	rddreg [dreg:$0xf];
	[sflag:s29] =	ssyncadd.s32 $0xFFFFE000  }
0xa2: {  	[spmem:s2] =	stream.indirect.scatter.add.f32 [tilespmem:s24], [sflag:$0x5], $0x80, s5, s23, $0xb8;
	[tilespmem:$0x1CC00] =	vst v63  }
0xa3: {  	_ =	swait.ge [sflag:s21], $0x2000  }
0xa4: {  	[sflag:s21] =	ssyncset.done $0x0  }
0xa5: {  	s18 =	rddreg [dreg:$0x10];
	[sflag:s21] =	ssyncadd.s32 $0xFFFFE000  }
0xa6: {  	[tilespmem:s24], [sflag:$0x2] =	stream.indirect.gather [hbm4b:s4+s23], $0x80, s18, s23, $0xb8;
	[tilespmem:$0x1CC00] =	vst v63  }
0xa7: {  	_ =	swait.ge [sflag:s30], $0x2000  }
0xa8: {  	[sflag:s30] =	ssyncset.done $0x0  }
0xa9: {  	s5 =	rddreg [dreg:$0x11];
	[sflag:s30] =	ssyncadd.s32 $0xFFFFE000  }
0xaa: {  	[spmem:s2] =	stream.indirect.scatter.add.f32 [tilespmem:s25], [sflag:$0x5], $0x80, s5, s23, $0xb8;
	[tilespmem:$0x1CC00] =	vst v63  }
0xab: {  	_ =	swait.ge [sflag:s21], $0x2000  }
0xac: {  	[sflag:s21] =	ssyncset.done $0x0  }
0xad: {  	s18 =	rddreg [dreg:$0x12];
	[sflag:s21] =	ssyncadd.s32 $0xFFFFE000  }
0xae: {  	[tilespmem:s25], [sflag:$0x3] =	stream.indirect.gather [hbm4b:s4+s23], $0x80, s18, s23, $0xb8;
	[tilespmem:$0x1CC00] =	vst v63  }
0xaf: {  	_ =	swait.ge [sflag:s31], $0x2000  }
0xb0: {  	[sflag:s31] =	ssyncset.done $0x0  }
0xb1: {  	s5 =	rddreg [dreg:$0x13];
	[sflag:s31] =	ssyncadd.s32 $0xFFFFE000  }
0xb2: {  	[spmem:s2] =	stream.indirect.scatter.add.f32 [tilespmem:s26], [sflag:$0x5], $0x80, s5, s23, $0xb8;
	[tilespmem:$0x1CC00] =	vst v63  }
0xb3: {  	_ =	swait.ge [sflag:s21], $0x2000  }
0xb4: {  	[sflag:s21] =	ssyncset.done $0x0  }
0xb5: {  	s18 =	rddreg [dreg:$0x14];
	[sflag:s21] =	ssyncadd.s32 $0xFFFFE000  }
0xb6: {  	[tilespmem:s26], [sflag:$0x4] =	stream.indirect.gather [hbm4b:s4+s23], $0x80, s18, s23, $0xb8;
	[tilespmem:$0x1CC00] =	vst v63  }
0xb7: {  	_ =	swait.ge [sflag:s28], $0x2000  }
0xb8: {  	[sflag:s28] =	ssyncset.done $0x0  }
0xb9: {  	s5 =	rddreg [dreg:$0x15];
	[sflag:s28] =	ssyncadd.s32 $0xFFFFE000  }
0xba: {  	[spmem:s2] =	stream.indirect.scatter.add.f32 [tilespmem:s20], [sflag:$0x5], $0x80, s5, s23, $0xb8;
	[tilespmem:$0x1CC00] =	vst v63  }
0xbb: {  	_ =	swait.ge [sflag:s21], $0x2000  }
0xbc: {  	[sflag:s21] =	ssyncset.done $0x0  }
0xbd: {  	[sflag:s21] =	ssyncadd.s32 $0xFFFFE000  }
0xbe: {  	[tilespmem:s20], [sflag:$0x1] =	stream.indirect.gather [hbm4b:s4+s23], $0x80, s1, s23, $0xb8;
	[tilespmem:$0x1CC00] =	vst v63  }
0xbf: {  	_ =	swait.ge [sflag:s29], $0x2000  }
0xc0: {  	[sflag:s29] =	ssyncset.done $0x0  }
0xc1: {  	[sflag:s29] =	ssyncadd.s32 $0xFFFFE000  }
0xc2: {  	[spmem:s2] =	stream.indirect.scatter.add.f32 [tilespmem:s24], [sflag:$0x5], $0x80, s0, s23, $0xb8;
	[tilespmem:$0x1CC00] =	vst v63  }
0xc3: {  	_ =	swait.ge [sflag:s21], $0x2000  }
0xc4: {  	[sflag:s21] =	ssyncset.done $0x0  }
0xc5: {  	[sflag:s21] =	ssyncadd.s32 $0xFFFFE000  }
0xc6: {  	[tilespmem:s24], [sflag:$0x2] =	stream.indirect.gather [hbm4b:s4+s23], $0x80, s7, s23, $0xb8;
	[tilespmem:$0x1CC00] =	vst v63  }
0xc7: {  	_ =	swait.ge [sflag:s30], $0x2000  }
0xc8: {  	[sflag:s30] =	ssyncset.done $0x0  }
0xc9: {  	[sflag:s30] =	ssyncadd.s32 $0xFFFFE000  }
0xca: {  	[spmem:s2] =	stream.indirect.scatter.add.f32 [tilespmem:s25], [sflag:$0x5], $0x80, s8, s23, $0xb8;
	[tilespmem:$0x1CC00] =	vst v63  }
0xcb: {  	_ =	swait.ge [sflag:s21], $0x2000  }
0xcc: {  	[sflag:s21] =	ssyncset.done $0x0  }
0xcd: {  	[sflag:s21] =	ssyncadd.s32 $0xFFFFE000  }
0xce: {  	[tilespmem:s25], [sflag:$0x3] =	stream.indirect.gather [hbm4b:s4+s23], $0x80, s9, s23, $0xb8;
	[tilespmem:$0x1CC00] =	vst v63  }
0xcf: {  	_ =	swait.ge [sflag:s31], $0x2000  }
0xd0: {  	[sflag:s31] =	ssyncset.done $0x0  }
0xd1: {  	[sflag:s31] =	ssyncadd.s32 $0xFFFFE000  }
0xd2: {  	[spmem:s2] =	stream.indirect.scatter.add.f32 [tilespmem:s26], [sflag:$0x5], $0x80, s10, s23, $0xb8;
	[tilespmem:$0x1CC00] =	vst v63  }
0xd3: {  	_ =	swait.ge [sflag:s21], $0x2000  }
0xd4: {  	[sflag:s21] =	ssyncset.done $0x0  }
0xd5: {  	[sflag:s21] =	ssyncadd.s32 $0xFFFFE000  }
0xd6: {  	[tilespmem:s26], [sflag:$0x4] =	stream.indirect.gather [hbm4b:s4+s23], $0x80, s11, s23, $0xb8;
	[tilespmem:$0x1CC00] =	vst v63  }
0xd7: {  	_ =	swait.ge [sflag:s28], $0x2000  }
0xd8: {  	[sflag:s28] =	ssyncset.done $0x0  }
0xd9: {  	[sflag:s28] =	ssyncadd.s32 $0xFFFFE000  }
0xda: {  	[spmem:s2] =	stream.indirect.scatter.add.f32 [tilespmem:s20], [sflag:$0x5], $0x80, s12, s23, $0xb8;
	[tilespmem:$0x1CC00] =	vst v63  }
0xdb: {  	_ =	swait.ge [sflag:s21], $0x2000  }
0xdc: {  	[sflag:s21] =	ssyncset.done $0x0  }
0xdd: {  	[sflag:s21] =	ssyncadd.s32 $0xFFFFE000  }
0xde: {  	_ =	swait.ge [sflag:s29], $0x2000  }
0xdf: {  	[sflag:s29] =	ssyncset.done $0x0  }
0xe0: {  	[sflag:s29] =	ssyncadd.s32 $0xFFFFE000  }
0xe1: {  	[spmem:s2] =	stream.indirect.scatter.add.f32 [tilespmem:s24], [sflag:$0x5], $0x80, s13, s23, $0xb8;
	[tilespmem:$0x1CC00] =	vst v63  }
0xe2: {  	_ =	swait.ge [sflag:s21], $0x2000  }
0xe3: {  	[sflag:s21] =	ssyncset.done $0x0  }
0xe4: {  	[sflag:s21] =	ssyncadd.s32 $0xFFFFE000  }
0xe5: {  	_ =	swait.ge [sflag:s30], $0x2000  }
0xe6: {  	[sflag:s30] =	ssyncset.done $0x0  }
0xe7: {  	[sflag:s30] =	ssyncadd.s32 $0xFFFFE000  }
0xe8: {  	[spmem:s2] =	stream.indirect.scatter.add.f32 [tilespmem:s25], [sflag:$0x5], $0x80, s14, s23, $0xb8;
	[tilespmem:$0x1CC00] =	vst v63  }
0xe9: {  	_ =	swait.ge [sflag:s21], $0x2000  }
0xea: {  	[sflag:s21] =	ssyncset.done $0x0  }
0xeb: {  	[sflag:s21] =	ssyncadd.s32 $0xFFFFE000  }
0xec: {  	_ =	swait.ge [sflag:s31], $0x2000  }
0xed: {  	s18 =	rddreg [dreg:$0x16]  }
0xee: {  	p0 =	sne.s32 s18, $0x1  }
.Ltmp1:
0xef: {  	[sflag:s31] =	ssyncset.done $0x0;
	(pc) =	sbr.rel @!p0 .LBB2_5-.Ltmp1, $4  }
0xf0: {  	[sflag:s31] =	ssyncadd.s32 $0xFFFFE000  }
0xf1: {  	[spmem:s2] =	stream.indirect.scatter.add.f32 [tilespmem:s26], [sflag:$0x5], $0x80, s15, s23, $0xb8;
	[tilespmem:$0x1CC00] =	vst v63  }
0xf2: {  	_ =	swait.ge [sflag:s21], $0x2000  }
0xf3: {  	s17 =	sadd.s32 $0xFFFFFFFF, s18;
	s18 =	smov.u32 s6;
	[sflag:s21] =	ssyncset.done $0x0  }
.LBB2_4:
0xf4: {  	[sflag:s21] =	ssyncadd.s32 $0xFFFFE000;
	s19 =	sadd.s32 $0x100, s19  }
0xf5: {  	[tilespmem:s3], [sflag:$0x5] =	stream.linear.gather [hbm4b:s19+s3], $0x800, $0x38;
	[tilespmem:$0x1CC00] =	vst v63  }
0xf6: {  	_ =	swait.ge [sflag:s21], $0x800  }
0xf7: {  	[sflag:s21] =	ssyncset.done $0x0  }
0xf8: {  	s18 =	sadd.s32 $0x100, s18;
	[sflag:s21] =	ssyncadd.s32 $0xFFFFF800  }
0xf9: {  	[tilespmem:s22], [sflag:$0x5] =	stream.linear.gather [hbm4b:s18+s3], $0x800, $0x38;
	[tilespmem:$0x1CC00] =	vst v63  }
0xfa: {  	_ =	swait.ge [sflag:s21], $0x800  }
0xfb: {  	[sflag:s21] =	ssyncset.done $0x0  }
0xfc: {  	[sflag:s21] =	ssyncadd.s32 $0xFFFFF800  }
0xfd: {  	[tilespmem:s20], [sflag:$0x1] =	stream.indirect.gather [hbm4b:s4+s23], $0x80, s3, s23, $0xb8;
	[tilespmem:$0x1CC00] =	vst v63  }
0xfe: {  	s5 =	rddreg [dreg:$0x3]  }
0xff: {  	[tilespmem:s24], [sflag:$0x2] =	stream.indirect.gather [hbm4b:s4+s23], $0x80, s5, s23, $0xb8;
	[tilespmem:$0x1CC00] =	vst v63  }
0x100: {  	s6 =	rddreg [dreg:$0x4]  }
0x101: {  	[tilespmem:s25], [sflag:$0x3] =	stream.indirect.gather [hbm4b:s4+s23], $0x80, s6, s23, $0xb8;
	[tilespmem:$0x1CC00] =	vst v63  }
0x102: {  	s5 =	rddreg [dreg:$0x5]  }
0x103: {  	[tilespmem:s26], [sflag:$0x4] =	stream.indirect.gather [hbm4b:s4+s23], $0x80, s5, s23, $0xb8;
	[tilespmem:$0x1CC00] =	vst v63  }
0x104: {  	_ =	swait.ge [sflag:s28], $0x2000  }
0x105: {  	[sflag:s28] =	ssyncset.done $0x0  }
0x106: {  	[sflag:s28] =	ssyncadd.s32 $0xFFFFE000  }
0x107: {  	[spmem:s2] =	stream.indirect.scatter.add.f32 [tilespmem:s20], [sflag:$0x5], $0x80, s22, s23, $0xb8;
	[tilespmem:$0x1CC00] =	vst v63  }
0x108: {  	_ =	swait.ge [sflag:s21], $0x2000  }
0x109: {  	[sflag:s21] =	ssyncset.done $0x0  }
0x10a: {  	s6 =	rddreg [dreg:$0x6];
	[sflag:s21] =	ssyncadd.s32 $0xFFFFE000  }
0x10b: {  	[tilespmem:s20], [sflag:$0x1] =	stream.indirect.gather [hbm4b:s4+s23], $0x80, s6, s23, $0xb8;
	[tilespmem:$0x1CC00] =	vst v63  }
0x10c: {  	_ =	swait.ge [sflag:s29], $0x2000  }
0x10d: {  	[sflag:s29] =	ssyncset.done $0x0  }
0x10e: {  	s6 =	rddreg [dreg:$0x7];
	[sflag:s29] =	ssyncadd.s32 $0xFFFFE000  }
0x10f: {  	[spmem:s2] =	stream.indirect.scatter.add.f32 [tilespmem:s24], [sflag:$0x5], $0x80, s6, s23, $0xb8;
	[tilespmem:$0x1CC00] =	vst v63  }
0x110: {  	_ =	swait.ge [sflag:s21], $0x2000  }
0x111: {  	[sflag:s21] =	ssyncset.done $0x0  }
0x112: {  	s6 =	rddreg [dreg:$0x8];
	[sflag:s21] =	ssyncadd.s32 $0xFFFFE000  }
0x113: {  	[tilespmem:s24], [sflag:$0x2] =	stream.indirect.gather [hbm4b:s4+s23], $0x80, s6, s23, $0xb8;
	[tilespmem:$0x1CC00] =	vst v63  }
0x114: {  	_ =	swait.ge [sflag:s30], $0x2000  }
0x115: {  	[sflag:s30] =	ssyncset.done $0x0  }
0x116: {  	s6 =	rddreg [dreg:$0x9];
	[sflag:s30] =	ssyncadd.s32 $0xFFFFE000  }
0x117: {  	[spmem:s2] =	stream.indirect.scatter.add.f32 [tilespmem:s25], [sflag:$0x5], $0x80, s6, s23, $0xb8;
	[tilespmem:$0x1CC00] =	vst v63  }
0x118: {  	_ =	swait.ge [sflag:s21], $0x2000  }
0x119: {  	[sflag:s21] =	ssyncset.done $0x0  }
0x11a: {  	s6 =	rddreg [dreg:$0xa];
	[sflag:s21] =	ssyncadd.s32 $0xFFFFE000  }
0x11b: {  	[tilespmem:s25], [sflag:$0x3] =	stream.indirect.gather [hbm4b:s4+s23], $0x80, s6, s23, $0xb8;
	[tilespmem:$0x1CC00] =	vst v63  }
0x11c: {  	_ =	swait.ge [sflag:s31], $0x2000  }
0x11d: {  	[sflag:s31] =	ssyncset.done $0x0  }
0x11e: {  	s6 =	rddreg [dreg:$0xb];
	[sflag:s31] =	ssyncadd.s32 $0xFFFFE000  }
0x11f: {  	[spmem:s2] =	stream.indirect.scatter.add.f32 [tilespmem:s26], [sflag:$0x5], $0x80, s6, s23, $0xb8;
	[tilespmem:$0x1CC00] =	vst v63  }
0x120: {  	_ =	swait.ge [sflag:s21], $0x2000  }
0x121: {  	[sflag:s21] =	ssyncset.done $0x0  }
0x122: {  	s6 =	rddreg [dreg:$0xc];
	[sflag:s21] =	ssyncadd.s32 $0xFFFFE000  }
0x123: {  	[tilespmem:s26], [sflag:$0x4] =	stream.indirect.gather [hbm4b:s4+s23], $0x80, s6, s23, $0xb8;
	[tilespmem:$0x1CC00] =	vst v63  }
0x124: {  	_ =	swait.ge [sflag:s28], $0x2000  }
0x125: {  	[sflag:s28] =	ssyncset.done $0x0  }
0x126: {  	s6 =	rddreg [dreg:$0xd];
	[sflag:s28] =	ssyncadd.s32 $0xFFFFE000  }
0x127: {  	[spmem:s2] =	stream.indirect.scatter.add.f32 [tilespmem:s20], [sflag:$0x5], $0x80, s6, s23, $0xb8;
	[tilespmem:$0x1CC00] =	vst v63  }
0x128: {  	_ =	swait.ge [sflag:s21], $0x2000  }
0x129: {  	[sflag:s21] =	ssyncset.done $0x0  }
0x12a: {  	s6 =	rddreg [dreg:$0xe];
	[sflag:s21] =	ssyncadd.s32 $0xFFFFE000  }
0x12b: {  	[tilespmem:s20], [sflag:$0x1] =	stream.indirect.gather [hbm4b:s4+s23], $0x80, s6, s23, $0xb8;
	[tilespmem:$0x1CC00] =	vst v63  }
0x12c: {  	_ =	swait.ge [sflag:s29], $0x2000  }
0x12d: {  	[sflag:s29] =	ssyncset.done $0x0  }
0x12e: {  	s6 =	rddreg [dreg:$0xf];
	[sflag:s29] =	ssyncadd.s32 $0xFFFFE000  }
0x12f: {  	[spmem:s2] =	stream.indirect.scatter.add.f32 [tilespmem:s24], [sflag:$0x5], $0x80, s6, s23, $0xb8;
	[tilespmem:$0x1CC00] =	vst v63  }
0x130: {  	_ =	swait.ge [sflag:s21], $0x2000  }
0x131: {  	[sflag:s21] =	ssyncset.done $0x0  }
0x132: {  	s6 =	rddreg [dreg:$0x10];
	[sflag:s21] =	ssyncadd.s32 $0xFFFFE000  }
0x133: {  	[tilespmem:s24], [sflag:$0x2] =	stream.indirect.gather [hbm4b:s4+s23], $0x80, s6, s23, $0xb8;
	[tilespmem:$0x1CC00] =	vst v63  }
0x134: {  	_ =	swait.ge [sflag:s30], $0x2000  }
0x135: {  	[sflag:s30] =	ssyncset.done $0x0  }
0x136: {  	s6 =	rddreg [dreg:$0x11];
	[sflag:s30] =	ssyncadd.s32 $0xFFFFE000  }
0x137: {  	[spmem:s2] =	stream.indirect.scatter.add.f32 [tilespmem:s25], [sflag:$0x5], $0x80, s6, s23, $0xb8;
	[tilespmem:$0x1CC00] =	vst v63  }
0x138: {  	_ =	swait.ge [sflag:s21], $0x2000  }
0x139: {  	[sflag:s21] =	ssyncset.done $0x0  }
0x13a: {  	s6 =	rddreg [dreg:$0x12];
	[sflag:s21] =	ssyncadd.s32 $0xFFFFE000  }
0x13b: {  	[tilespmem:s25], [sflag:$0x3] =	stream.indirect.gather [hbm4b:s4+s23], $0x80, s6, s23, $0xb8;
	[tilespmem:$0x1CC00] =	vst v63  }
0x13c: {  	_ =	swait.ge [sflag:s31], $0x2000  }
0x13d: {  	[sflag:s31] =	ssyncset.done $0x0  }
0x13e: {  	s6 =	rddreg [dreg:$0x13];
	[sflag:s31] =	ssyncadd.s32 $0xFFFFE000  }
0x13f: {  	[spmem:s2] =	stream.indirect.scatter.add.f32 [tilespmem:s26], [sflag:$0x5], $0x80, s6, s23, $0xb8;
	[tilespmem:$0x1CC00] =	vst v63  }
0x140: {  	_ =	swait.ge [sflag:s21], $0x2000  }
0x141: {  	[sflag:s21] =	ssyncset.done $0x0  }
0x142: {  	s6 =	rddreg [dreg:$0x14];
	[sflag:s21] =	ssyncadd.s32 $0xFFFFE000  }
0x143: {  	[tilespmem:s26], [sflag:$0x4] =	stream.indirect.gather [hbm4b:s4+s23], $0x80, s6, s23, $0xb8;
	[tilespmem:$0x1CC00] =	vst v63  }
0x144: {  	_ =	swait.ge [sflag:s28], $0x2000  }
0x145: {  	[sflag:s28] =	ssyncset.done $0x0  }
0x146: {  	s6 =	rddreg [dreg:$0x15];
	[sflag:s28] =	ssyncadd.s32 $0xFFFFE000  }
0x147: {  	[spmem:s2] =	stream.indirect.scatter.add.f32 [tilespmem:s20], [sflag:$0x5], $0x80, s6, s23, $0xb8;
	[tilespmem:$0x1CC00] =	vst v63  }
0x148: {  	_ =	swait.ge [sflag:s21], $0x2000  }
0x149: {  	[sflag:s21] =	ssyncset.done $0x0  }
0x14a: {  	[sflag:s21] =	ssyncadd.s32 $0xFFFFE000  }
0x14b: {  	[tilespmem:s20], [sflag:$0x1] =	stream.indirect.gather [hbm4b:s4+s23], $0x80, s1, s23, $0xb8;
	[tilespmem:$0x1CC00] =	vst v63  }
0x14c: {  	_ =	swait.ge [sflag:s29], $0x2000  }
0x14d: {  	[sflag:s29] =	ssyncset.done $0x0  }
0x14e: {  	[sflag:s29] =	ssyncadd.s32 $0xFFFFE000  }
0x14f: {  	[spmem:s2] =	stream.indirect.scatter.add.f32 [tilespmem:s24], [sflag:$0x5], $0x80, s0, s23, $0xb8;
	[tilespmem:$0x1CC00] =	vst v63  }
0x150: {  	_ =	swait.ge [sflag:s21], $0x2000  }
0x151: {  	[sflag:s21] =	ssyncset.done $0x0  }
0x152: {  	[sflag:s21] =	ssyncadd.s32 $0xFFFFE000  }
0x153: {  	[tilespmem:s24], [sflag:$0x2] =	stream.indirect.gather [hbm4b:s4+s23], $0x80, s7, s23, $0xb8;
	[tilespmem:$0x1CC00] =	vst v63  }
0x154: {  	_ =	swait.ge [sflag:s30], $0x2000  }
0x155: {  	[sflag:s30] =	ssyncset.done $0x0  }
0x156: {  	[sflag:s30] =	ssyncadd.s32 $0xFFFFE000  }
0x157: {  	[spmem:s2] =	stream.indirect.scatter.add.f32 [tilespmem:s25], [sflag:$0x5], $0x80, s8, s23, $0xb8;
	[tilespmem:$0x1CC00] =	vst v63  }
0x158: {  	_ =	swait.ge [sflag:s21], $0x2000  }
0x159: {  	[sflag:s21] =	ssyncset.done $0x0  }
0x15a: {  	[sflag:s21] =	ssyncadd.s32 $0xFFFFE000  }
0x15b: {  	[tilespmem:s25], [sflag:$0x3] =	stream.indirect.gather [hbm4b:s4+s23], $0x80, s9, s23, $0xb8;
	[tilespmem:$0x1CC00] =	vst v63  }
0x15c: {  	_ =	swait.ge [sflag:s31], $0x2000  }
0x15d: {  	[sflag:s31] =	ssyncset.done $0x0  }
0x15e: {  	[sflag:s31] =	ssyncadd.s32 $0xFFFFE000  }
0x15f: {  	[spmem:s2] =	stream.indirect.scatter.add.f32 [tilespmem:s26], [sflag:$0x5], $0x80, s10, s23, $0xb8;
	[tilespmem:$0x1CC00] =	vst v63  }
0x160: {  	_ =	swait.ge [sflag:s21], $0x2000  }
0x161: {  	[sflag:s21] =	ssyncset.done $0x0  }
0x162: {  	[sflag:s21] =	ssyncadd.s32 $0xFFFFE000  }
0x163: {  	[tilespmem:s26], [sflag:$0x4] =	stream.indirect.gather [hbm4b:s4+s23], $0x80, s11, s23, $0xb8;
	[tilespmem:$0x1CC00] =	vst v63  }
0x164: {  	_ =	swait.ge [sflag:s28], $0x2000  }
0x165: {  	[sflag:s28] =	ssyncset.done $0x0  }
0x166: {  	[sflag:s28] =	ssyncadd.s32 $0xFFFFE000  }
0x167: {  	[spmem:s2] =	stream.indirect.scatter.add.f32 [tilespmem:s20], [sflag:$0x5], $0x80, s12, s23, $0xb8;
	[tilespmem:$0x1CC00] =	vst v63  }
0x168: {  	_ =	swait.ge [sflag:s21], $0x2000  }
0x169: {  	[sflag:s21] =	ssyncset.done $0x0  }
0x16a: {  	[sflag:s21] =	ssyncadd.s32 $0xFFFFE000  }
0x16b: {  	_ =	swait.ge [sflag:s29], $0x2000  }
0x16c: {  	[sflag:s29] =	ssyncset.done $0x0  }
0x16d: {  	[sflag:s29] =	ssyncadd.s32 $0xFFFFE000  }
0x16e: {  	[spmem:s2] =	stream.indirect.scatter.add.f32 [tilespmem:s24], [sflag:$0x5], $0x80, s13, s23, $0xb8;
	[tilespmem:$0x1CC00] =	vst v63  }
0x16f: {  	_ =	swait.ge [sflag:s21], $0x2000  }
0x170: {  	[sflag:s21] =	ssyncset.done $0x0  }
0x171: {  	[sflag:s21] =	ssyncadd.s32 $0xFFFFE000  }
0x172: {  	_ =	swait.ge [sflag:s30], $0x2000  }
0x173: {  	[sflag:s30] =	ssyncset.done $0x0  }
0x174: {  	[sflag:s30] =	ssyncadd.s32 $0xFFFFE000  }
0x175: {  	[spmem:s2] =	stream.indirect.scatter.add.f32 [tilespmem:s25], [sflag:$0x5], $0x80, s14, s23, $0xb8;
	[tilespmem:$0x1CC00] =	vst v63  }
0x176: {  	_ =	swait.ge [sflag:s21], $0x2000  }
0x177: {  	[sflag:s21] =	ssyncset.done $0x0  }
0x178: {  	[sflag:s21] =	ssyncadd.s32 $0xFFFFE000  }
0x179: {  	p0 =	sne.s32 s17, $0x1;
	_ =	swait.ge [sflag:s31], $0x2000  }
.Ltmp2:
0x17a: {  	[sflag:s31] =	ssyncset.done $0x0;
	(pc) =	sbr.rel @p0 .LBB2_4-.Ltmp2, $4  }
0x17b: {  	[sflag:s31] =	ssyncadd.s32 $0xFFFFE000  }
0x17c: {  	[spmem:s2] =	stream.indirect.scatter.add.f32 [tilespmem:s26], [sflag:$0x5], $0x80, s15, s23, $0xb8;
	[tilespmem:$0x1CC00] =	vst v63  }
0x17d: {  	_ =	swait.ge [sflag:s21], $0x2000  }
0x17e: {  	s17 =	sadd.s32 $0xFFFFFFFF, s17;
	[sflag:s21] =	ssyncset.done $0x0  }
.LBB2_5:
0x17f: {  	[sflag:s21] =	ssyncadd.s32 $0xFFFFE000  }
0x180: {  	s5 =	stileid.u32;
	[bflag:$0x0] =	sbarrier.arrive $0xFFFF  }
0x181: {  	s5 =	sshll.u32 s5, $0x6;
	s19 =	rddreg [dreg:$0x17]  }
0x182: {  	s5 =	sor.u32 $0x1C05, s5;
	s17 =	rddreg [dreg:$0x19];
	s6 =	sshrl.u32 s19, $0x3  }
0x183: {  	[hbm:s17], [sflag:s5] =	dma.local [spmem:s6], $0x2780  }
0x184: {  	_ =	swait.ge [sflag:s21], $0x2780  }
0x185: {  	s16 =	sadd.s32 $0x1, s16;
	s18 =	rddreg [dreg:$0x1a]  }
0x186: {  	p0 =	sne.s32 s16, s18  }
.Ltmp3:
0x187: {  	_ = 	snop;
	(pc) =	sbr.rel @p0 .LBB2_1-.Ltmp3, $3  }
0x188: {  	_ =	sdelay $0x1  }
0x189: {  	[sflag:s21] =	ssyncset.done $0x0  }
0x18a: {  	[sflag:s21] =	ssyncadd.s32 $0xFFFFD880  }
0x18b: {  	_ =	sfence.sel $0x180000  }
0x18c: {  	[bflag:$0x0] =	sbarrier.arrive $0xFFFF  }
0x18d: {  	_ =	strace $0x90000047  }
0x18e: {  	s0 =	stileid.u32;
	[bflag:$0x2] =	sbarrier.arrive $0xFFFF  }
0x18f: {  	p0 =	sne.s32 s0, $0x0;
	s0 =	rddreg [dreg:$0x2]  }
0x190: {  	s0 =	sadd.s32 @!p0 $0x100000, s0  }
0x191: {  	[sflag:s0] =	ssyncadd.tile.s32 @!p0 $0x1;
	_ =	shalt  }
.Lfunc_end2:
_tile_overlayer_lowered:
.L_overlay_start_2:
0x192: {  	(tag) =	ssettag $0x2  }
0x193: {  	s0 =	rddreg [dreg:$0x0];
	s2 =	stileid.u32  }
0x194: {  	s1 =	rddreg [dreg:$0x1];
	p0 =	sne.s32 s2, $0x0  }
0x195: {  	s3 =	rddreg [dreg:$0x2];
	[bflag:$0x3] =	sbarrier.arrive $0xFFFF;
	s2 =	simm.s32 @!p0 $0x1C05  }
0x196: {  	[timem:s3], [sflag:s2] =	dma.local @!p0 [hbm:s0], s1  }
0x197: {  	s0 =	simm.s32 @!p0 $0x5  }
0x198: {  	_ =	swait.ge @!p0 [sflag:s0], s1  }
0x199: {  	s1 =	ssub.s32 @!p0 $0x0, s1;
	[sflag:s0] =	ssyncset.done @!p0 $0x0  }
0x19a: {  	[sflag:s0] =	ssyncadd.s32 @!p0 s1  }
0x19b: {  	[bflag:$0x3] =	sbarrier.arrive $0xFFFF  }
0x19c: {  	_ =	shalt  }

// kernel: kernel.13.cloned.1.call-start
scs
__scs_entry_jumppad:
0x0: {  	(pc) =	sbr.rel $0x88, $3  }
0x1: {  	(tag) =	ssettag $0x0;
	lr =	simm.s32 $0x1  }
0x2: {  	[smem:$0x3F83] =	sst lr;
	_ =	strace $0xD0000000  }
0x3: {  	_ = 	snop  }
0x4: {  	_ = 	snop  }
0x5: {  	_ = 	snop  }
0x6: {  	_ = 	snop  }
0x7: {  	_ = 	snop  }
__scs_overlays_trampoline_lowered:
0x8: {  	[smem:$0x3F92] =	sst s0  }
0x9: {  	[smem:$0x3F93] =	sst s1  }
0xa: {  	[smem:$0x3F94] =	sst s2  }
0xb: {  	[smem:$0x3F95] =	sst s3  }
0xc: {  	[smem:$0x3F96] =	sst s4  }
0xd: {  	[smem:$0x3F97] =	sst s5  }
0xe: {  	[smem:$0x3F98] =	sst s6  }
0xf: {  	[smem:$0x3F99] =	sst s7  }
0x10: {  	[smem:$0x3F9A] =	sst s8  }
0x11: {  	[smem:$0x3F9B] =	sst s9;
	s0 =	simm.s32 @!p0 $0x0  }
0x12: {  	s1 =	sld [smem:$0x3F81];
	s0 =	simm.s32 @p0 $0x1  }
0x13: {  	[smem:$0x3F9C] =	sst s0;
	s0 =	simm.s32 @!p1 $0x0  }
0x14: {  	s2 =	sld [smem:$0x3F80];
	s0 =	simm.s32 @p1 $0x1  }
0x15: {  	[smem:$0x3F9D] =	sst s0;
	s0 =	simm.s32 @!p2 $0x0  }
0x16: {  	s3 =	sld [smem:$0x3FDB];
	s0 =	simm.s32 @p2 $0x1  }
0x17: {  	s4 =	simm.s32 $0x1BF5;
	[smem:$0x3F9F] =	sst s0  }
0x18: {  	s0 =	sld [smem:$0x3F82];
	_ =	swait.ge [sflag:s4], $0x0  }
0x19: {  	s7 =	sld [smem:$0x3F83]  }
0x1a: {  	s8 =	sadd.s32 $0xFFFFE003, lr  }
0x1b: {  	s9 =	sadd.s32 $0xFFFFFEF7, lr;
	s5 =	simm.s32 $0xFFFFFFFF;
	p2 =	slt.u32 s8, $0xFFFFF086  }
0x1c: {  	p1 =	slt.u32 s9, $0xF7A;
	s5 =	simm.s32 @!p2 $0x0  }
0x1d: {  	s5 =	simm.s32 @p1 $0x1;
	p0 =	seq.s32 s7, s2  }
0x1e: {  	s7 =	smul.u32 @!p0 $0xF7A, s2;
	p2 =	seq.s32 @!p0 s5, $0x0  }
0x1f: {  	s9 =	smul.u32 $0xF7A, s1;
	s8 =	simm.s32 @!p0 $0x1BF5;
	p2 =	por !p2, p0  }
0x20: {  	[sflag:s8] =	ssyncset.s32 @!p0 $0xFFFFF086;
	s6 =	sadd.s32 @!p0 s3, s7;
	s7 =	simm.s32 @!p0 $0x108  }
0x21: {  	s3 =	sadd.s32 s3, s9;
	s6 =	sadd.s32 @!p0 $0x88, s6;
	s7 =	simm.s32 @p2 $0x1082  }
0x22: {  	[simem:s7], [sflag:s8] =	dma.local @!p0 [hbm:s6], $0xF7A  }
0x23: {  	s9 =	sor.u32 $0xD0000000, s2;
	s6 =	simm.s32 $0x108;
	_ =	swait.ge @!p0 [sflag:s8], $0x0  }
0x24: {  	s3 =	sadd.s32 $0x88, s3;
	s6 =	simm.s32 @!p1 $0x1082;
	[sflag:s4] =	ssyncset.s32 $0xFFFFF086  }
0x25: {  	[simem:s6], [sflag:s4] =	dma.local [hbm:s3], $0xF7A  }
0x26: {  	[smem:$0x3F83] =	sst s1;
	(tag) =	ssettag s2;
	_ =	strace s9  }
0x27: {  	s1 =	sld [smem:$0x3F93]  }
0x28: {  	s2 =	sld [smem:$0x3F94]  }
0x29: {  	s4 =	sld [smem:$0x3F96]  }
0x2a: {  	p0 =	seq.s32 s5, $0x0;
	s5 =	sld [smem:$0x3F97]  }
0x2b: {  	s6 =	sld [smem:$0x3F98]  }
0x2c: {  	s7 =	sld [smem:$0x3F99]  }
0x2d: {  	s3 =	simm.s32 $0x108;
	s8 =	sld [smem:$0x3F9A]  }
0x2e: {  	s3 =	simm.s32 @!p0 $0x1082;
	s9 =	sld [smem:$0x3F9B]  }
0x2f: {  	lr =	sadd.s32 s0, s3;
	s0 =	sld [smem:$0x3F92]  }
0x30: {  	s3 =	sld [smem:$0x3F95]  }
0x31: {  	[smem:$0x3F9E] =	sst s10  }
0x32: {  	s10 =	sld [smem:$0x3F9C];
	_ =	sdelay $0x3  }
0x33: {  	p0 =	seq.s32 s10, $0x1;
	s10 =	sld [smem:$0x3F9E];
	_ =	sdelay $0x3  }
0x34: {  	[smem:$0x3F9E] =	sst s10  }
0x35: {  	s10 =	sld [smem:$0x3F9D];
	_ =	sdelay $0x3  }
0x36: {  	p1 =	seq.s32 s10, $0x1;
	s10 =	sld [smem:$0x3F9E];
	_ =	sdelay $0x3  }
0x37: {  	[smem:$0x3F9E] =	sst s10  }
0x38: {  	s10 =	sld [smem:$0x3F9F]  }
0x39: {  	_ = 	snop;
	(pc) =	sbr.ind lr, $3  }
0x3a: {  	_ = 	snop  }
0x3b: {  	_ = 	snop  }
0x3c: {  	p2 =	seq.s32 s10, $0x1;
	s10 =	sld [smem:$0x3F9E]  }
0x3d: {  	_ =	shalt  }
0x3e: {  	_ =	shalt  }
0x3f: {  	_ =	shalt  }
0x40: {  	_ =	shalt  }
0x41: {  	_ =	shalt  }
0x42: {  	_ =	shalt  }
0x43: {  	_ =	shalt  }
0x44: {  	_ =	shalt  }
0x45: {  	_ =	shalt  }
0x46: {  	_ =	shalt  }
0x47: {  	_ =	shalt  }
0x48: {  	_ =	shalt  }
0x49: {  	_ =	shalt  }
0x4a: {  	_ =	shalt  }
0x4b: {  	_ =	shalt  }
0x4c: {  	_ =	shalt  }
0x4d: {  	_ =	shalt  }
0x4e: {  	_ =	shalt  }
0x4f: {  	_ =	shalt  }
0x50: {  	_ =	shalt  }
0x51: {  	_ =	shalt  }
0x52: {  	_ =	shalt  }
0x53: {  	_ =	shalt  }
0x54: {  	_ =	shalt  }
0x55: {  	_ =	shalt  }
0x56: {  	_ =	shalt  }
0x57: {  	_ =	shalt  }
0x58: {  	_ =	shalt  }
0x59: {  	_ =	shalt  }
0x5a: {  	_ =	shalt  }
0x5b: {  	_ =	shalt  }
0x5c: {  	_ =	shalt  }
0x5d: {  	_ =	shalt  }
0x5e: {  	_ =	shalt  }
0x5f: {  	_ =	shalt  }
0x60: {  	_ =	shalt  }
0x61: {  	_ =	shalt  }
0x62: {  	_ =	shalt  }
0x63: {  	_ =	shalt  }
0x64: {  	_ =	shalt  }
0x65: {  	_ =	shalt  }
0x66: {  	_ =	shalt  }
0x67: {  	_ =	shalt  }
0x68: {  	_ =	shalt  }
0x69: {  	_ =	shalt  }
0x6a: {  	_ =	shalt  }
0x6b: {  	_ =	shalt  }
0x6c: {  	_ =	shalt  }
0x6d: {  	_ =	shalt  }
0x6e: {  	_ =	shalt  }
0x6f: {  	_ =	shalt  }
0x70: {  	_ =	shalt  }
0x71: {  	_ =	shalt  }
0x72: {  	_ =	shalt  }
0x73: {  	_ =	shalt  }
0x74: {  	_ =	shalt  }
0x75: {  	_ =	shalt  }
0x76: {  	_ =	shalt  }
0x77: {  	_ =	shalt  }
0x78: {  	_ =	shalt  }
0x79: {  	_ =	shalt  }
0x7a: {  	_ =	shalt  }
0x7b: {  	_ =	shalt  }
0x7c: {  	_ =	shalt  }
0x7d: {  	_ =	shalt  }
0x7e: {  	_ =	shalt  }
0x7f: {  	_ =	shalt  }
0x80: {  	_ =	shalt  }
0x81: {  	_ =	shalt  }
0x82: {  	_ =	shalt  }
0x83: {  	_ =	shalt  }
0x84: {  	_ =	shalt  }
0x85: {  	_ =	shalt  }
0x86: {  	_ =	shalt  }
0x87: {  	_ =	shalt  }
.Lfunc_end0:
.L_simem_size_0:
called_computation.1_lowered:
.L_overlay_start_0:
0x88: {  	s2 =	sld [smem:$0x3FD9]  }
0x89: {  	s3 =	sld [smem:$0x3FFE];
	_ =	sdelay $0x1  }
0x8a: {  	s1 =	srdreg.scid  }
0x8b: {  	s0 =	sand.u32 $0x1, s1  }
0x8c: {  	s16 =	sshll.u32 s0, $0xA;
	s2 =	sadd.s32 s3, s2  }
0x8d: {  	s2 =	sadd.s32 s2, s16  }
0x8e: {  	[smem:$0x3FAA] =	sst s2  }
0x8f: {  	_ = 	snop  }
0x90: {  	(tm) =	ssettm $0x1  }
0x91: {  	s17 =	sld [smem:$0x3FFB];
	_ =	sdelay $0x3  }
0x92: {  	_ =	strace s17  }
0x93: {  	s2 =	sld [smem:$0x3FFC];
	_ =	sdelay $0x3  }
0x94: {  	_ =	strace s2  }
0x95: {  	s2 =	sld [smem:$0x3FFD];
	_ =	sdelay $0x3  }
0x96: {  	_ =	strace s2  }
0x97: {  	_ =	strace $0x8FFFFFFF  }
0x98: {  	s18 =	sld [smem:$0x3FDB];
	_ =	sdelay $0x1  }
0x99: {  	s19 =	simm.s32 $_scs_section_size  }
0x9a: {  	s4 =	simm.s32 $_size__tile_overlayer_lowered;
	s5 =	simm.s32 $_tile_overlayer_lowered  }
0x9b: {  	s22 =	simm.s32 $0x1BFF;
	s21 =	sshll.u32 s5, $0x1;
	s2 =	sadd.s32 s19, s18  }
0x9c: {  	s6 =	simm.s32 $0x0;
	s20 =	sshll.u32 s4, $0x1;
	s4 =	sadd.s32 s21, s2  }
0x9d: {  	[timem:s6], [sflag:s22] =	dma.local [hbm:s4], s20  }
0x9e: {  	_ =	swait.ge [sflag:s22], s20  }
0x9f: {  	s3 =	ssub.s32 $0x0, s20;
	[sflag:s22] =	ssyncset.done $0x0  }
0xa0: {  	[sflag:s22] =	ssyncadd.s32 s3;
	_ =	sdelay $0x1  }
0xa1: {  	s23 =	simm.s32 $0x1B8B  }
0xa2: {  	_ =	swait.ge [sflag:s23], $0x1  }
0xa3: {  	[sflag:s23] =	ssyncset.done $0x0  }
0xa4: {  	s25 =	simm.s32 $0x1B8E;
	s24 =	sld [smem:$0x3FFE];
	[sflag:s23] =	ssyncadd.s32 $0xFFFFFFFF  }
0xa5: {  	s26 =	simm.s32 $execute0_lowered;
	[smem:$0x3FD2] =	sst s25  }
0xa6: {  	s4 =	sshll.u32 s26, $0x1;
	_ =	strace $0x80000049;
	[dreg:$0x1] =	wrdreg $0xFFFFFFFF  }
0xa7: {  	s28 =	simm.s32 $_size_execute0_lowered;
	s2 =	sadd.s32 s2, s4;
	[dreg:$0x0] =	wrdreg $0x0  }
0xa8: {  	s4 =	sshll.u32 s28, $0x1;
	[dreg:$0x2] =	wrdreg s2  }
0xa9: {  	[dreg:$0x3] =	wrdreg s4  }
0xaa: {  	[dreg:$0x4] =	wrdreg $0xC0  }
0xab: {  	_ =	task [dreg:s6], $0x5FFFF  }
0xac: {  	[dreg:$0x1] =	wrdreg $0xFFFFFFFF  }
0xad: {  	[dreg:$0x0] =	wrdreg $0x60  }
0xae: {  	[dreg:$0x2] =	wrdreg s24  }
0xaf: {  	[dreg:$0x3] =	wrdreg $0x90000  }
0xb0: {  	[dreg:$0x4] =	wrdreg $0x9  }
0xb1: {  	_ =	task.clear_ibuf [dreg:s6], $0x5FFFF;
	_ =	strace $0x90000049  }
0xb2: {  	s29 =	simm.s32 $0x9;
	_ =	strace $0x8000004B  }
0xb3: {  	_ =	swait.ge [sflag:s29], $0x1  }
0xb4: {  	[sflag:s29] =	ssyncadd.s32 $0xFFFFFFFF  }
0xb5: {  	_ =	strace $0x9000004B  }
0xb6: {  	_ =	sfence  }
0xb7: {  	s30 =	sld [smem:$0x0];
	_ =	sdelay $0x2  }
0xb8: {  	s31 =	sshll.u32 s1, $0xD;
	s1 =	sshrl.u32 s1, $0x2  }
0xb9: {  	s3 =	sand.u32 $0x4000, s31;
	s1 =	sadd.s32 s1, s30  }
0xba: {  	s0 =	sor.u32 s3, s0;
	s1 =	sshll.u32 s1, $0x11  }
0xbb: {  	s0 =	sor.u32 s1, s0  }
0xbc: {  	s0 =	sadd.s32 $0x8F2B, s0  }
0xbd: {  	[sflag:s0] =	ssyncadd.remote.s32 $0x1  }
0xbe: {  	_ =	sfence.sel $0xFFFF  }
0xbf: {  	[dreg:$0x0] =	wrdreg $0xFFFFFFFF;
	(pc) =	sbr.abs _section_cstart, $3  }
0xc0: {  	[dreg:$0x1] =	wrdreg $0xFFFFFFFF  }
0xc1: {  	_ =	task.clear_ibuf [dreg:s6], $0x2FFFF;
	_ =	strace $0x9FFFFFFF  }
0xc2: {  	(tm) =	ssettm $0x7FFFFFFF  }
0xc3: {  	_ =	shalt  }
tec
execute0_lowered:
.L_overlay_start_1:
0x0: {  	(tag) =	ssettag $0x1  }
0x1: {  	s0 =	rddreg [dreg:$0x0];
	s1 =	srdreg.scid  }
0x2: {  	s8 =	stileid.u32;
	s2 =	rddreg [dreg:$0x1]  }
0x3: {  	s3 =	simm.s32 $0x0;
	s9 =	simm.s32 $0x12;
	s17 =	simm.s32 $0x80  }
0x4: {  	s18 =	simm.s32 $0x100;
	s20 =	simm.s32 $0x180;
	[smem:$0x7FF] =	sst s3  }
0x5: {  	s21 =	simm.s32 $0x200;
	_ =	strace $0x8000004A;
	[dreg:$0x3] =	wrdreg s17  }
0x6: {  	s22 =	simm.s32 $0x880;
	s23 =	simm.s32 $0x280;
	[dreg:$0x4] =	wrdreg s18  }
0x7: {  	s25 =	simm.s32 $0x900;
	s10 =	simm.s32 $0x380;
	[dreg:$0x5] =	wrdreg s20  }
0x8: {  	s12 =	simm.s32 $0xA00;
	s14 =	simm.s32 $0x400;
	[dreg:$0x6] =	wrdreg s21  }
0x9: {  	s28 =	simm.s32 $0x1;
	s4 =	smul.u32 $0x120, s8;
	[dreg:$0x7] =	wrdreg s22  }
0xa: {  	s6 =	sshll.u32 s8, $0x5;
	s7 =	smul.u32 $0x13C00, s8;
	[dreg:$0x8] =	wrdreg s23  }
0xb: {  	s16 =	smul.u32 $0x4F000, s8;
	s8 =	simm.s32 $0x980;
	[dreg:$0x9] =	wrdreg s25  }
0xc: {  	s29 =	simm.s32 $0x2;
	s1 =	sand.u32 $0x1, s1;
	[dreg:$0xb] =	wrdreg s8  }
0xd: {  	s30 =	simm.s32 $0x3;
	s5 =	smul.u32 $0x13C000, s1;
	[dreg:$0xc] =	wrdreg s10  }
0xe: {  	p0 =	seq.s32 s1, $0x0;
	s6 =	sor.u32 $0x1200, s6;
	[dreg:$0xd] =	wrdreg s12  }
0xf: {  	s1 =	ssub.s32 $0x2, s1;
	[dreg:$0xe] =	wrdreg s14;
	s18 =	simm.s32 $0x480  }
0x10: {  	s21 =	simm.s32 $0xB00;
	s23 =	simm.s32 $0x500;
	[dreg:$0x10] =	wrdreg s18  }
0x11: {  	s25 =	simm.s32 $0x580;
	s6 =	smov.u32 @p0 s4;
	[dreg:$0x11] =	wrdreg s21  }
0x12: {  	s4 =	sadd.s32 $0x2CC00, s0;
	s15 =	sshrl.u32 s1, $0x1;
	[dreg:$0x12] =	wrdreg s23  }
0x13: {  	s9 =	simm.s32 @!p0 $0x2;
	[dreg:$0x14] =	wrdreg s25;
	s5 =	sadd.s32 s7, s5  }
0x14: {  	s6 =	sshll.u32 s6, $0x4;
	s1 =	ssub.s32 s1, s15;
	[dreg:$0x16] =	wrdreg s9  }
0x15: {  	s5 =	sshrl.u32 s5, $0x3;
	s7 =	sadd.s32 s6, s0;
	s1 =	smax.u32 s1, $0x1  }
0x16: {  	s6 =	sshrl.u32 s16, $0x2;
	s16 =	simm.s32 $0xA80;
	[dreg:$0x1a] =	wrdreg s1  }
0x17: {  	s0 =	sadd.s32 s5, s0;
	s5 =	simm.s32 $0x300;
	[dreg:$0xf] =	wrdreg s16  }
0x18: {  	s31 =	simm.s32 $0x4;
	s20 =	sadd.s32 $0x18C00, s7;
	[dreg:$0xa] =	wrdreg s5  }
0x19: {  	s8 =	simm.s32 $0xD00;
	s22 =	sadd.s32 $0x4C00, s7;
	[smem:$0x7FC] =	sst s20  }
0x1a: {  	s10 =	simm.s32 $0xD80;
	s19 =	sadd.s32 s6, s2;
	[smem:$0x7FD] =	sst s22  }
0x1b: {  	s12 =	simm.s32 $0xE00;
	s6 =	sadd.s32 $0x12000, s19;
	[dreg:$0x17] =	wrdreg s19  }
0x1c: {  	s14 =	simm.s32 $0xF00;
	s0 =	sadd.s32 $0x165400, s0;
	[dreg:$0x18] =	wrdreg s6  }
0x1d: {  	s21 =	simm.s32 $0x5;
	s24 =	sadd.s32 $0x2000, s19;
	[dreg:$0x19] =	wrdreg s0  }
0x1e: {  	s23 =	simm.s32 $0x40;
	s26 =	sadd.s32 $0x4000, s19;
	[dreg:$0x1b] =	wrdreg s24  }
0x1f: {  	s25 =	simm.s32 $0x5000;
	s9 =	sadd.s32 $0x8000, s19;
	[dreg:$0x1c] =	wrdreg s26  }
0x20: {  	s1 =	simm.s32 $0x600;
	s11 =	sadd.s32 $0xA000, s19;
	[dreg:$0x1e] =	wrdreg s9  }
0x21: {  	s7 =	simm.s32 $0x680;
	s13 =	sadd.s32 $0xC000, s19;
	[dreg:$0x1f] =	wrdreg s11  }
0x22: {  	s16 =	simm.s32 $0x0;
	s15 =	sadd.s32 $0xE000, s19;
	[smem:$0x7F9] =	sst s13  }
0x23: {  	s17 =	sadd.s32 $0x10000, s19;
	s20 =	simm.s32 $0x1000;
	[smem:$0x7FA] =	sst s15  }
0x24: {  	s22 =	simm.s32 $0x800;
	s6 =	sadd.s32 $0x6000, s19;
	[smem:$0x7FB] =	sst s17  }
0x25: {  	s24 =	simm.s32 $0xB80;
	s26 =	simm.s32 $0xC00;
	s0 =	simm.s32 $0xC80  }
0x26: {  	s9 =	simm.s32 $0x700;
	s11 =	simm.s32 $0x780;
	[dreg:$0x1d] =	wrdreg s6  }
0x27: {  	s13 =	simm.s32 $0xE80;
	s15 =	simm.s32 $0xF80;
	[dreg:$0x13] =	wrdreg s24  }
0x28: {  	v0 =	vimm.f32 $0.0e+00;
	s24 =	simm.s32 $0x3000;
	[dreg:$0x15] =	wrdreg s26;
	s26 =	simm.s32 $0x7000  }
.LBB2_1:
0x29: {  	s17 =	simm.s32 $0x0;
	s18 =	simm.s32 $0x200  }
.LBB2_2:
0x2a: {  	p0 =	sne.s32 s18, $0x7E00;
	[tilespmem:s17+$0x1070] =	vst v0  }
0x2b: {  	[tilespmem:s17+$0x1000] =	vst v0  }
0x2c: {  	[tilespmem:s17+$0x1010] =	vst v0  }
.Ltmp0:
0x2d: {  	[tilespmem:s17+$0x1020] =	vst v0;
	(pc) =	sbr.rel @p0 .LBB2_2-.Ltmp0, $4  }
0x2e: {  	[tilespmem:s17+$0x1030] =	vst v0  }
0x2f: {  	[tilespmem:s17+$0x1040] =	vst v0  }
0x30: {  	[tilespmem:s17+$0x1050] =	vst v0  }
0x31: {  	[tilespmem:s17+$0x1060] =	vst v0;
	s17 =	sshra.s32 s18, $0x2;
	s18 =	sadd.s32 $0x200, s18  }
0x32: {  	[tilespmem:s17+$0x1070] =	vst v0  }
0x33: {  	[tilespmem:s17+$0x1000] =	vst v0  }
0x34: {  	[tilespmem:s17+$0x1010] =	vst v0  }
0x35: {  	[tilespmem:s17+$0x1020] =	vst v0  }
0x36: {  	[tilespmem:s17+$0x1030] =	vst v0  }
0x37: {  	[tilespmem:s17+$0x1040] =	vst v0  }
0x38: {  	[tilespmem:s17+$0x1050] =	vst v0  }
0x39: {  	[tilespmem:s17+$0x1060] =	vst v0  }
0x3a: {  	[spmem:s19] =	stream.linear.scatter [tilespmem:s20], [sflag:$0x5], $0x2000, $0x38;
	[tilespmem:$0x1CC00] =	vst v63  }
0x3b: {  	_ =	swait.ge [sflag:s21], $0x2000  }
0x3c: {  	[sflag:s21] =	ssyncset.done $0x0  }
0x3d: {  	s5 =	rddreg [dreg:$0x1b];
	[sflag:s21] =	ssyncadd.s32 $0xFFFFE000  }
0x3e: {  	[spmem:s5] =	stream.linear.scatter [tilespmem:s20], [sflag:$0x5], $0x2000, $0x38;
	[tilespmem:$0x1CC00] =	vst v63  }
0x3f: {  	_ =	swait.ge [sflag:s21], $0x2000  }
0x40: {  	[sflag:s21] =	ssyncset.done $0x0  }
0x41: {  	s6 =	rddreg [dreg:$0x1c];
	[sflag:s21] =	ssyncadd.s32 $0xFFFFE000  }
0x42: {  	[spmem:s6] =	stream.linear.scatter [tilespmem:s20], [sflag:$0x5], $0x2000, $0x38;
	[tilespmem:$0x1CC00] =	vst v63  }
0x43: {  	_ =	swait.ge [sflag:s21], $0x2000  }
0x44: {  	[sflag:s21] =	ssyncset.done $0x0  }
0x45: {  	s17 =	rddreg [dreg:$0x1d];
	[sflag:s21] =	ssyncadd.s32 $0xFFFFE000  }
0x46: {  	[spmem:s17] =	stream.linear.scatter [tilespmem:s20], [sflag:$0x5], $0x2000, $0x38;
	[tilespmem:$0x1CC00] =	vst v63  }
0x47: {  	_ =	swait.ge [sflag:s21], $0x2000  }
0x48: {  	[sflag:s21] =	ssyncset.done $0x0  }
0x49: {  	s18 =	rddreg [dreg:$0x1e];
	[sflag:s21] =	ssyncadd.s32 $0xFFFFE000  }
0x4a: {  	[spmem:s18] =	stream.linear.scatter [tilespmem:s20], [sflag:$0x5], $0x2000, $0x38;
	[tilespmem:$0x1CC00] =	vst v63  }
0x4b: {  	_ =	swait.ge [sflag:s21], $0x2000  }
0x4c: {  	[sflag:s21] =	ssyncset.done $0x0  }
0x4d: {  	s19 =	rddreg [dreg:$0x1f];
	[sflag:s21] =	ssyncadd.s32 $0xFFFFE000  }
0x4e: {  	[spmem:s19] =	stream.linear.scatter [tilespmem:s20], [sflag:$0x5], $0x2000, $0x38;
	[tilespmem:$0x1CC00] =	vst v63  }
0x4f: {  	_ =	swait.ge [sflag:s21], $0x2000  }
0x50: {  	s6 =	sld [smem:$0x7F9]  }
0x51: {  	[sflag:s21] =	ssyncset.done $0x0  }
0x52: {  	[sflag:s21] =	ssyncadd.s32 $0xFFFFE000  }
0x53: {  	[spmem:s6] =	stream.linear.scatter [tilespmem:s20], [sflag:$0x5], $0x2000, $0x38;
	[tilespmem:$0x1CC00] =	vst v63  }
0x54: {  	_ =	swait.ge [sflag:s21], $0x2000  }
0x55: {  	s17 =	sld [smem:$0x7FA]  }
0x56: {  	[sflag:s21] =	ssyncset.done $0x0  }
0x57: {  	[sflag:s21] =	ssyncadd.s32 $0xFFFFE000  }
0x58: {  	[spmem:s17] =	stream.linear.scatter [tilespmem:s20], [sflag:$0x5], $0x2000, $0x38;
	[tilespmem:$0x1CC00] =	vst v63  }
0x59: {  	_ =	swait.ge [sflag:s21], $0x2000  }
0x5a: {  	s18 =	sld [smem:$0x7FB]  }
0x5b: {  	[sflag:s21] =	ssyncset.done $0x0  }
0x5c: {  	[sflag:s21] =	ssyncadd.s32 $0xFFFFE000  }
0x5d: {  	[spmem:s18] =	stream.linear.scatter [tilespmem:s20], [sflag:$0x5], $0x2000, $0x38;
	[tilespmem:$0x1CC00] =	vst v63  }
0x5e: {  	_ =	swait.ge [sflag:s21], $0x2000  }
0x5f: {  	[sflag:s21] =	ssyncset.done $0x0  }
0x60: {  	s19 =	rddreg [dreg:$0x18];
	[sflag:s21] =	ssyncadd.s32 $0xFFFFE000  }
0x61: {  	[spmem:s19] =	stream.linear.scatter [tilespmem:s20], [sflag:$0x5], $0x1C00, $0x38;
	[tilespmem:$0x1CC00] =	vst v63  }
0x62: {  	_ =	swait.ge [sflag:s21], $0x1C00  }
0x63: {  	[sflag:s21] =	ssyncset.done $0x0  }
0x64: {  	[sflag:s21] =	ssyncadd.s32 $0xFFFFE400  }
0x65: {  	[bflag:$0x0] =	sbarrier.arrive $0xFFFF  }
0x66: {  	s19 =	sld [smem:$0x7FD];
	_ =	sdelay $0x2  }
0x67: {  	[tilespmem:s3], [sflag:$0x5] =	stream.linear.gather [hbm4b:s19+s3], $0x800, $0x38;
	[tilespmem:$0x1CC00] =	vst v63  }
0x68: {  	_ =	swait.ge [sflag:s21], $0x800  }
0x69: {  	s6 =	sld [smem:$0x7FC]  }
0x6a: {  	[sflag:s21] =	ssyncset.done $0x0  }
0x6b: {  	[sflag:s21] =	ssyncadd.s32 $0xFFFFF800  }
0x6c: {  	[tilespmem:s22], [sflag:$0x5] =	stream.linear.gather [hbm4b:s6+s3], $0x800, $0x38;
	[tilespmem:$0x1CC00] =	vst v63  }
0x6d: {  	_ =	swait.ge [sflag:s21], $0x800  }
0x6e: {  	[sflag:s21] =	ssyncset.done $0x0  }
0x6f: {  	[sflag:s21] =	ssyncadd.s32 $0xFFFFF800  }
0x70: {  	[tilespmem:s20], [sflag:$0x1] =	stream.indirect.gather [hbm4b:s4+s23], $0x80, s3, s23, $0xb8;
	[tilespmem:$0x1CC00] =	vst v63  }
0x71: {  	s5 =	rddreg [dreg:$0x3]  }
0x72: {  	[tilespmem:s24], [sflag:$0x2] =	stream.indirect.gather [hbm4b:s4+s23], $0x80, s5, s23, $0xb8;
	[tilespmem:$0x1CC00] =	vst v63  }
0x73: {  	s18 =	rddreg [dreg:$0x4]  }
0x74: {  	[tilespmem:s25], [sflag:$0x3] =	stream.indirect.gather [hbm4b:s4+s23], $0x80, s18, s23, $0xb8;
	[tilespmem:$0x1CC00] =	vst v63  }
0x75: {  	s5 =	rddreg [dreg:$0x5]  }
0x76: {  	[tilespmem:s26], [sflag:$0x4] =	stream.indirect.gather [hbm4b:s4+s23], $0x80, s5, s23, $0xb8;
	[tilespmem:$0x1CC00] =	vst v63  }
0x77: {  	_ =	swait.ge [sflag:s28], $0x2000  }
0x78: {  	[sflag:s28] =	ssyncset.done $0x0  }
0x79: {  	[sflag:s28] =	ssyncadd.s32 $0xFFFFE000  }
0x7a: {  	[spmem:s2] =	stream.indirect.scatter.add.f32 [tilespmem:s20], [sflag:$0x5], $0x80, s22, s23, $0xb8;
	[tilespmem:$0x1CC00] =	vst v63  }
0x7b: {  	_ =	swait.ge [sflag:s21], $0x2000  }
0x7c: {  	[sflag:s21] =	ssyncset.done $0x0  }
0x7d: {  	s18 =	rddreg [dreg:$0x6];
	[sflag:s21] =	ssyncadd.s32 $0xFFFFE000  }
0x7e: {  	[tilespmem:s20], [sflag:$0x1] =	stream.indirect.gather [hbm4b:s4+s23], $0x80, s18, s23, $0xb8;
	[tilespmem:$0x1CC00] =	vst v63  }
0x7f: {  	_ =	swait.ge [sflag:s29], $0x2000  }
0x80: {  	[sflag:s29] =	ssyncset.done $0x0  }
0x81: {  	s5 =	rddreg [dreg:$0x7];
	[sflag:s29] =	ssyncadd.s32 $0xFFFFE000  }
0x82: {  	[spmem:s2] =	stream.indirect.scatter.add.f32 [tilespmem:s24], [sflag:$0x5], $0x80, s5, s23, $0xb8;
	[tilespmem:$0x1CC00] =	vst v63  }
0x83: {  	_ =	swait.ge [sflag:s21], $0x2000  }
0x84: {  	[sflag:s21] =	ssyncset.done $0x0  }
0x85: {  	s18 =	rddreg [dreg:$0x8];
	[sflag:s21] =	ssyncadd.s32 $0xFFFFE000  }
0x86: {  	[tilespmem:s24], [sflag:$0x2] =	stream.indirect.gather [hbm4b:s4+s23], $0x80, s18, s23, $0xb8;
	[tilespmem:$0x1CC00] =	vst v63  }
0x87: {  	_ =	swait.ge [sflag:s30], $0x2000  }
0x88: {  	[sflag:s30] =	ssyncset.done $0x0  }
0x89: {  	s5 =	rddreg [dreg:$0x9];
	[sflag:s30] =	ssyncadd.s32 $0xFFFFE000  }
0x8a: {  	[spmem:s2] =	stream.indirect.scatter.add.f32 [tilespmem:s25], [sflag:$0x5], $0x80, s5, s23, $0xb8;
	[tilespmem:$0x1CC00] =	vst v63  }
0x8b: {  	_ =	swait.ge [sflag:s21], $0x2000  }
0x8c: {  	[sflag:s21] =	ssyncset.done $0x0  }
0x8d: {  	s18 =	rddreg [dreg:$0xa];
	[sflag:s21] =	ssyncadd.s32 $0xFFFFE000  }
0x8e: {  	[tilespmem:s25], [sflag:$0x3] =	stream.indirect.gather [hbm4b:s4+s23], $0x80, s18, s23, $0xb8;
	[tilespmem:$0x1CC00] =	vst v63  }
0x8f: {  	_ =	swait.ge [sflag:s31], $0x2000  }
0x90: {  	[sflag:s31] =	ssyncset.done $0x0  }
0x91: {  	s5 =	rddreg [dreg:$0xb];
	[sflag:s31] =	ssyncadd.s32 $0xFFFFE000  }
0x92: {  	[spmem:s2] =	stream.indirect.scatter.add.f32 [tilespmem:s26], [sflag:$0x5], $0x80, s5, s23, $0xb8;
	[tilespmem:$0x1CC00] =	vst v63  }
0x93: {  	_ =	swait.ge [sflag:s21], $0x2000  }
0x94: {  	[sflag:s21] =	ssyncset.done $0x0  }
0x95: {  	s18 =	rddreg [dreg:$0xc];
	[sflag:s21] =	ssyncadd.s32 $0xFFFFE000  }
0x96: {  	[tilespmem:s26], [sflag:$0x4] =	stream.indirect.gather [hbm4b:s4+s23], $0x80, s18, s23, $0xb8;
	[tilespmem:$0x1CC00] =	vst v63  }
0x97: {  	_ =	swait.ge [sflag:s28], $0x2000  }
0x98: {  	[sflag:s28] =	ssyncset.done $0x0  }
0x99: {  	s5 =	rddreg [dreg:$0xd];
	[sflag:s28] =	ssyncadd.s32 $0xFFFFE000  }
0x9a: {  	[spmem:s2] =	stream.indirect.scatter.add.f32 [tilespmem:s20], [sflag:$0x5], $0x80, s5, s23, $0xb8;
	[tilespmem:$0x1CC00] =	vst v63  }
0x9b: {  	_ =	swait.ge [sflag:s21], $0x2000  }
0x9c: {  	[sflag:s21] =	ssyncset.done $0x0  }
0x9d: {  	s18 =	rddreg [dreg:$0xe];
	[sflag:s21] =	ssyncadd.s32 $0xFFFFE000  }
0x9e: {  	[tilespmem:s20], [sflag:$0x1] =	stream.indirect.gather [hbm4b:s4+s23], $0x80, s18, s23, $0xb8;
	[tilespmem:$0x1CC00] =	vst v63  }
0x9f: {  	_ =	swait.ge [sflag:s29], $0x2000  }
0xa0: {  	[sflag:s29] =	ssyncset.done $0x0  }
0xa1: {  	s5 =	rddreg [dreg:$0xf];
	[sflag:s29] =	ssyncadd.s32 $0xFFFFE000  }
0xa2: {  	[spmem:s2] =	stream.indirect.scatter.add.f32 [tilespmem:s24], [sflag:$0x5], $0x80, s5, s23, $0xb8;
	[tilespmem:$0x1CC00] =	vst v63  }
0xa3: {  	_ =	swait.ge [sflag:s21], $0x2000  }
0xa4: {  	[sflag:s21] =	ssyncset.done $0x0  }
0xa5: {  	s18 =	rddreg [dreg:$0x10];
	[sflag:s21] =	ssyncadd.s32 $0xFFFFE000  }
0xa6: {  	[tilespmem:s24], [sflag:$0x2] =	stream.indirect.gather [hbm4b:s4+s23], $0x80, s18, s23, $0xb8;
	[tilespmem:$0x1CC00] =	vst v63  }
0xa7: {  	_ =	swait.ge [sflag:s30], $0x2000  }
0xa8: {  	[sflag:s30] =	ssyncset.done $0x0  }
0xa9: {  	s5 =	rddreg [dreg:$0x11];
	[sflag:s30] =	ssyncadd.s32 $0xFFFFE000  }
0xaa: {  	[spmem:s2] =	stream.indirect.scatter.add.f32 [tilespmem:s25], [sflag:$0x5], $0x80, s5, s23, $0xb8;
	[tilespmem:$0x1CC00] =	vst v63  }
0xab: {  	_ =	swait.ge [sflag:s21], $0x2000  }
0xac: {  	[sflag:s21] =	ssyncset.done $0x0  }
0xad: {  	s18 =	rddreg [dreg:$0x12];
	[sflag:s21] =	ssyncadd.s32 $0xFFFFE000  }
0xae: {  	[tilespmem:s25], [sflag:$0x3] =	stream.indirect.gather [hbm4b:s4+s23], $0x80, s18, s23, $0xb8;
	[tilespmem:$0x1CC00] =	vst v63  }
0xaf: {  	_ =	swait.ge [sflag:s31], $0x2000  }
0xb0: {  	[sflag:s31] =	ssyncset.done $0x0  }
0xb1: {  	s5 =	rddreg [dreg:$0x13];
	[sflag:s31] =	ssyncadd.s32 $0xFFFFE000  }
0xb2: {  	[spmem:s2] =	stream.indirect.scatter.add.f32 [tilespmem:s26], [sflag:$0x5], $0x80, s5, s23, $0xb8;
	[tilespmem:$0x1CC00] =	vst v63  }
0xb3: {  	_ =	swait.ge [sflag:s21], $0x2000  }
0xb4: {  	[sflag:s21] =	ssyncset.done $0x0  }
0xb5: {  	s18 =	rddreg [dreg:$0x14];
	[sflag:s21] =	ssyncadd.s32 $0xFFFFE000  }
0xb6: {  	[tilespmem:s26], [sflag:$0x4] =	stream.indirect.gather [hbm4b:s4+s23], $0x80, s18, s23, $0xb8;
	[tilespmem:$0x1CC00] =	vst v63  }
0xb7: {  	_ =	swait.ge [sflag:s28], $0x2000  }
0xb8: {  	[sflag:s28] =	ssyncset.done $0x0  }
0xb9: {  	s5 =	rddreg [dreg:$0x15];
	[sflag:s28] =	ssyncadd.s32 $0xFFFFE000  }
0xba: {  	[spmem:s2] =	stream.indirect.scatter.add.f32 [tilespmem:s20], [sflag:$0x5], $0x80, s5, s23, $0xb8;
	[tilespmem:$0x1CC00] =	vst v63  }
0xbb: {  	_ =	swait.ge [sflag:s21], $0x2000  }
0xbc: {  	[sflag:s21] =	ssyncset.done $0x0  }
0xbd: {  	[sflag:s21] =	ssyncadd.s32 $0xFFFFE000  }
0xbe: {  	[tilespmem:s20], [sflag:$0x1] =	stream.indirect.gather [hbm4b:s4+s23], $0x80, s1, s23, $0xb8;
	[tilespmem:$0x1CC00] =	vst v63  }
0xbf: {  	_ =	swait.ge [sflag:s29], $0x2000  }
0xc0: {  	[sflag:s29] =	ssyncset.done $0x0  }
0xc1: {  	[sflag:s29] =	ssyncadd.s32 $0xFFFFE000  }
0xc2: {  	[spmem:s2] =	stream.indirect.scatter.add.f32 [tilespmem:s24], [sflag:$0x5], $0x80, s0, s23, $0xb8;
	[tilespmem:$0x1CC00] =	vst v63  }
0xc3: {  	_ =	swait.ge [sflag:s21], $0x2000  }
0xc4: {  	[sflag:s21] =	ssyncset.done $0x0  }
0xc5: {  	[sflag:s21] =	ssyncadd.s32 $0xFFFFE000  }
0xc6: {  	[tilespmem:s24], [sflag:$0x2] =	stream.indirect.gather [hbm4b:s4+s23], $0x80, s7, s23, $0xb8;
	[tilespmem:$0x1CC00] =	vst v63  }
0xc7: {  	_ =	swait.ge [sflag:s30], $0x2000  }
0xc8: {  	[sflag:s30] =	ssyncset.done $0x0  }
0xc9: {  	[sflag:s30] =	ssyncadd.s32 $0xFFFFE000  }
0xca: {  	[spmem:s2] =	stream.indirect.scatter.add.f32 [tilespmem:s25], [sflag:$0x5], $0x80, s8, s23, $0xb8;
	[tilespmem:$0x1CC00] =	vst v63  }
0xcb: {  	_ =	swait.ge [sflag:s21], $0x2000  }
0xcc: {  	[sflag:s21] =	ssyncset.done $0x0  }
0xcd: {  	[sflag:s21] =	ssyncadd.s32 $0xFFFFE000  }
0xce: {  	[tilespmem:s25], [sflag:$0x3] =	stream.indirect.gather [hbm4b:s4+s23], $0x80, s9, s23, $0xb8;
	[tilespmem:$0x1CC00] =	vst v63  }
0xcf: {  	_ =	swait.ge [sflag:s31], $0x2000  }
0xd0: {  	[sflag:s31] =	ssyncset.done $0x0  }
0xd1: {  	[sflag:s31] =	ssyncadd.s32 $0xFFFFE000  }
0xd2: {  	[spmem:s2] =	stream.indirect.scatter.add.f32 [tilespmem:s26], [sflag:$0x5], $0x80, s10, s23, $0xb8;
	[tilespmem:$0x1CC00] =	vst v63  }
0xd3: {  	_ =	swait.ge [sflag:s21], $0x2000  }
0xd4: {  	[sflag:s21] =	ssyncset.done $0x0  }
0xd5: {  	[sflag:s21] =	ssyncadd.s32 $0xFFFFE000  }
0xd6: {  	[tilespmem:s26], [sflag:$0x4] =	stream.indirect.gather [hbm4b:s4+s23], $0x80, s11, s23, $0xb8;
	[tilespmem:$0x1CC00] =	vst v63  }
0xd7: {  	_ =	swait.ge [sflag:s28], $0x2000  }
0xd8: {  	[sflag:s28] =	ssyncset.done $0x0  }
0xd9: {  	[sflag:s28] =	ssyncadd.s32 $0xFFFFE000  }
0xda: {  	[spmem:s2] =	stream.indirect.scatter.add.f32 [tilespmem:s20], [sflag:$0x5], $0x80, s12, s23, $0xb8;
	[tilespmem:$0x1CC00] =	vst v63  }
0xdb: {  	_ =	swait.ge [sflag:s21], $0x2000  }
0xdc: {  	[sflag:s21] =	ssyncset.done $0x0  }
0xdd: {  	[sflag:s21] =	ssyncadd.s32 $0xFFFFE000  }
0xde: {  	_ =	swait.ge [sflag:s29], $0x2000  }
0xdf: {  	[sflag:s29] =	ssyncset.done $0x0  }
0xe0: {  	[sflag:s29] =	ssyncadd.s32 $0xFFFFE000  }
0xe1: {  	[spmem:s2] =	stream.indirect.scatter.add.f32 [tilespmem:s24], [sflag:$0x5], $0x80, s13, s23, $0xb8;
	[tilespmem:$0x1CC00] =	vst v63  }
0xe2: {  	_ =	swait.ge [sflag:s21], $0x2000  }
0xe3: {  	[sflag:s21] =	ssyncset.done $0x0  }
0xe4: {  	[sflag:s21] =	ssyncadd.s32 $0xFFFFE000  }
0xe5: {  	_ =	swait.ge [sflag:s30], $0x2000  }
0xe6: {  	[sflag:s30] =	ssyncset.done $0x0  }
0xe7: {  	[sflag:s30] =	ssyncadd.s32 $0xFFFFE000  }
0xe8: {  	[spmem:s2] =	stream.indirect.scatter.add.f32 [tilespmem:s25], [sflag:$0x5], $0x80, s14, s23, $0xb8;
	[tilespmem:$0x1CC00] =	vst v63  }
0xe9: {  	_ =	swait.ge [sflag:s21], $0x2000  }
0xea: {  	[sflag:s21] =	ssyncset.done $0x0  }
0xeb: {  	[sflag:s21] =	ssyncadd.s32 $0xFFFFE000  }
0xec: {  	_ =	swait.ge [sflag:s31], $0x2000  }
0xed: {  	s18 =	rddreg [dreg:$0x16]  }
0xee: {  	p0 =	sne.s32 s18, $0x1  }
.Ltmp1:
0xef: {  	[sflag:s31] =	ssyncset.done $0x0;
	(pc) =	sbr.rel @!p0 .LBB2_5-.Ltmp1, $4  }
0xf0: {  	[sflag:s31] =	ssyncadd.s32 $0xFFFFE000  }
0xf1: {  	[spmem:s2] =	stream.indirect.scatter.add.f32 [tilespmem:s26], [sflag:$0x5], $0x80, s15, s23, $0xb8;
	[tilespmem:$0x1CC00] =	vst v63  }
0xf2: {  	_ =	swait.ge [sflag:s21], $0x2000  }
0xf3: {  	s17 =	sadd.s32 $0xFFFFFFFF, s18;
	s18 =	smov.u32 s6;
	[sflag:s21] =	ssyncset.done $0x0  }
.LBB2_4:
0xf4: {  	[sflag:s21] =	ssyncadd.s32 $0xFFFFE000;
	s19 =	sadd.s32 $0x100, s19  }
0xf5: {  	[tilespmem:s3], [sflag:$0x5] =	stream.linear.gather [hbm4b:s19+s3], $0x800, $0x38;
	[tilespmem:$0x1CC00] =	vst v63  }
0xf6: {  	_ =	swait.ge [sflag:s21], $0x800  }
0xf7: {  	[sflag:s21] =	ssyncset.done $0x0  }
0xf8: {  	s18 =	sadd.s32 $0x100, s18;
	[sflag:s21] =	ssyncadd.s32 $0xFFFFF800  }
0xf9: {  	[tilespmem:s22], [sflag:$0x5] =	stream.linear.gather [hbm4b:s18+s3], $0x800, $0x38;
	[tilespmem:$0x1CC00] =	vst v63  }
0xfa: {  	_ =	swait.ge [sflag:s21], $0x800  }
0xfb: {  	[sflag:s21] =	ssyncset.done $0x0  }
0xfc: {  	[sflag:s21] =	ssyncadd.s32 $0xFFFFF800  }
0xfd: {  	[tilespmem:s20], [sflag:$0x1] =	stream.indirect.gather [hbm4b:s4+s23], $0x80, s3, s23, $0xb8;
	[tilespmem:$0x1CC00] =	vst v63  }
0xfe: {  	s5 =	rddreg [dreg:$0x3]  }
0xff: {  	[tilespmem:s24], [sflag:$0x2] =	stream.indirect.gather [hbm4b:s4+s23], $0x80, s5, s23, $0xb8;
	[tilespmem:$0x1CC00] =	vst v63  }
0x100: {  	s6 =	rddreg [dreg:$0x4]  }
0x101: {  	[tilespmem:s25], [sflag:$0x3] =	stream.indirect.gather [hbm4b:s4+s23], $0x80, s6, s23, $0xb8;
	[tilespmem:$0x1CC00] =	vst v63  }
0x102: {  	s5 =	rddreg [dreg:$0x5]  }
0x103: {  	[tilespmem:s26], [sflag:$0x4] =	stream.indirect.gather [hbm4b:s4+s23], $0x80, s5, s23, $0xb8;
	[tilespmem:$0x1CC00] =	vst v63  }
0x104: {  	_ =	swait.ge [sflag:s28], $0x2000  }
0x105: {  	[sflag:s28] =	ssyncset.done $0x0  }
0x106: {  	[sflag:s28] =	ssyncadd.s32 $0xFFFFE000  }
0x107: {  	[spmem:s2] =	stream.indirect.scatter.add.f32 [tilespmem:s20], [sflag:$0x5], $0x80, s22, s23, $0xb8;
	[tilespmem:$0x1CC00] =	vst v63  }
0x108: {  	_ =	swait.ge [sflag:s21], $0x2000  }
0x109: {  	[sflag:s21] =	ssyncset.done $0x0  }
0x10a: {  	s6 =	rddreg [dreg:$0x6];
	[sflag:s21] =	ssyncadd.s32 $0xFFFFE000  }
0x10b: {  	[tilespmem:s20], [sflag:$0x1] =	stream.indirect.gather [hbm4b:s4+s23], $0x80, s6, s23, $0xb8;
	[tilespmem:$0x1CC00] =	vst v63  }
0x10c: {  	_ =	swait.ge [sflag:s29], $0x2000  }
0x10d: {  	[sflag:s29] =	ssyncset.done $0x0  }
0x10e: {  	s6 =	rddreg [dreg:$0x7];
	[sflag:s29] =	ssyncadd.s32 $0xFFFFE000  }
0x10f: {  	[spmem:s2] =	stream.indirect.scatter.add.f32 [tilespmem:s24], [sflag:$0x5], $0x80, s6, s23, $0xb8;
	[tilespmem:$0x1CC00] =	vst v63  }
0x110: {  	_ =	swait.ge [sflag:s21], $0x2000  }
0x111: {  	[sflag:s21] =	ssyncset.done $0x0  }
0x112: {  	s6 =	rddreg [dreg:$0x8];
	[sflag:s21] =	ssyncadd.s32 $0xFFFFE000  }
0x113: {  	[tilespmem:s24], [sflag:$0x2] =	stream.indirect.gather [hbm4b:s4+s23], $0x80, s6, s23, $0xb8;
	[tilespmem:$0x1CC00] =	vst v63  }
0x114: {  	_ =	swait.ge [sflag:s30], $0x2000  }
0x115: {  	[sflag:s30] =	ssyncset.done $0x0  }
0x116: {  	s6 =	rddreg [dreg:$0x9];
	[sflag:s30] =	ssyncadd.s32 $0xFFFFE000  }
0x117: {  	[spmem:s2] =	stream.indirect.scatter.add.f32 [tilespmem:s25], [sflag:$0x5], $0x80, s6, s23, $0xb8;
	[tilespmem:$0x1CC00] =	vst v63  }
0x118: {  	_ =	swait.ge [sflag:s21], $0x2000  }
0x119: {  	[sflag:s21] =	ssyncset.done $0x0  }
0x11a: {  	s6 =	rddreg [dreg:$0xa];
	[sflag:s21] =	ssyncadd.s32 $0xFFFFE000  }
0x11b: {  	[tilespmem:s25], [sflag:$0x3] =	stream.indirect.gather [hbm4b:s4+s23], $0x80, s6, s23, $0xb8;
	[tilespmem:$0x1CC00] =	vst v63  }
0x11c: {  	_ =	swait.ge [sflag:s31], $0x2000  }
0x11d: {  	[sflag:s31] =	ssyncset.done $0x0  }
0x11e: {  	s6 =	rddreg [dreg:$0xb];
	[sflag:s31] =	ssyncadd.s32 $0xFFFFE000  }
0x11f: {  	[spmem:s2] =	stream.indirect.scatter.add.f32 [tilespmem:s26], [sflag:$0x5], $0x80, s6, s23, $0xb8;
	[tilespmem:$0x1CC00] =	vst v63  }
0x120: {  	_ =	swait.ge [sflag:s21], $0x2000  }
0x121: {  	[sflag:s21] =	ssyncset.done $0x0  }
0x122: {  	s6 =	rddreg [dreg:$0xc];
	[sflag:s21] =	ssyncadd.s32 $0xFFFFE000  }
0x123: {  	[tilespmem:s26], [sflag:$0x4] =	stream.indirect.gather [hbm4b:s4+s23], $0x80, s6, s23, $0xb8;
	[tilespmem:$0x1CC00] =	vst v63  }
0x124: {  	_ =	swait.ge [sflag:s28], $0x2000  }
0x125: {  	[sflag:s28] =	ssyncset.done $0x0  }
0x126: {  	s6 =	rddreg [dreg:$0xd];
	[sflag:s28] =	ssyncadd.s32 $0xFFFFE000  }
0x127: {  	[spmem:s2] =	stream.indirect.scatter.add.f32 [tilespmem:s20], [sflag:$0x5], $0x80, s6, s23, $0xb8;
	[tilespmem:$0x1CC00] =	vst v63  }
0x128: {  	_ =	swait.ge [sflag:s21], $0x2000  }
0x129: {  	[sflag:s21] =	ssyncset.done $0x0  }
0x12a: {  	s6 =	rddreg [dreg:$0xe];
	[sflag:s21] =	ssyncadd.s32 $0xFFFFE000  }
0x12b: {  	[tilespmem:s20], [sflag:$0x1] =	stream.indirect.gather [hbm4b:s4+s23], $0x80, s6, s23, $0xb8;
	[tilespmem:$0x1CC00] =	vst v63  }
0x12c: {  	_ =	swait.ge [sflag:s29], $0x2000  }
0x12d: {  	[sflag:s29] =	ssyncset.done $0x0  }
0x12e: {  	s6 =	rddreg [dreg:$0xf];
	[sflag:s29] =	ssyncadd.s32 $0xFFFFE000  }
0x12f: {  	[spmem:s2] =	stream.indirect.scatter.add.f32 [tilespmem:s24], [sflag:$0x5], $0x80, s6, s23, $0xb8;
	[tilespmem:$0x1CC00] =	vst v63  }
0x130: {  	_ =	swait.ge [sflag:s21], $0x2000  }
0x131: {  	[sflag:s21] =	ssyncset.done $0x0  }
0x132: {  	s6 =	rddreg [dreg:$0x10];
	[sflag:s21] =	ssyncadd.s32 $0xFFFFE000  }
0x133: {  	[tilespmem:s24], [sflag:$0x2] =	stream.indirect.gather [hbm4b:s4+s23], $0x80, s6, s23, $0xb8;
	[tilespmem:$0x1CC00] =	vst v63  }
0x134: {  	_ =	swait.ge [sflag:s30], $0x2000  }
0x135: {  	[sflag:s30] =	ssyncset.done $0x0  }
0x136: {  	s6 =	rddreg [dreg:$0x11];
	[sflag:s30] =	ssyncadd.s32 $0xFFFFE000  }
0x137: {  	[spmem:s2] =	stream.indirect.scatter.add.f32 [tilespmem:s25], [sflag:$0x5], $0x80, s6, s23, $0xb8;
	[tilespmem:$0x1CC00] =	vst v63  }
0x138: {  	_ =	swait.ge [sflag:s21], $0x2000  }
0x139: {  	[sflag:s21] =	ssyncset.done $0x0  }
0x13a: {  	s6 =	rddreg [dreg:$0x12];
	[sflag:s21] =	ssyncadd.s32 $0xFFFFE000  }
0x13b: {  	[tilespmem:s25], [sflag:$0x3] =	stream.indirect.gather [hbm4b:s4+s23], $0x80, s6, s23, $0xb8;
	[tilespmem:$0x1CC00] =	vst v63  }
0x13c: {  	_ =	swait.ge [sflag:s31], $0x2000  }
0x13d: {  	[sflag:s31] =	ssyncset.done $0x0  }
0x13e: {  	s6 =	rddreg [dreg:$0x13];
	[sflag:s31] =	ssyncadd.s32 $0xFFFFE000  }
0x13f: {  	[spmem:s2] =	stream.indirect.scatter.add.f32 [tilespmem:s26], [sflag:$0x5], $0x80, s6, s23, $0xb8;
	[tilespmem:$0x1CC00] =	vst v63  }
0x140: {  	_ =	swait.ge [sflag:s21], $0x2000  }
0x141: {  	[sflag:s21] =	ssyncset.done $0x0  }
0x142: {  	s6 =	rddreg [dreg:$0x14];
	[sflag:s21] =	ssyncadd.s32 $0xFFFFE000  }
0x143: {  	[tilespmem:s26], [sflag:$0x4] =	stream.indirect.gather [hbm4b:s4+s23], $0x80, s6, s23, $0xb8;
	[tilespmem:$0x1CC00] =	vst v63  }
0x144: {  	_ =	swait.ge [sflag:s28], $0x2000  }
0x145: {  	[sflag:s28] =	ssyncset.done $0x0  }
0x146: {  	s6 =	rddreg [dreg:$0x15];
	[sflag:s28] =	ssyncadd.s32 $0xFFFFE000  }
0x147: {  	[spmem:s2] =	stream.indirect.scatter.add.f32 [tilespmem:s20], [sflag:$0x5], $0x80, s6, s23, $0xb8;
	[tilespmem:$0x1CC00] =	vst v63  }
0x148: {  	_ =	swait.ge [sflag:s21], $0x2000  }
0x149: {  	[sflag:s21] =	ssyncset.done $0x0  }
0x14a: {  	[sflag:s21] =	ssyncadd.s32 $0xFFFFE000  }
0x14b: {  	[tilespmem:s20], [sflag:$0x1] =	stream.indirect.gather [hbm4b:s4+s23], $0x80, s1, s23, $0xb8;
	[tilespmem:$0x1CC00] =	vst v63  }
0x14c: {  	_ =	swait.ge [sflag:s29], $0x2000  }
0x14d: {  	[sflag:s29] =	ssyncset.done $0x0  }
0x14e: {  	[sflag:s29] =	ssyncadd.s32 $0xFFFFE000  }
0x14f: {  	[spmem:s2] =	stream.indirect.scatter.add.f32 [tilespmem:s24], [sflag:$0x5], $0x80, s0, s23, $0xb8;
	[tilespmem:$0x1CC00] =	vst v63  }
0x150: {  	_ =	swait.ge [sflag:s21], $0x2000  }
0x151: {  	[sflag:s21] =	ssyncset.done $0x0  }
0x152: {  	[sflag:s21] =	ssyncadd.s32 $0xFFFFE000  }
0x153: {  	[tilespmem:s24], [sflag:$0x2] =	stream.indirect.gather [hbm4b:s4+s23], $0x80, s7, s23, $0xb8;
	[tilespmem:$0x1CC00] =	vst v63  }
0x154: {  	_ =	swait.ge [sflag:s30], $0x2000  }
0x155: {  	[sflag:s30] =	ssyncset.done $0x0  }
0x156: {  	[sflag:s30] =	ssyncadd.s32 $0xFFFFE000  }
0x157: {  	[spmem:s2] =	stream.indirect.scatter.add.f32 [tilespmem:s25], [sflag:$0x5], $0x80, s8, s23, $0xb8;
	[tilespmem:$0x1CC00] =	vst v63  }
0x158: {  	_ =	swait.ge [sflag:s21], $0x2000  }
0x159: {  	[sflag:s21] =	ssyncset.done $0x0  }
0x15a: {  	[sflag:s21] =	ssyncadd.s32 $0xFFFFE000  }
0x15b: {  	[tilespmem:s25], [sflag:$0x3] =	stream.indirect.gather [hbm4b:s4+s23], $0x80, s9, s23, $0xb8;
	[tilespmem:$0x1CC00] =	vst v63  }
0x15c: {  	_ =	swait.ge [sflag:s31], $0x2000  }
0x15d: {  	[sflag:s31] =	ssyncset.done $0x0  }
0x15e: {  	[sflag:s31] =	ssyncadd.s32 $0xFFFFE000  }
0x15f: {  	[spmem:s2] =	stream.indirect.scatter.add.f32 [tilespmem:s26], [sflag:$0x5], $0x80, s10, s23, $0xb8;
	[tilespmem:$0x1CC00] =	vst v63  }
0x160: {  	_ =	swait.ge [sflag:s21], $0x2000  }
0x161: {  	[sflag:s21] =	ssyncset.done $0x0  }
0x162: {  	[sflag:s21] =	ssyncadd.s32 $0xFFFFE000  }
0x163: {  	[tilespmem:s26], [sflag:$0x4] =	stream.indirect.gather [hbm4b:s4+s23], $0x80, s11, s23, $0xb8;
	[tilespmem:$0x1CC00] =	vst v63  }
0x164: {  	_ =	swait.ge [sflag:s28], $0x2000  }
0x165: {  	[sflag:s28] =	ssyncset.done $0x0  }
0x166: {  	[sflag:s28] =	ssyncadd.s32 $0xFFFFE000  }
0x167: {  	[spmem:s2] =	stream.indirect.scatter.add.f32 [tilespmem:s20], [sflag:$0x5], $0x80, s12, s23, $0xb8;
	[tilespmem:$0x1CC00] =	vst v63  }
0x168: {  	_ =	swait.ge [sflag:s21], $0x2000  }
0x169: {  	[sflag:s21] =	ssyncset.done $0x0  }
0x16a: {  	[sflag:s21] =	ssyncadd.s32 $0xFFFFE000  }
0x16b: {  	_ =	swait.ge [sflag:s29], $0x2000  }
0x16c: {  	[sflag:s29] =	ssyncset.done $0x0  }
0x16d: {  	[sflag:s29] =	ssyncadd.s32 $0xFFFFE000  }
0x16e: {  	[spmem:s2] =	stream.indirect.scatter.add.f32 [tilespmem:s24], [sflag:$0x5], $0x80, s13, s23, $0xb8;
	[tilespmem:$0x1CC00] =	vst v63  }
0x16f: {  	_ =	swait.ge [sflag:s21], $0x2000  }
0x170: {  	[sflag:s21] =	ssyncset.done $0x0  }
0x171: {  	[sflag:s21] =	ssyncadd.s32 $0xFFFFE000  }
0x172: {  	_ =	swait.ge [sflag:s30], $0x2000  }
0x173: {  	[sflag:s30] =	ssyncset.done $0x0  }
0x174: {  	[sflag:s30] =	ssyncadd.s32 $0xFFFFE000  }
0x175: {  	[spmem:s2] =	stream.indirect.scatter.add.f32 [tilespmem:s25], [sflag:$0x5], $0x80, s14, s23, $0xb8;
	[tilespmem:$0x1CC00] =	vst v63  }
0x176: {  	_ =	swait.ge [sflag:s21], $0x2000  }
0x177: {  	[sflag:s21] =	ssyncset.done $0x0  }
0x178: {  	[sflag:s21] =	ssyncadd.s32 $0xFFFFE000  }
0x179: {  	p0 =	sne.s32 s17, $0x1;
	_ =	swait.ge [sflag:s31], $0x2000  }
.Ltmp2:
0x17a: {  	[sflag:s31] =	ssyncset.done $0x0;
	(pc) =	sbr.rel @p0 .LBB2_4-.Ltmp2, $4  }
0x17b: {  	[sflag:s31] =	ssyncadd.s32 $0xFFFFE000  }
0x17c: {  	[spmem:s2] =	stream.indirect.scatter.add.f32 [tilespmem:s26], [sflag:$0x5], $0x80, s15, s23, $0xb8;
	[tilespmem:$0x1CC00] =	vst v63  }
0x17d: {  	_ =	swait.ge [sflag:s21], $0x2000  }
0x17e: {  	s17 =	sadd.s32 $0xFFFFFFFF, s17;
	[sflag:s21] =	ssyncset.done $0x0  }
.LBB2_5:
0x17f: {  	[sflag:s21] =	ssyncadd.s32 $0xFFFFE000  }
0x180: {  	s5 =	stileid.u32;
	[bflag:$0x0] =	sbarrier.arrive $0xFFFF  }
0x181: {  	s5 =	sshll.u32 s5, $0x6;
	s19 =	rddreg [dreg:$0x17]  }
0x182: {  	s5 =	sor.u32 $0x1C05, s5;
	s17 =	rddreg [dreg:$0x19];
	s6 =	sshrl.u32 s19, $0x3  }
0x183: {  	[hbm:s17], [sflag:s5] =	dma.local [spmem:s6], $0x2780  }
0x184: {  	_ =	swait.ge [sflag:s21], $0x2780  }
0x185: {  	s16 =	sadd.s32 $0x1, s16;
	s18 =	rddreg [dreg:$0x1a]  }
0x186: {  	p0 =	sne.s32 s16, s18  }
.Ltmp3:
0x187: {  	_ = 	snop;
	(pc) =	sbr.rel @p0 .LBB2_1-.Ltmp3, $3  }
0x188: {  	_ =	sdelay $0x1  }
0x189: {  	[sflag:s21] =	ssyncset.done $0x0  }
0x18a: {  	[sflag:s21] =	ssyncadd.s32 $0xFFFFD880  }
0x18b: {  	_ =	sfence.sel $0x180000  }
0x18c: {  	[bflag:$0x0] =	sbarrier.arrive $0xFFFF  }
0x18d: {  	_ =	strace $0x9000004A  }
0x18e: {  	s0 =	stileid.u32;
	[bflag:$0x2] =	sbarrier.arrive $0xFFFF  }
0x18f: {  	p0 =	sne.s32 s0, $0x0;
	s0 =	rddreg [dreg:$0x2]  }
0x190: {  	s0 =	sadd.s32 @!p0 $0x100000, s0  }
0x191: {  	[sflag:s0] =	ssyncadd.tile.s32 @!p0 $0x1;
	_ =	shalt  }
.Lfunc_end2:
_tile_overlayer_lowered:
.L_overlay_start_2:
0x192: {  	(tag) =	ssettag $0x2  }
0x193: {  	s0 =	rddreg [dreg:$0x0];
	s2 =	stileid.u32  }
0x194: {  	s1 =	rddreg [dreg:$0x1];
	p0 =	sne.s32 s2, $0x0  }
0x195: {  	s3 =	rddreg [dreg:$0x2];
	[bflag:$0x3] =	sbarrier.arrive $0xFFFF;
	s2 =	simm.s32 @!p0 $0x1C05  }
0x196: {  	[timem:s3], [sflag:s2] =	dma.local @!p0 [hbm:s0], s1  }
0x197: {  	s0 =	simm.s32 @!p0 $0x5  }
0x198: {  	_ =	swait.ge @!p0 [sflag:s0], s1  }
0x199: {  	s1 =	ssub.s32 @!p0 $0x0, s1;
	[sflag:s0] =	ssyncset.done @!p0 $0x0  }
0x19a: {  	[sflag:s0] =	ssyncadd.s32 @!p0 s1  }
0x19b: {  	[bflag:$0x3] =	sbarrier.arrive $0xFFFF  }
0x19c: {  	_ =	shalt  }

</sc_bundles>
